<compile_context>
chip_gen: v7x
topology: tpu7x:2x2x1
jax: 0.10.2.dev20260603
libtpu: 0.0.44.dev20260713+nightly
codegen_flags: <defaults>
</compile_context>

<pallas_src>
import functools
import jax
import jax.numpy as jnp
from jax import lax
from jax.experimental import pallas as pl
from jax.experimental.pallas import tpu as pltpu
from jax.experimental.pallas import tpu_sc as plsc

NC = 2
NS = 16
NW = NC * NS
LANES = 16
CHUNK = 128


def _mesh():
    return plsc.VectorSubcoreMesh(
        core_axis_name="c", subcore_axis_name="s", num_cores=NC, num_subcores=NS
    )



DW = 128


GD = 8


def _deg_body(n_acc, tpc, dstb_hbm, ones_hbm, z_hbm, out_hbm,
              dst_v, ones_v, acc_sh, sem):
    c = lax.axis_index("c")
    s = lax.axis_index("s")
    wid = c * NS + s
    rp = n_acc // NS
    pltpu.sync_copy(z_hbm, acc_sh.at[pl.ds(s * rp, rp)])
    pltpu.sync_copy(dstb_hbm.at[wid], dst_v)
    pltpu.sync_copy(ones_hbm, ones_v)
    plsc.subcore_barrier()

    def _issue(g):
        for k in range(GD):
            pltpu.async_copy(ones_v, acc_sh.at[dst_v.at[g * GD + k]], sem,
                             add=True)

    def _drain():
        for k in range(GD):
            pltpu.make_async_copy(ones_v, acc_sh.at[dst_v.at[0]], sem).wait()

    _issue(0)

    def body(i, carry):
        _issue(i + 1)
        _drain()
        return carry

    lax.fori_loop(0, tpc // GD - 1, body, 0)
    _drain()
    plsc.subcore_barrier()
    pltpu.sync_copy(acc_sh.at[pl.ds(s * rp, rp)], out_hbm.at[c, pl.ds(s * rp, rp)])


def _deg_call(dstb, n_acc, tpc):
    body = functools.partial(_deg_body, n_acc, tpc)
    ones = jnp.ones((CHUNK, DW), jnp.float32)
    zb = jnp.zeros((n_acc // NS, DW), jnp.float32)
    return pl.kernel(
        body,
        out_type=jax.ShapeDtypeStruct((NC, n_acc, DW), jnp.float32),
        mesh=_mesh(),
        scratch_types=[
            pltpu.VMEM((tpc + 8, CHUNK), jnp.int32),
            pltpu.VMEM((CHUNK, DW), jnp.float32),
            pltpu.VMEM_SHARED((n_acc, DW), jnp.float32),
            pltpu.SemaphoreType.DMA,
        ],
    )(dstb, ones, zb)



def _mp_body(n_acc, tpc, xs_hbm, srcb_hbm, dstb_hbm, z_hbm, out_hbm,
             src_v, dst_v, rows_a, rows_b, acc_sh, sem_a, sem_b):
    c = lax.axis_index("c")
    s = lax.axis_index("s")
    wid = c * NS + s
    rp = n_acc // NS
    hp = tpc // 2
    pltpu.sync_copy(z_hbm, acc_sh.at[pl.ds(s * rp, rp)])
    plsc.subcore_barrier()

    def _gather(j, buf, sem):
        pltpu.async_copy(xs_hbm.at[src_v.at[j]], buf, sem)

    def _wait(j, buf, sem):
        pltpu.make_async_copy(xs_hbm.at[src_v.at[j]], buf, sem).wait()

    def _step(j, buf_cur, sem_cur, buf_nxt, sem_nxt):
        _gather(j + 1, buf_nxt, sem_nxt)
        _wait(j, buf_cur, sem_cur)
        pltpu.sync_copy(buf_cur, acc_sh.at[dst_v.at[j]], add=True)

    def body(i, carry):
        j = 2 * i
        _step(j, rows_a, sem_a, rows_b, sem_b)
        _step(j + 1, rows_b, sem_b, rows_a, sem_a)
        return carry

    for p in range(2):
        base = p * hp
        pltpu.sync_copy(srcb_hbm.at[wid, pl.ds(base, hp + 8)], src_v)
        pltpu.sync_copy(dstb_hbm.at[wid, pl.ds(base, hp + 8)], dst_v)
        _gather(0, rows_a, sem_a)
        lax.fori_loop(0, hp // 2, body, 0)
        _wait(hp, rows_a, sem_a)

    plsc.subcore_barrier()
    pltpu.sync_copy(acc_sh.at[pl.ds(s * rp, rp)], out_hbm.at[c, pl.ds(s * rp, rp)])


def _mp_call(xs, srcb, dstb, zeros_blk, n_acc, tpc):
    h = xs.shape[1]
    body = functools.partial(_mp_body, n_acc, tpc)
    return pl.kernel(
        body,
        out_type=jax.ShapeDtypeStruct((NC, n_acc, h), jnp.float32),
        mesh=_mesh(),
        scratch_types=[
            pltpu.VMEM((tpc // 2 + 8, CHUNK), jnp.int32),
            pltpu.VMEM((tpc // 2 + 8, CHUNK), jnp.int32),
            pltpu.VMEM((CHUNK, h), jnp.float32),
            pltpu.VMEM((CHUNK, h), jnp.float32),
            pltpu.VMEM_SHARED((n_acc, h), jnp.float32),
            pltpu.SemaphoreType.DMA,
            pltpu.SemaphoreType.DMA,
        ],
    )(xs, srcb, dstb, zeros_blk)



def _tc_a_body(x_ref, degp_ref, w1_ref, xs_ref, dinv_ref):
    deg = jnp.sum(degp_ref[...], axis=(0, 2)) * (1.0 / DW) + 1.0
    dinv = lax.rsqrt(deg)[:, None]
    dinv_ref[...] = dinv
    xw = jnp.dot(x_ref[...], w1_ref[...], preferred_element_type=jnp.float32)
    xs_ref[...] = xw * dinv


def _tc_a(x, deg_parts, w1, bn):
    n, d = x.shape
    h = w1.shape[1]
    grid = n // bn
    return pl.pallas_call(
        _tc_a_body,
        grid=(grid,),
        in_specs=[
            pl.BlockSpec((bn, d), lambda i: (i, 0)),
            pl.BlockSpec((NC, bn, DW), lambda i: (0, i, 0)),
            pl.BlockSpec((d, h), lambda i: (0, 0)),
        ],
        out_specs=[
            pl.BlockSpec((bn, h), lambda i: (i, 0)),
            pl.BlockSpec((bn, 1), lambda i: (i, 0)),
        ],
        out_shape=[
            jax.ShapeDtypeStruct((n, h), jnp.float32),
            jax.ShapeDtypeStruct((n, 1), jnp.float32),
        ],
    )(x, deg_parts, w1)


def _tc_b_body(acc_ref, xs_ref, dinv_ref, b1_ref, w2_ref, xs2_ref):
    dinv = dinv_ref[...]
    pre = (acc_ref[0] + acc_ref[1] + xs_ref[...]) * dinv + b1_ref[...][None, :]
    h1 = jnp.maximum(pre, 0.0)
    xw2 = jnp.dot(h1, w2_ref[...], preferred_element_type=jnp.float32)
    xs2_ref[...] = xw2 * dinv


def _tc_b(acc1, xs1, dinv, b1, w2, bn):
    n, h = xs1.shape
    grid = n // bn
    return pl.pallas_call(
        _tc_b_body,
        grid=(grid,),
        in_specs=[
            pl.BlockSpec((NC, bn, h), lambda i: (0, i, 0)),
            pl.BlockSpec((bn, h), lambda i: (i, 0)),
            pl.BlockSpec((bn, 1), lambda i: (i, 0)),
            pl.BlockSpec((h,), lambda i: (0,)),
            pl.BlockSpec((h, h), lambda i: (0, 0)),
        ],
        out_specs=pl.BlockSpec((bn, h), lambda i: (i, 0)),
        out_shape=jax.ShapeDtypeStruct((n, h), jnp.float32),
    )(acc1, xs1, dinv, b1, w2)


def _tc_c_body(g, acc_ref, xs_ref, dinv_ref, b2_ref, batch_ref, wlin_ref,
               blin_ref, out_ref, pooled_ref, cnt_ref):
    i = pl.program_id(0)
    nb = pl.num_programs(0)
    bn = xs_ref.shape[0]
    pre = (acc_ref[0] + acc_ref[1] + xs_ref[...]) * dinv_ref[...] + b2_ref[...][None, :]
    h2 = jnp.maximum(pre, 0.0)
    oh = (batch_ref[...] ==
          lax.broadcasted_iota(jnp.int32, (1, g), 1)).astype(jnp.float32)

    @pl.when(i == 0)
    def _():
        pooled_ref[...] = jnp.zeros_like(pooled_ref)
        cnt_ref[...] = jnp.zeros_like(cnt_ref)

    pooled_ref[...] += lax.dot_general(
        oh, h2, dimension_numbers=(((0,), (0,)), ((), ())),
        preferred_element_type=jnp.float32)
    cnt_ref[...] += lax.dot_general(
        oh, jnp.ones((bn, 1), jnp.float32),
        dimension_numbers=(((0,), (0,)), ((), ())),
        preferred_element_type=jnp.float32)

    @pl.when(i == nb - 1)
    def _():
        mean = pooled_ref[...] / jnp.maximum(cnt_ref[...], 1.0)
        out_ref[...] = jnp.dot(mean, wlin_ref[...],
                               preferred_element_type=jnp.float32) + blin_ref[...][None, :]


def _tc_c(acc2, xs2, dinv, b2, batch_col, wlin, blin, bn):
    n, h = xs2.shape
    g_graphs = 64
    c_cls = wlin.shape[1]
    grid = n // bn
    body = functools.partial(_tc_c_body, g_graphs)
    return pl.pallas_call(
        body,
        grid=(grid,),
        in_specs=[
            pl.BlockSpec((NC, bn, h), lambda i: (0, i, 0)),
            pl.BlockSpec((bn, h), lambda i: (i, 0)),
            pl.BlockSpec((bn, 1), lambda i: (i, 0)),
            pl.BlockSpec((h,), lambda i: (0,)),
            pl.BlockSpec((bn, 1), lambda i: (i, 0)),
            pl.BlockSpec((h, c_cls), lambda i: (0, 0)),
            pl.BlockSpec((c_cls,), lambda i: (0,)),
        ],
        out_specs=pl.BlockSpec((g_graphs, c_cls), lambda i: (0, 0)),
        out_shape=jax.ShapeDtypeStruct((g_graphs, c_cls), jnp.float32),
        scratch_shapes=[
            pltpu.VMEM((g_graphs, h), jnp.float32),
            pltpu.VMEM((g_graphs, 1), jnp.float32),
        ],
    )(acc2, xs2, dinv, b2, batch_col, wlin, blin)



def kernel(x, edge_index, batch, W1, b1, W2, b2, Wlin, blin):
    n, d = x.shape
    h = W1.shape[1]
    e = edge_index.shape[1]

    n_acc = (n + 1 + NS * 8 - 1) // (NS * 8) * (NS * 8)
    epg = NW * CHUNK
    tpc = (e + epg - 1) // epg
    tpc = (tpc + 15) // 16 * 16
    e_pad = tpc * epg

    src = edge_index[0]
    dst = edge_index[1]
    npad = e_pad - e
    pad_idx = jnp.arange(npad, dtype=jnp.int32)
    src_p = jnp.concatenate([src, pad_idx % n]).reshape(NW, tpc, CHUNK)
    dst_p = jnp.concatenate([dst, n + pad_idx % (n_acc - n)]).reshape(NW, tpc, CHUNK)
    dumb = jnp.broadcast_to(jnp.arange(CHUNK, dtype=jnp.int32), (NW, 8, CHUNK))
    srcb = jnp.concatenate([src_p, dumb], axis=1)
    dstb = jnp.concatenate([dst_p, n + dumb % (n_acc - n)], axis=1)
    zeros_blk = jnp.zeros((n_acc // NS, h), jnp.float32)

    deg_parts = _deg_call(dstb, n_acc, tpc)

    bn = 2000
    xs1, dinv = _tc_a(x, deg_parts, W1, bn)
    acc1 = _mp_call(xs1, srcb, dstb, zeros_blk, n_acc, tpc)
    xs2 = _tc_b(acc1, xs1, dinv, b1, W2, bn)
    acc2 = _mp_call(xs2, srcb, dstb, zeros_blk, n_acc, tpc)
    return _tc_c(acc2, xs2, dinv, b2, batch[:, None], Wlin, blin, bn)

# --- scband reference (transcript-rebuilt; emitter-appended) ---
"""Pipeline reference for scband-gcnclassifier-18056042512835 (READ-ONLY COPY).

The authoritative reference and input builder live on the scoring server;
editing this copy changes nothing except your own understanding.
"""

import jax, jax.numpy as jnp
import numpy as np

N = 10000   # n_nodes
E = 320000  # n_edges
D = 128     # in_channels
H = 128     # hidden_channels
C = 10      # num_classes
G = 64      # num graphs in batch


def gcn_conv(x, src, dst, W, b, n):
    # PyG GCNConv: add self-loops, symmetric normalization, linear transform, scatter-add
    loop = jnp.arange(n, dtype=src.dtype)
    src_l = jnp.concatenate([src, loop])
    dst_l = jnp.concatenate([dst, loop])
    deg = jax.ops.segment_sum(jnp.ones_like(dst_l, dtype=x.dtype), dst_l, num_segments=n)
    dinv = jnp.where(deg > 0, deg ** -0.5, 0.0)
    norm = dinv[src_l] * dinv[dst_l]
    xw = x @ W
    msg = xw[src_l] * norm[:, None]
    out = jax.ops.segment_sum(msg, dst_l, num_segments=n)
    return out + b


def global_mean_pool(x, batch, g):
    sums = jax.ops.segment_sum(x, batch, num_segments=g)
    cnts = jax.ops.segment_sum(jnp.ones((x.shape[0],), dtype=x.dtype), batch, num_segments=g)
    return sums / jnp.maximum(cnts, 1.0)[:, None]


def setup_inputs(seed: int = 0) -> dict:
    key = jax.random.key(seed)
    ks = jax.random.split(key, 10)
    x = jax.random.normal(ks[0], (N, D), dtype=jnp.float32)
    edge_index = jax.random.randint(ks[1], (2, E), 0, N, dtype=jnp.int32)
    batch = jnp.sort(jax.random.randint(ks[2], (N,), 0, G, dtype=jnp.int32))
    W1 = jax.random.normal(ks[3], (D, H), dtype=jnp.float32) * (1.0 / np.sqrt(D))
    b1 = jnp.zeros((H,), dtype=jnp.float32)
    W2 = jax.random.normal(ks[4], (H, H), dtype=jnp.float32) * (1.0 / np.sqrt(H))
    b2 = jnp.zeros((H,), dtype=jnp.float32)
    Wlin = jax.random.normal(ks[5], (H, C), dtype=jnp.float32) * (1.0 / np.sqrt(H))
    blin = jnp.zeros((C,), dtype=jnp.float32)
    return {"x": x, "edge_index": edge_index, "batch": batch,
            "W1": W1, "b1": b1, "W2": W2, "b2": b2, "Wlin": Wlin, "blin": blin}


def reference(x, edge_index, batch, W1, b1, W2, b2, Wlin, blin):
    src, dst = edge_index[0], edge_index[1]
    h = jax.nn.relu(gcn_conv(x, src, dst, W1, b1, N))
    h = jax.nn.relu(gcn_conv(h, src, dst, W2, b2, N))
    pooled = global_mean_pool(h, batch, G)
    return pooled @ Wlin + blin

if __name__ == "__main__":
    import jax
    _d = setup_inputs()
    print(jax.jit(kernel)(*tuple(_d.values())))

</pallas_src>

<mosaic_0001>
#map = affine_map<(d0, d1) -> (0, 0)>
#map1 = affine_map<(d0, d1) -> (0, 0, 0)>
module attributes {stable_mosaic.version = 14 : i64} {
  func.func @_mp_body(%arg0: i32, %arg1: i32, %arg2: memref<10000x128xf32, #tpu.memory_space<hbm>>, %arg3: memref<32x88x128xi32, #tpu.memory_space<hbm>>, %arg4: memref<32x88x128xi32, #tpu.memory_space<hbm>>, %arg5: memref<632x128xf32, #tpu.memory_space<hbm>>, %arg6: memref<2x10112x128xf32, #tpu.memory_space<hbm>>, %arg7: memref<48x128xi32, #tpu.memory_space<vmem>>, %arg8: memref<48x128xi32, #tpu.memory_space<vmem>>, %arg9: memref<128x128xf32, #tpu.memory_space<vmem>>, %arg10: memref<128x128xf32, #tpu.memory_space<vmem>>, %arg11: memref<10112x128xf32, #tpu.memory_space<vmem_shared>>, %arg12: memref<!tpu.dma_semaphore, #tpu.memory_space<semaphore_mem>>, %arg13: memref<!tpu.dma_semaphore, #tpu.memory_space<semaphore_mem>>) attributes {dimension_semantics = [#tpu.dimension_semantics<core_parallel>, #tpu.dimension_semantics<subcore_parallel>], iteration_bounds = array<i64: 2, 16>, scalar_prefetch = 0 : i64, scratch_operands = 7 : i64, tpu.core_type = #tpu.core_type<sc_vector_subcore>, window_params = [{transform_indices = #map}, {transform_indices = #map1}, {transform_indices = #map1}, {transform_indices = #map}, {transform_indices = #map1}]} {
    %mul3A = arith.constant 16 : i32
    %mul3A_0 = arith.muli %arg0, %mul3A : i32
    %add3A = arith.addi %mul3A_0, %arg1 : i32
    %mul3A_1 = arith.constant 632 : i32
    %mul3A_2 = arith.muli %arg1, %mul3A_1 : i32
    "tpu.region"() ({
      %run_scoped3A = tpu.sem_alloc : memref<!tpu.dma_semaphore, #tpu.memory_space<semaphore_mem>>
      %dma_start3A_45 = arith.constant 0 : i32
      %dma_start3A_46 = tpu.memref_slice %arg11[%mul3A_2, %dma_start3A_45] : memref<10112x128xf32, #tpu.memory_space<vmem_shared>> -> memref<632x128xf32, #tpu.memory_space<vmem_shared>>
      tpu.enqueue_dma source(%arg5 : memref<632x128xf32, #tpu.memory_space<hbm>>) target(%dma_start3A_46 : memref<632x128xf32, #tpu.memory_space<vmem_shared>>) target_semaphore(%run_scoped3A : memref<!tpu.dma_semaphore, #tpu.memory_space<semaphore_mem>>)
      %dma_wait3A_47 = arith.constant 0 : i32
      %dma_wait3A_48 = tpu.memref_slice %arg11[%mul3A_2, %dma_wait3A_47] : memref<10112x128xf32, #tpu.memory_space<vmem_shared>> -> memref<632x128xf32, #tpu.memory_space<vmem_shared>>
      tpu.wait_dma2 semaphore(%run_scoped3A : memref<!tpu.dma_semaphore, #tpu.memory_space<semaphore_mem>>) src(%arg5 : memref<632x128xf32, #tpu.memory_space<hbm>>) dst(%dma_wait3A_48 : memref<632x128xf32, #tpu.memory_space<vmem_shared>>)
      tpu.yield
    }) : () -> ()
    %barrier3A = arith.constant 0 : index
    tpu.barrier barrier_id(%barrier3A)
    "tpu.region"() ({
      %run_scoped3A = tpu.sem_alloc : memref<!tpu.dma_semaphore, #tpu.memory_space<semaphore_mem>>
      %dma_start3A_45 = arith.constant 0 : i32
      %dma_start3A_46 = arith.constant 0 : i32
      %dma_start3A_47 = tpu.memref_slice %arg3[%add3A, %dma_start3A_45, %dma_start3A_46] : memref<32x88x128xi32, #tpu.memory_space<hbm>> -> memref<1x48x128xi32, #tpu.memory_space<hbm>>
      %dma_start3A_48 = tpu.memref_squeeze %dma_start3A_47 : memref<1x48x128xi32, #tpu.memory_space<hbm>> -> memref<48x128xi32, #tpu.memory_space<hbm>>
      %dma_start3A_49 = arith.constant 0 : i32
      %dma_start3A_50 = arith.constant 0 : i32
      %dma_start3A_51 = tpu.memref_slice %arg3[%add3A, %dma_start3A_49, %dma_start3A_50] : memref<32x88x128xi32, #tpu.memory_space<hbm>> -> memref<1x48x128xi32, #tpu.memory_space<hbm>>
      %dma_start3A_52 = tpu.memref_squeeze %dma_start3A_51 : memref<1x48x128xi32, #tpu.memory_space<hbm>> -> memref<48x128xi32, #tpu.memory_space<hbm>>
      tpu.enqueue_dma source(%dma_start3A_52 : memref<48x128xi32, #tpu.memory_space<hbm>>) target(%arg7 : memref<48x128xi32, #tpu.memory_space<vmem>>) target_semaphore(%run_scoped3A : memref<!tpu.dma_semaphore, #tpu.memory_space<semaphore_mem>>)
      %dma_wait3A_53 = arith.constant 0 : i32
      %dma_wait3A_54 = arith.constant 0 : i32
      %dma_wait3A_55 = tpu.memref_slice %arg3[%add3A, %dma_wait3A_53, %dma_wait3A_54] : memref<32x88x128xi32, #tpu.memory_space<hbm>> -> memref<1x48x128xi32, #tpu.memory_space<hbm>>
      %dma_wait3A_56 = tpu.memref_squeeze %dma_wait3A_55 : memref<1x48x128xi32, #tpu.memory_space<hbm>> -> memref<48x128xi32, #tpu.memory_space<hbm>>
      %dma_wait3A_57 = arith.constant 0 : i32
      %dma_wait3A_58 = arith.constant 0 : i32
      %dma_wait3A_59 = tpu.memref_slice %arg3[%add3A, %dma_wait3A_57, %dma_wait3A_58] : memref<32x88x128xi32, #tpu.memory_space<hbm>> -> memref<1x48x128xi32, #tpu.memory_space<hbm>>
      %dma_wait3A_60 = tpu.memref_squeeze %dma_wait3A_59 : memref<1x48x128xi32, #tpu.memory_space<hbm>> -> memref<48x128xi32, #tpu.memory_space<hbm>>
      tpu.wait_dma2 semaphore(%run_scoped3A : memref<!tpu.dma_semaphore, #tpu.memory_space<semaphore_mem>>) src(%dma_wait3A_60 : memref<48x128xi32, #tpu.memory_space<hbm>>) dst(%arg7 : memref<48x128xi32, #tpu.memory_space<vmem>>)
      tpu.yield
    }) : () -> ()
    "tpu.region"() ({
      %run_scoped3A = tpu.sem_alloc : memref<!tpu.dma_semaphore, #tpu.memory_space<semaphore_mem>>
      %dma_start3A_45 = arith.constant 0 : i32
      %dma_start3A_46 = arith.constant 0 : i32
      %dma_start3A_47 = tpu.memref_slice %arg4[%add3A, %dma_start3A_45, %dma_start3A_46] : memref<32x88x128xi32, #tpu.memory_space<hbm>> -> memref<1x48x128xi32, #tpu.memory_space<hbm>>
      %dma_start3A_48 = tpu.memref_squeeze %dma_start3A_47 : memref<1x48x128xi32, #tpu.memory_space<hbm>> -> memref<48x128xi32, #tpu.memory_space<hbm>>
      %dma_start3A_49 = arith.constant 0 : i32
      %dma_start3A_50 = arith.constant 0 : i32
      %dma_start3A_51 = tpu.memref_slice %arg4[%add3A, %dma_start3A_49, %dma_start3A_50] : memref<32x88x128xi32, #tpu.memory_space<hbm>> -> memref<1x48x128xi32, #tpu.memory_space<hbm>>
      %dma_start3A_52 = tpu.memref_squeeze %dma_start3A_51 : memref<1x48x128xi32, #tpu.memory_space<hbm>> -> memref<48x128xi32, #tpu.memory_space<hbm>>
      tpu.enqueue_dma source(%dma_start3A_52 : memref<48x128xi32, #tpu.memory_space<hbm>>) target(%arg8 : memref<48x128xi32, #tpu.memory_space<vmem>>) target_semaphore(%run_scoped3A : memref<!tpu.dma_semaphore, #tpu.memory_space<semaphore_mem>>)
      %dma_wait3A_53 = arith.constant 0 : i32
      %dma_wait3A_54 = arith.constant 0 : i32
      %dma_wait3A_55 = tpu.memref_slice %arg4[%add3A, %dma_wait3A_53, %dma_wait3A_54] : memref<32x88x128xi32, #tpu.memory_space<hbm>> -> memref<1x48x128xi32, #tpu.memory_space<hbm>>
      %dma_wait3A_56 = tpu.memref_squeeze %dma_wait3A_55 : memref<1x48x128xi32, #tpu.memory_space<hbm>> -> memref<48x128xi32, #tpu.memory_space<hbm>>
      %dma_wait3A_57 = arith.constant 0 : i32
      %dma_wait3A_58 = arith.constant 0 : i32
      %dma_wait3A_59 = tpu.memref_slice %arg4[%add3A, %dma_wait3A_57, %dma_wait3A_58] : memref<32x88x128xi32, #tpu.memory_space<hbm>> -> memref<1x48x128xi32, #tpu.memory_space<hbm>>
      %dma_wait3A_60 = tpu.memref_squeeze %dma_wait3A_59 : memref<1x48x128xi32, #tpu.memory_space<hbm>> -> memref<48x128xi32, #tpu.memory_space<hbm>>
      tpu.wait_dma2 semaphore(%run_scoped3A : memref<!tpu.dma_semaphore, #tpu.memory_space<semaphore_mem>>) src(%dma_wait3A_60 : memref<48x128xi32, #tpu.memory_space<hbm>>) dst(%arg8 : memref<48x128xi32, #tpu.memory_space<vmem>>)
      tpu.yield
    }) : () -> ()
    %dma_start3A = arith.constant 0 : i32
    %dma_start3A_3 = arith.constant 0 : i32
    %dma_start3A_4 = tpu.memref_slice %arg7[%dma_start3A, %dma_start3A_3] : memref<48x128xi32, #tpu.memory_space<vmem>> -> memref<1x128xi32, #tpu.memory_space<vmem>>
    %dma_start3A_5 = tpu.memref_squeeze %dma_start3A_4 : memref<1x128xi32, #tpu.memory_space<vmem>> -> memref<128xi32, #tpu.memory_space<vmem>>
    %dma_start3A_6 = arith.constant 0 : i32
    %dma_start3A_7 = arith.constant 0 : i32
    %dma_start3A_8 = tpu.memref_slice %arg2[%dma_start3A_6, %dma_start3A_7] : memref<10000x128xf32, #tpu.memory_space<hbm>> -> memref<10000x128xf32, #tpu.memory_space<hbm>>
    tpu.enqueue_indirect_dma source(%dma_start3A_8 : memref<10000x128xf32, #tpu.memory_space<hbm>>) target(%arg9 : memref<128x128xf32, #tpu.memory_space<vmem>>) offsets(%dma_start3A_5 : memref<128xi32, #tpu.memory_space<vmem>>) semaphore(%arg12 : memref<!tpu.dma_semaphore, #tpu.memory_space<semaphore_mem>>)
    %scan3A = arith.constant 0 : i32
    %scan3A_9 = arith.constant 0 : i32
    %scan3A_10 = arith.constant 20 : i32
    %scan3A_11 = arith.addi %scan3A_9, %scan3A_10 : i32
    %scan3A_12 = arith.constant 1 : i32
    scf.for %scan3A_45 = %scan3A_9 to %scan3A_11 step %scan3A_12  : i32 {
      %mul3A_46 = arith.constant 2 : i32
      %mul3A_47 = arith.muli %mul3A_46, %scan3A_45 : i32
      %add3A_48 = arith.constant 1 : i32
      %add3A_49 = arith.addi %mul3A_47, %add3A_48 : i32
      %dma_start3A_50 = arith.constant 0 : i32
      %dma_start3A_51 = tpu.memref_slice %arg7[%add3A_49, %dma_start3A_50] : memref<48x128xi32, #tpu.memory_space<vmem>> -> memref<1x128xi32, #tpu.memory_space<vmem>>
      %dma_start3A_52 = tpu.memref_squeeze %dma_start3A_51 : memref<1x128xi32, #tpu.memory_space<vmem>> -> memref<128xi32, #tpu.memory_space<vmem>>
      %dma_start3A_53 = arith.constant 0 : i32
      %dma_start3A_54 = arith.constant 0 : i32
      %dma_start3A_55 = tpu.memref_slice %arg2[%dma_start3A_53, %dma_start3A_54] : memref<10000x128xf32, #tpu.memory_space<hbm>> -> memref<10000x128xf32, #tpu.memory_space<hbm>>
      tpu.enqueue_indirect_dma source(%dma_start3A_55 : memref<10000x128xf32, #tpu.memory_space<hbm>>) target(%arg10 : memref<128x128xf32, #tpu.memory_space<vmem>>) offsets(%dma_start3A_52 : memref<128xi32, #tpu.memory_space<vmem>>) semaphore(%arg13 : memref<!tpu.dma_semaphore, #tpu.memory_space<semaphore_mem>>)
      %dma_wait3A_56 = arith.constant 0 : i32
      %dma_wait3A_57 = tpu.memref_slice %arg7[%mul3A_47, %dma_wait3A_56] : memref<48x128xi32, #tpu.memory_space<vmem>> -> memref<1x128xi32, #tpu.memory_space<vmem>>
      %dma_wait3A_58 = tpu.memref_squeeze %dma_wait3A_57 : memref<1x128xi32, #tpu.memory_space<vmem>> -> memref<128xi32, #tpu.memory_space<vmem>>
      %dma_wait3A_59 = arith.constant 0 : i32
      %dma_wait3A_60 = arith.constant 0 : i32
      %dma_wait3A_61 = tpu.memref_slice %arg2[%dma_wait3A_59, %dma_wait3A_60] : memref<10000x128xf32, #tpu.memory_space<hbm>> -> memref<10000x128xf32, #tpu.memory_space<hbm>>
      tpu.wait_indirect_dma semaphore(%arg12 : memref<!tpu.dma_semaphore, #tpu.memory_space<semaphore_mem>>) src(%dma_wait3A_61 : memref<10000x128xf32, #tpu.memory_space<hbm>>) dst(%arg9 : memref<128x128xf32, #tpu.memory_space<vmem>>)
      "tpu.region"() ({
        %run_scoped3A = tpu.sem_alloc : memref<!tpu.dma_semaphore, #tpu.memory_space<semaphore_mem>>
        %dma_start3A_78 = arith.constant 0 : i32
        %dma_start3A_79 = tpu.memref_slice %arg8[%mul3A_47, %dma_start3A_78] : memref<48x128xi32, #tpu.memory_space<vmem>> -> memref<1x128xi32, #tpu.memory_space<vmem>>
        %dma_start3A_80 = tpu.memref_squeeze %dma_start3A_79 : memref<1x128xi32, #tpu.memory_space<vmem>> -> memref<128xi32, #tpu.memory_space<vmem>>
        %dma_start3A_81 = arith.constant 0 : i32
        %dma_start3A_82 = arith.constant 0 : i32
        %dma_start3A_83 = tpu.memref_slice %arg11[%dma_start3A_81, %dma_start3A_82] : memref<10112x128xf32, #tpu.memory_space<vmem_shared>> -> memref<10112x128xf32, #tpu.memory_space<vmem_shared>>
        tpu.enqueue_indirect_dma source(%arg9 : memref<128x128xf32, #tpu.memory_space<vmem>>) target(%dma_start3A_83 : memref<10112x128xf32, #tpu.memory_space<vmem_shared>>) offsets(%dma_start3A_80 : memref<128xi32, #tpu.memory_space<vmem>>) semaphore(%run_scoped3A : memref<!tpu.dma_semaphore, #tpu.memory_space<semaphore_mem>>) {add = true}
        %dma_wait3A_84 = arith.constant 0 : i32
        %dma_wait3A_85 = tpu.memref_slice %arg8[%mul3A_47, %dma_wait3A_84] : memref<48x128xi32, #tpu.memory_space<vmem>> -> memref<1x128xi32, #tpu.memory_space<vmem>>
        %dma_wait3A_86 = tpu.memref_squeeze %dma_wait3A_85 : memref<1x128xi32, #tpu.memory_space<vmem>> -> memref<128xi32, #tpu.memory_space<vmem>>
        %dma_wait3A_87 = arith.constant 0 : i32
        %dma_wait3A_88 = arith.constant 0 : i32
        %dma_wait3A_89 = tpu.memref_slice %arg11[%dma_wait3A_87, %dma_wait3A_88] : memref<10112x128xf32, #tpu.memory_space<vmem_shared>> -> memref<10112x128xf32, #tpu.memory_space<vmem_shared>>
        tpu.wait_indirect_dma semaphore(%run_scoped3A : memref<!tpu.dma_semaphore, #tpu.memory_space<semaphore_mem>>) src(%arg9 : memref<128x128xf32, #tpu.memory_space<vmem>>) dst(%dma_wait3A_89 : memref<10112x128xf32, #tpu.memory_space<vmem_shared>>)
        tpu.yield
      }) : () -> ()
      %add3A_62 = arith.constant 1 : i32
      %add3A_63 = arith.addi %mul3A_47, %add3A_62 : i32
      %add3A_64 = arith.constant 1 : i32
      %add3A_65 = arith.addi %add3A_63, %add3A_64 : i32
      %dma_start3A_66 = arith.constant 0 : i32
      %dma_start3A_67 = tpu.memref_slice %arg7[%add3A_65, %dma_start3A_66] : memref<48x128xi32, #tpu.memory_space<vmem>> -> memref<1x128xi32, #tpu.memory_space<vmem>>
      %dma_start3A_68 = tpu.memref_squeeze %dma_start3A_67 : memref<1x128xi32, #tpu.memory_space<vmem>> -> memref<128xi32, #tpu.memory_space<vmem>>
      %dma_start3A_69 = arith.constant 0 : i32
      %dma_start3A_70 = arith.constant 0 : i32
      %dma_start3A_71 = tpu.memref_slice %arg2[%dma_start3A_69, %dma_start3A_70] : memref<10000x128xf32, #tpu.memory_space<hbm>> -> memref<10000x128xf32, #tpu.memory_space<hbm>>
      tpu.enqueue_indirect_dma source(%dma_start3A_71 : memref<10000x128xf32, #tpu.memory_space<hbm>>) target(%arg9 : memref<128x128xf32, #tpu.memory_space<vmem>>) offsets(%dma_start3A_68 : memref<128xi32, #tpu.memory_space<vmem>>) semaphore(%arg12 : memref<!tpu.dma_semaphore, #tpu.memory_space<semaphore_mem>>)
      %dma_wait3A_72 = arith.constant 0 : i32
      %dma_wait3A_73 = tpu.memref_slice %arg7[%add3A_63, %dma_wait3A_72] : memref<48x128xi32, #tpu.memory_space<vmem>> -> memref<1x128xi32, #tpu.memory_space<vmem>>
      %dma_wait3A_74 = tpu.memref_squeeze %dma_wait3A_73 : memref<1x128xi32, #tpu.memory_space<vmem>> -> memref<128xi32, #tpu.memory_space<vmem>>
      %dma_wait3A_75 = arith.constant 0 : i32
      %dma_wait3A_76 = arith.constant 0 : i32
      %dma_wait3A_77 = tpu.memref_slice %arg2[%dma_wait3A_75, %dma_wait3A_76] : memref<10000x128xf32, #tpu.memory_space<hbm>> -> memref<10000x128xf32, #tpu.memory_space<hbm>>
      tpu.wait_indirect_dma semaphore(%arg13 : memref<!tpu.dma_semaphore, #tpu.memory_space<semaphore_mem>>) src(%dma_wait3A_77 : memref<10000x128xf32, #tpu.memory_space<hbm>>) dst(%arg10 : memref<128x128xf32, #tpu.memory_space<vmem>>)
      "tpu.region"() ({
        %run_scoped3A = tpu.sem_alloc : memref<!tpu.dma_semaphore, #tpu.memory_space<semaphore_mem>>
        %dma_start3A_78 = arith.constant 0 : i32
        %dma_start3A_79 = tpu.memref_slice %arg8[%add3A_63, %dma_start3A_78] : memref<48x128xi32, #tpu.memory_space<vmem>> -> memref<1x128xi32, #tpu.memory_space<vmem>>
        %dma_start3A_80 = tpu.memref_squeeze %dma_start3A_79 : memref<1x128xi32, #tpu.memory_space<vmem>> -> memref<128xi32, #tpu.memory_space<vmem>>
        %dma_start3A_81 = arith.constant 0 : i32
        %dma_start3A_82 = arith.constant 0 : i32
        %dma_start3A_83 = tpu.memref_slice %arg11[%dma_start3A_81, %dma_start3A_82] : memref<10112x128xf32, #tpu.memory_space<vmem_shared>> -> memref<10112x128xf32, #tpu.memory_space<vmem_shared>>
        tpu.enqueue_indirect_dma source(%arg10 : memref<128x128xf32, #tpu.memory_space<vmem>>) target(%dma_start3A_83 : memref<10112x128xf32, #tpu.memory_space<vmem_shared>>) offsets(%dma_start3A_80 : memref<128xi32, #tpu.memory_space<vmem>>) semaphore(%run_scoped3A : memref<!tpu.dma_semaphore, #tpu.memory_space<semaphore_mem>>) {add = true}
        %dma_wait3A_84 = arith.constant 0 : i32
        %dma_wait3A_85 = tpu.memref_slice %arg8[%add3A_63, %dma_wait3A_84] : memref<48x128xi32, #tpu.memory_space<vmem>> -> memref<1x128xi32, #tpu.memory_space<vmem>>
        %dma_wait3A_86 = tpu.memref_squeeze %dma_wait3A_85 : memref<1x128xi32, #tpu.memory_space<vmem>> -> memref<128xi32, #tpu.memory_space<vmem>>
        %dma_wait3A_87 = arith.constant 0 : i32
        %dma_wait3A_88 = arith.constant 0 : i32
        %dma_wait3A_89 = tpu.memref_slice %arg11[%dma_wait3A_87, %dma_wait3A_88] : memref<10112x128xf32, #tpu.memory_space<vmem_shared>> -> memref<10112x128xf32, #tpu.memory_space<vmem_shared>>
        tpu.wait_indirect_dma semaphore(%run_scoped3A : memref<!tpu.dma_semaphore, #tpu.memory_space<semaphore_mem>>) src(%arg10 : memref<128x128xf32, #tpu.memory_space<vmem>>) dst(%dma_wait3A_89 : memref<10112x128xf32, #tpu.memory_space<vmem_shared>>)
        tpu.yield
      }) : () -> ()
    }
    %scan3A_13 = arith.constant 20 : i32
    %dma_wait3A = arith.constant 40 : i32
    %dma_wait3A_14 = arith.constant 0 : i32
    %dma_wait3A_15 = tpu.memref_slice %arg7[%dma_wait3A, %dma_wait3A_14] : memref<48x128xi32, #tpu.memory_space<vmem>> -> memref<1x128xi32, #tpu.memory_space<vmem>>
    %dma_wait3A_16 = tpu.memref_squeeze %dma_wait3A_15 : memref<1x128xi32, #tpu.memory_space<vmem>> -> memref<128xi32, #tpu.memory_space<vmem>>
    %dma_wait3A_17 = arith.constant 0 : i32
    %dma_wait3A_18 = arith.constant 0 : i32
    %dma_wait3A_19 = tpu.memref_slice %arg2[%dma_wait3A_17, %dma_wait3A_18] : memref<10000x128xf32, #tpu.memory_space<hbm>> -> memref<10000x128xf32, #tpu.memory_space<hbm>>
    tpu.wait_indirect_dma semaphore(%arg12 : memref<!tpu.dma_semaphore, #tpu.memory_space<semaphore_mem>>) src(%dma_wait3A_19 : memref<10000x128xf32, #tpu.memory_space<hbm>>) dst(%arg9 : memref<128x128xf32, #tpu.memory_space<vmem>>)
    "tpu.region"() ({
      %run_scoped3A = tpu.sem_alloc : memref<!tpu.dma_semaphore, #tpu.memory_space<semaphore_mem>>
      %dma_start3A_45 = arith.constant 40 : i32
      %dma_start3A_46 = arith.constant 0 : i32
      %dma_start3A_47 = tpu.memref_slice %arg3[%add3A, %dma_start3A_45, %dma_start3A_46] : memref<32x88x128xi32, #tpu.memory_space<hbm>> -> memref<1x48x128xi32, #tpu.memory_space<hbm>>
      %dma_start3A_48 = tpu.memref_squeeze %dma_start3A_47 : memref<1x48x128xi32, #tpu.memory_space<hbm>> -> memref<48x128xi32, #tpu.memory_space<hbm>>
      %dma_start3A_49 = arith.constant 40 : i32
      %dma_start3A_50 = arith.constant 0 : i32
      %dma_start3A_51 = tpu.memref_slice %arg3[%add3A, %dma_start3A_49, %dma_start3A_50] : memref<32x88x128xi32, #tpu.memory_space<hbm>> -> memref<1x48x128xi32, #tpu.memory_space<hbm>>
      %dma_start3A_52 = tpu.memref_squeeze %dma_start3A_51 : memref<1x48x128xi32, #tpu.memory_space<hbm>> -> memref<48x128xi32, #tpu.memory_space<hbm>>
      tpu.enqueue_dma source(%dma_start3A_52 : memref<48x128xi32, #tpu.memory_space<hbm>>) target(%arg7 : memref<48x128xi32, #tpu.memory_space<vmem>>) target_semaphore(%run_scoped3A : memref<!tpu.dma_semaphore, #tpu.memory_space<semaphore_mem>>)
      %dma_wait3A_53 = arith.constant 40 : i32
      %dma_wait3A_54 = arith.constant 0 : i32
      %dma_wait3A_55 = tpu.memref_slice %arg3[%add3A, %dma_wait3A_53, %dma_wait3A_54] : memref<32x88x128xi32, #tpu.memory_space<hbm>> -> memref<1x48x128xi32, #tpu.memory_space<hbm>>
      %dma_wait3A_56 = tpu.memref_squeeze %dma_wait3A_55 : memref<1x48x128xi32, #tpu.memory_space<hbm>> -> memref<48x128xi32, #tpu.memory_space<hbm>>
      %dma_wait3A_57 = arith.constant 40 : i32
      %dma_wait3A_58 = arith.constant 0 : i32
      %dma_wait3A_59 = tpu.memref_slice %arg3[%add3A, %dma_wait3A_57, %dma_wait3A_58] : memref<32x88x128xi32, #tpu.memory_space<hbm>> -> memref<1x48x128xi32, #tpu.memory_space<hbm>>
      %dma_wait3A_60 = tpu.memref_squeeze %dma_wait3A_59 : memref<1x48x128xi32, #tpu.memory_space<hbm>> -> memref<48x128xi32, #tpu.memory_space<hbm>>
      tpu.wait_dma2 semaphore(%run_scoped3A : memref<!tpu.dma_semaphore, #tpu.memory_space<semaphore_mem>>) src(%dma_wait3A_60 : memref<48x128xi32, #tpu.memory_space<hbm>>) dst(%arg7 : memref<48x128xi32, #tpu.memory_space<vmem>>)
      tpu.yield
    }) : () -> ()
    "tpu.region"() ({
      %run_scoped3A = tpu.sem_alloc : memref<!tpu.dma_semaphore, #tpu.memory_space<semaphore_mem>>
      %dma_start3A_45 = arith.constant 40 : i32
      %dma_start3A_46 = arith.constant 0 : i32
      %dma_start3A_47 = tpu.memref_slice %arg4[%add3A, %dma_start3A_45, %dma_start3A_46] : memref<32x88x128xi32, #tpu.memory_space<hbm>> -> memref<1x48x128xi32, #tpu.memory_space<hbm>>
      %dma_start3A_48 = tpu.memref_squeeze %dma_start3A_47 : memref<1x48x128xi32, #tpu.memory_space<hbm>> -> memref<48x128xi32, #tpu.memory_space<hbm>>
      %dma_start3A_49 = arith.constant 40 : i32
      %dma_start3A_50 = arith.constant 0 : i32
      %dma_start3A_51 = tpu.memref_slice %arg4[%add3A, %dma_start3A_49, %dma_start3A_50] : memref<32x88x128xi32, #tpu.memory_space<hbm>> -> memref<1x48x128xi32, #tpu.memory_space<hbm>>
      %dma_start3A_52 = tpu.memref_squeeze %dma_start3A_51 : memref<1x48x128xi32, #tpu.memory_space<hbm>> -> memref<48x128xi32, #tpu.memory_space<hbm>>
      tpu.enqueue_dma source(%dma_start3A_52 : memref<48x128xi32, #tpu.memory_space<hbm>>) target(%arg8 : memref<48x128xi32, #tpu.memory_space<vmem>>) target_semaphore(%run_scoped3A : memref<!tpu.dma_semaphore, #tpu.memory_space<semaphore_mem>>)
      %dma_wait3A_53 = arith.constant 40 : i32
      %dma_wait3A_54 = arith.constant 0 : i32
      %dma_wait3A_55 = tpu.memref_slice %arg4[%add3A, %dma_wait3A_53, %dma_wait3A_54] : memref<32x88x128xi32, #tpu.memory_space<hbm>> -> memref<1x48x128xi32, #tpu.memory_space<hbm>>
      %dma_wait3A_56 = tpu.memref_squeeze %dma_wait3A_55 : memref<1x48x128xi32, #tpu.memory_space<hbm>> -> memref<48x128xi32, #tpu.memory_space<hbm>>
      %dma_wait3A_57 = arith.constant 40 : i32
      %dma_wait3A_58 = arith.constant 0 : i32
      %dma_wait3A_59 = tpu.memref_slice %arg4[%add3A, %dma_wait3A_57, %dma_wait3A_58] : memref<32x88x128xi32, #tpu.memory_space<hbm>> -> memref<1x48x128xi32, #tpu.memory_space<hbm>>
      %dma_wait3A_60 = tpu.memref_squeeze %dma_wait3A_59 : memref<1x48x128xi32, #tpu.memory_space<hbm>> -> memref<48x128xi32, #tpu.memory_space<hbm>>
      tpu.wait_dma2 semaphore(%run_scoped3A : memref<!tpu.dma_semaphore, #tpu.memory_space<semaphore_mem>>) src(%dma_wait3A_60 : memref<48x128xi32, #tpu.memory_space<hbm>>) dst(%arg8 : memref<48x128xi32, #tpu.memory_space<vmem>>)
      tpu.yield
    }) : () -> ()
    %dma_start3A_20 = arith.constant 0 : i32
    %dma_start3A_21 = arith.constant 0 : i32
    %dma_start3A_22 = tpu.memref_slice %arg7[%dma_start3A_20, %dma_start3A_21] : memref<48x128xi32, #tpu.memory_space<vmem>> -> memref<1x128xi32, #tpu.memory_space<vmem>>
    %dma_start3A_23 = tpu.memref_squeeze %dma_start3A_22 : memref<1x128xi32, #tpu.memory_space<vmem>> -> memref<128xi32, #tpu.memory_space<vmem>>
    %dma_start3A_24 = arith.constant 0 : i32
    %dma_start3A_25 = arith.constant 0 : i32
    %dma_start3A_26 = tpu.memref_slice %arg2[%dma_start3A_24, %dma_start3A_25] : memref<10000x128xf32, #tpu.memory_space<hbm>> -> memref<10000x128xf32, #tpu.memory_space<hbm>>
    tpu.enqueue_indirect_dma source(%dma_start3A_26 : memref<10000x128xf32, #tpu.memory_space<hbm>>) target(%arg9 : memref<128x128xf32, #tpu.memory_space<vmem>>) offsets(%dma_start3A_23 : memref<128xi32, #tpu.memory_space<vmem>>) semaphore(%arg12 : memref<!tpu.dma_semaphore, #tpu.memory_space<semaphore_mem>>)
    %scan3A_27 = arith.constant 0 : i32
    %scan3A_28 = arith.constant 0 : i32
    %scan3A_29 = arith.constant 20 : i32
    %scan3A_30 = arith.addi %scan3A_28, %scan3A_29 : i32
    %scan3A_31 = arith.constant 1 : i32
    scf.for %scan3A_45 = %scan3A_28 to %scan3A_30 step %scan3A_31  : i32 {
      %mul3A_46 = arith.constant 2 : i32
      %mul3A_47 = arith.muli %mul3A_46, %scan3A_45 : i32
      %add3A_48 = arith.constant 1 : i32
      %add3A_49 = arith.addi %mul3A_47, %add3A_48 : i32
      %dma_start3A_50 = arith.constant 0 : i32
      %dma_start3A_51 = tpu.memref_slice %arg7[%add3A_49, %dma_start3A_50] : memref<48x128xi32, #tpu.memory_space<vmem>> -> memref<1x128xi32, #tpu.memory_space<vmem>>
      %dma_start3A_52 = tpu.memref_squeeze %dma_start3A_51 : memref<1x128xi32, #tpu.memory_space<vmem>> -> memref<128xi32, #tpu.memory_space<vmem>>
      %dma_start3A_53 = arith.constant 0 : i32
      %dma_start3A_54 = arith.constant 0 : i32
      %dma_start3A_55 = tpu.memref_slice %arg2[%dma_start3A_53, %dma_start3A_54] : memref<10000x128xf32, #tpu.memory_space<hbm>> -> memref<10000x128xf32, #tpu.memory_space<hbm>>
      tpu.enqueue_indirect_dma source(%dma_start3A_55 : memref<10000x128xf32, #tpu.memory_space<hbm>>) target(%arg10 : memref<128x128xf32, #tpu.memory_space<vmem>>) offsets(%dma_start3A_52 : memref<128xi32, #tpu.memory_space<vmem>>) semaphore(%arg13 : memref<!tpu.dma_semaphore, #tpu.memory_space<semaphore_mem>>)
      %dma_wait3A_56 = arith.constant 0 : i32
      %dma_wait3A_57 = tpu.memref_slice %arg7[%mul3A_47, %dma_wait3A_56] : memref<48x128xi32, #tpu.memory_space<vmem>> -> memref<1x128xi32, #tpu.memory_space<vmem>>
      %dma_wait3A_58 = tpu.memref_squeeze %dma_wait3A_57 : memref<1x128xi32, #tpu.memory_space<vmem>> -> memref<128xi32, #tpu.memory_space<vmem>>
      %dma_wait3A_59 = arith.constant 0 : i32
      %dma_wait3A_60 = arith.constant 0 : i32
      %dma_wait3A_61 = tpu.memref_slice %arg2[%dma_wait3A_59, %dma_wait3A_60] : memref<10000x128xf32, #tpu.memory_space<hbm>> -> memref<10000x128xf32, #tpu.memory_space<hbm>>
      tpu.wait_indirect_dma semaphore(%arg12 : memref<!tpu.dma_semaphore, #tpu.memory_space<semaphore_mem>>) src(%dma_wait3A_61 : memref<10000x128xf32, #tpu.memory_space<hbm>>) dst(%arg9 : memref<128x128xf32, #tpu.memory_space<vmem>>)
      "tpu.region"() ({
        %run_scoped3A = tpu.sem_alloc : memref<!tpu.dma_semaphore, #tpu.memory_space<semaphore_mem>>
        %dma_start3A_78 = arith.constant 0 : i32
        %dma_start3A_79 = tpu.memref_slice %arg8[%mul3A_47, %dma_start3A_78] : memref<48x128xi32, #tpu.memory_space<vmem>> -> memref<1x128xi32, #tpu.memory_space<vmem>>
        %dma_start3A_80 = tpu.memref_squeeze %dma_start3A_79 : memref<1x128xi32, #tpu.memory_space<vmem>> -> memref<128xi32, #tpu.memory_space<vmem>>
        %dma_start3A_81 = arith.constant 0 : i32
        %dma_start3A_82 = arith.constant 0 : i32
        %dma_start3A_83 = tpu.memref_slice %arg11[%dma_start3A_81, %dma_start3A_82] : memref<10112x128xf32, #tpu.memory_space<vmem_shared>> -> memref<10112x128xf32, #tpu.memory_space<vmem_shared>>
        tpu.enqueue_indirect_dma source(%arg9 : memref<128x128xf32, #tpu.memory_space<vmem>>) target(%dma_start3A_83 : memref<10112x128xf32, #tpu.memory_space<vmem_shared>>) offsets(%dma_start3A_80 : memref<128xi32, #tpu.memory_space<vmem>>) semaphore(%run_scoped3A : memref<!tpu.dma_semaphore, #tpu.memory_space<semaphore_mem>>) {add = true}
        %dma_wait3A_84 = arith.constant 0 : i32
        %dma_wait3A_85 = tpu.memref_slice %arg8[%mul3A_47, %dma_wait3A_84] : memref<48x128xi32, #tpu.memory_space<vmem>> -> memref<1x128xi32, #tpu.memory_space<vmem>>
        %dma_wait3A_86 = tpu.memref_squeeze %dma_wait3A_85 : memref<1x128xi32, #tpu.memory_space<vmem>> -> memref<128xi32, #tpu.memory_space<vmem>>
        %dma_wait3A_87 = arith.constant 0 : i32
        %dma_wait3A_88 = arith.constant 0 : i32
        %dma_wait3A_89 = tpu.memref_slice %arg11[%dma_wait3A_87, %dma_wait3A_88] : memref<10112x128xf32, #tpu.memory_space<vmem_shared>> -> memref<10112x128xf32, #tpu.memory_space<vmem_shared>>
        tpu.wait_indirect_dma semaphore(%run_scoped3A : memref<!tpu.dma_semaphore, #tpu.memory_space<semaphore_mem>>) src(%arg9 : memref<128x128xf32, #tpu.memory_space<vmem>>) dst(%dma_wait3A_89 : memref<10112x128xf32, #tpu.memory_space<vmem_shared>>)
        tpu.yield
      }) : () -> ()
      %add3A_62 = arith.constant 1 : i32
      %add3A_63 = arith.addi %mul3A_47, %add3A_62 : i32
      %add3A_64 = arith.constant 1 : i32
      %add3A_65 = arith.addi %add3A_63, %add3A_64 : i32
      %dma_start3A_66 = arith.constant 0 : i32
      %dma_start3A_67 = tpu.memref_slice %arg7[%add3A_65, %dma_start3A_66] : memref<48x128xi32, #tpu.memory_space<vmem>> -> memref<1x128xi32, #tpu.memory_space<vmem>>
      %dma_start3A_68 = tpu.memref_squeeze %dma_start3A_67 : memref<1x128xi32, #tpu.memory_space<vmem>> -> memref<128xi32, #tpu.memory_space<vmem>>
      %dma_start3A_69 = arith.constant 0 : i32
      %dma_start3A_70 = arith.constant 0 : i32
      %dma_start3A_71 = tpu.memref_slice %arg2[%dma_start3A_69, %dma_start3A_70] : memref<10000x128xf32, #tpu.memory_space<hbm>> -> memref<10000x128xf32, #tpu.memory_space<hbm>>
      tpu.enqueue_indirect_dma source(%dma_start3A_71 : memref<10000x128xf32, #tpu.memory_space<hbm>>) target(%arg9 : memref<128x128xf32, #tpu.memory_space<vmem>>) offsets(%dma_start3A_68 : memref<128xi32, #tpu.memory_space<vmem>>) semaphore(%arg12 : memref<!tpu.dma_semaphore, #tpu.memory_space<semaphore_mem>>)
      %dma_wait3A_72 = arith.constant 0 : i32
      %dma_wait3A_73 = tpu.memref_slice %arg7[%add3A_63, %dma_wait3A_72] : memref<48x128xi32, #tpu.memory_space<vmem>> -> memref<1x128xi32, #tpu.memory_space<vmem>>
      %dma_wait3A_74 = tpu.memref_squeeze %dma_wait3A_73 : memref<1x128xi32, #tpu.memory_space<vmem>> -> memref<128xi32, #tpu.memory_space<vmem>>
      %dma_wait3A_75 = arith.constant 0 : i32
      %dma_wait3A_76 = arith.constant 0 : i32
      %dma_wait3A_77 = tpu.memref_slice %arg2[%dma_wait3A_75, %dma_wait3A_76] : memref<10000x128xf32, #tpu.memory_space<hbm>> -> memref<10000x128xf32, #tpu.memory_space<hbm>>
      tpu.wait_indirect_dma semaphore(%arg13 : memref<!tpu.dma_semaphore, #tpu.memory_space<semaphore_mem>>) src(%dma_wait3A_77 : memref<10000x128xf32, #tpu.memory_space<hbm>>) dst(%arg10 : memref<128x128xf32, #tpu.memory_space<vmem>>)
      "tpu.region"() ({
        %run_scoped3A = tpu.sem_alloc : memref<!tpu.dma_semaphore, #tpu.memory_space<semaphore_mem>>
        %dma_start3A_78 = arith.constant 0 : i32
        %dma_start3A_79 = tpu.memref_slice %arg8[%add3A_63, %dma_start3A_78] : memref<48x128xi32, #tpu.memory_space<vmem>> -> memref<1x128xi32, #tpu.memory_space<vmem>>
        %dma_start3A_80 = tpu.memref_squeeze %dma_start3A_79 : memref<1x128xi32, #tpu.memory_space<vmem>> -> memref<128xi32, #tpu.memory_space<vmem>>
        %dma_start3A_81 = arith.constant 0 : i32
        %dma_start3A_82 = arith.constant 0 : i32
        %dma_start3A_83 = tpu.memref_slice %arg11[%dma_start3A_81, %dma_start3A_82] : memref<10112x128xf32, #tpu.memory_space<vmem_shared>> -> memref<10112x128xf32, #tpu.memory_space<vmem_shared>>
        tpu.enqueue_indirect_dma source(%arg10 : memref<128x128xf32, #tpu.memory_space<vmem>>) target(%dma_start3A_83 : memref<10112x128xf32, #tpu.memory_space<vmem_shared>>) offsets(%dma_start3A_80 : memref<128xi32, #tpu.memory_space<vmem>>) semaphore(%run_scoped3A : memref<!tpu.dma_semaphore, #tpu.memory_space<semaphore_mem>>) {add = true}
        %dma_wait3A_84 = arith.constant 0 : i32
        %dma_wait3A_85 = tpu.memref_slice %arg8[%add3A_63, %dma_wait3A_84] : memref<48x128xi32, #tpu.memory_space<vmem>> -> memref<1x128xi32, #tpu.memory_space<vmem>>
        %dma_wait3A_86 = tpu.memref_squeeze %dma_wait3A_85 : memref<1x128xi32, #tpu.memory_space<vmem>> -> memref<128xi32, #tpu.memory_space<vmem>>
        %dma_wait3A_87 = arith.constant 0 : i32
        %dma_wait3A_88 = arith.constant 0 : i32
        %dma_wait3A_89 = tpu.memref_slice %arg11[%dma_wait3A_87, %dma_wait3A_88] : memref<10112x128xf32, #tpu.memory_space<vmem_shared>> -> memref<10112x128xf32, #tpu.memory_space<vmem_shared>>
        tpu.wait_indirect_dma semaphore(%run_scoped3A : memref<!tpu.dma_semaphore, #tpu.memory_space<semaphore_mem>>) src(%arg10 : memref<128x128xf32, #tpu.memory_space<vmem>>) dst(%dma_wait3A_89 : memref<10112x128xf32, #tpu.memory_space<vmem_shared>>)
        tpu.yield
      }) : () -> ()
    }
    %scan3A_32 = arith.constant 20 : i32
    %dma_wait3A_33 = arith.constant 40 : i32
    %dma_wait3A_34 = arith.constant 0 : i32
    %dma_wait3A_35 = tpu.memref_slice %arg7[%dma_wait3A_33, %dma_wait3A_34] : memref<48x128xi32, #tpu.memory_space<vmem>> -> memref<1x128xi32, #tpu.memory_space<vmem>>
    %dma_wait3A_36 = tpu.memref_squeeze %dma_wait3A_35 : memref<1x128xi32, #tpu.memory_space<vmem>> -> memref<128xi32, #tpu.memory_space<vmem>>
    %dma_wait3A_37 = arith.constant 0 : i32
    %dma_wait3A_38 = arith.constant 0 : i32
    %dma_wait3A_39 = tpu.memref_slice %arg2[%dma_wait3A_37, %dma_wait3A_38] : memref<10000x128xf32, #tpu.memory_space<hbm>> -> memref<10000x128xf32, #tpu.memory_space<hbm>>
    tpu.wait_indirect_dma semaphore(%arg12 : memref<!tpu.dma_semaphore, #tpu.memory_space<semaphore_mem>>) src(%dma_wait3A_39 : memref<10000x128xf32, #tpu.memory_space<hbm>>) dst(%arg9 : memref<128x128xf32, #tpu.memory_space<vmem>>)
    %barrier3A_40 = arith.constant 0 : index
    tpu.barrier barrier_id(%barrier3A_40)
    %mul3A_41 = arith.constant 632 : i32
    %mul3A_42 = arith.muli %arg1, %mul3A_41 : i32
    %mul3A_43 = arith.constant 632 : i32
    %mul3A_44 = arith.muli %arg1, %mul3A_43 : i32
    "tpu.region"() ({
      %run_scoped3A = tpu.sem_alloc : memref<!tpu.dma_semaphore, #tpu.memory_space<semaphore_mem>>
      %dma_start3A_45 = arith.constant 0 : i32
      %dma_start3A_46 = tpu.memref_slice %arg6[%arg0, %mul3A_44, %dma_start3A_45] : memref<2x10112x128xf32, #tpu.memory_space<hbm>> -> memref<1x632x128xf32, #tpu.memory_space<hbm>>
      %dma_start3A_47 = tpu.memref_squeeze %dma_start3A_46 : memref<1x632x128xf32, #tpu.memory_space<hbm>> -> memref<632x128xf32, #tpu.memory_space<hbm>>
      %dma_start3A_48 = arith.constant 0 : i32
      %dma_start3A_49 = tpu.memref_slice %arg11[%mul3A_42, %dma_start3A_48] : memref<10112x128xf32, #tpu.memory_space<vmem_shared>> -> memref<632x128xf32, #tpu.memory_space<vmem_shared>>
      tpu.enqueue_dma source(%dma_start3A_49 : memref<632x128xf32, #tpu.memory_space<vmem_shared>>) target(%dma_start3A_47 : memref<632x128xf32, #tpu.memory_space<hbm>>) target_semaphore(%run_scoped3A : memref<!tpu.dma_semaphore, #tpu.memory_space<semaphore_mem>>)
      %dma_wait3A_50 = arith.constant 0 : i32
      %dma_wait3A_51 = tpu.memref_slice %arg6[%arg0, %mul3A_44, %dma_wait3A_50] : memref<2x10112x128xf32, #tpu.memory_space<hbm>> -> memref<1x632x128xf32, #tpu.memory_space<hbm>>
      %dma_wait3A_52 = tpu.memref_squeeze %dma_wait3A_51 : memref<1x632x128xf32, #tpu.memory_space<hbm>> -> memref<632x128xf32, #tpu.memory_space<hbm>>
      %dma_wait3A_53 = arith.constant 0 : i32
      %dma_wait3A_54 = tpu.memref_slice %arg11[%mul3A_42, %dma_wait3A_53] : memref<10112x128xf32, #tpu.memory_space<vmem_shared>> -> memref<632x128xf32, #tpu.memory_space<vmem_shared>>
      tpu.wait_dma2 semaphore(%run_scoped3A : memref<!tpu.dma_semaphore, #tpu.memory_space<semaphore_mem>>) src(%dma_wait3A_54 : memref<632x128xf32, #tpu.memory_space<vmem_shared>>) dst(%dma_wait3A_52 : memref<632x128xf32, #tpu.memory_space<hbm>>)
      tpu.yield
    }) : () -> ()
    return
  }
}

#map = affine_map<(d0, d1) -> (0, 0)>
#map1 = affine_map<(d0, d1) -> (0, 0, 0)>
module attributes {stable_mosaic.version = 14 : i64} {
  func.func @_mp_body(%arg0: i32, %arg1: i32, %arg2: memref<10000x128xf32, #tpu.memory_space<hbm>>, %arg3: memref<32x88x128xi32, #tpu.memory_space<hbm>>, %arg4: memref<32x88x128xi32, #tpu.memory_space<hbm>>, %arg5: memref<632x128xf32, #tpu.memory_space<hbm>>, %arg6: memref<2x10112x128xf32, #tpu.memory_space<hbm>>, %arg7: memref<48x128xi32, #tpu.memory_space<vmem>>, %arg8: memref<48x128xi32, #tpu.memory_space<vmem>>, %arg9: memref<128x128xf32, #tpu.memory_space<vmem>>, %arg10: memref<128x128xf32, #tpu.memory_space<vmem>>, %arg11: memref<10112x128xf32, #tpu.memory_space<vmem_shared>>, %arg12: memref<!tpu.dma_semaphore, #tpu.memory_space<semaphore_mem>>, %arg13: memref<!tpu.dma_semaphore, #tpu.memory_space<semaphore_mem>>) attributes {dimension_semantics = [#tpu.dimension_semantics<core_parallel>, #tpu.dimension_semantics<subcore_parallel>], iteration_bounds = array<i64: 2, 16>, scalar_prefetch = 0 : i64, scratch_operands = 7 : i64, tpu.core_type = #tpu.core_type<sc_vector_subcore>, window_params = [{transform_indices = #map}, {transform_indices = #map1}, {transform_indices = #map1}, {transform_indices = #map}, {transform_indices = #map1}]} {
    %mul3A = arith.constant 16 : i32
    %mul3A_0 = arith.muli %arg0, %mul3A : i32
    %add3A = arith.addi %mul3A_0, %arg1 : i32
    %mul3A_1 = arith.constant 632 : i32
    %mul3A_2 = arith.muli %arg1, %mul3A_1 : i32
    "tpu.region"() ({
      %run_scoped3A = tpu.sem_alloc : memref<!tpu.dma_semaphore, #tpu.memory_space<semaphore_mem>>
      %dma_start3A_45 = arith.constant 0 : i32
      %dma_start3A_46 = tpu.memref_slice %arg11[%mul3A_2, %dma_start3A_45] : memref<10112x128xf32, #tpu.memory_space<vmem_shared>> -> memref<632x128xf32, #tpu.memory_space<vmem_shared>>
      tpu.enqueue_dma source(%arg5 : memref<632x128xf32, #tpu.memory_space<hbm>>) target(%dma_start3A_46 : memref<632x128xf32, #tpu.memory_space<vmem_shared>>) target_semaphore(%run_scoped3A : memref<!tpu.dma_semaphore, #tpu.memory_space<semaphore_mem>>)
      %dma_wait3A_47 = arith.constant 0 : i32
      %dma_wait3A_48 = tpu.memref_slice %arg11[%mul3A_2, %dma_wait3A_47] : memref<10112x128xf32, #tpu.memory_space<vmem_shared>> -> memref<632x128xf32, #tpu.memory_space<vmem_shared>>
      tpu.wait_dma2 semaphore(%run_scoped3A : memref<!tpu.dma_semaphore, #tpu.memory_space<semaphore_mem>>) src(%arg5 : memref<632x128xf32, #tpu.memory_space<hbm>>) dst(%dma_wait3A_48 : memref<632x128xf32, #tpu.memory_space<vmem_shared>>)
      tpu.yield
    }) : () -> ()
    %barrier3A = arith.constant 0 : index
    tpu.barrier barrier_id(%barrier3A)
    "tpu.region"() ({
      %run_scoped3A = tpu.sem_alloc : memref<!tpu.dma_semaphore, #tpu.memory_space<semaphore_mem>>
      %dma_start3A_45 = arith.constant 0 : i32
      %dma_start3A_46 = arith.constant 0 : i32
      %dma_start3A_47 = tpu.memref_slice %arg3[%add3A, %dma_start3A_45, %dma_start3A_46] : memref<32x88x128xi32, #tpu.memory_space<hbm>> -> memref<1x48x128xi32, #tpu.memory_space<hbm>>
      %dma_start3A_48 = tpu.memref_squeeze %dma_start3A_47 : memref<1x48x128xi32, #tpu.memory_space<hbm>> -> memref<48x128xi32, #tpu.memory_space<hbm>>
      %dma_start3A_49 = arith.constant 0 : i32
      %dma_start3A_50 = arith.constant 0 : i32
      %dma_start3A_51 = tpu.memref_slice %arg3[%add3A, %dma_start3A_49, %dma_start3A_50] : memref<32x88x128xi32, #tpu.memory_space<hbm>> -> memref<1x48x128xi32, #tpu.memory_space<hbm>>
      %dma_start3A_52 = tpu.memref_squeeze %dma_start3A_51 : memref<1x48x128xi32, #tpu.memory_space<hbm>> -> memref<48x128xi32, #tpu.memory_space<hbm>>
      tpu.enqueue_dma source(%dma_start3A_52 : memref<48x128xi32, #tpu.memory_space<hbm>>) target(%arg7 : memref<48x128xi32, #tpu.memory_space<vmem>>) target_semaphore(%run_scoped3A : memref<!tpu.dma_semaphore, #tpu.memory_space<semaphore_mem>>)
      %dma_wait3A_53 = arith.constant 0 : i32
      %dma_wait3A_54 = arith.constant 0 : i32
      %dma_wait3A_55 = tpu.memref_slice %arg3[%add3A, %dma_wait3A_53, %dma_wait3A_54] : memref<32x88x128xi32, #tpu.memory_space<hbm>> -> memref<1x48x128xi32, #tpu.memory_space<hbm>>
      %dma_wait3A_56 = tpu.memref_squeeze %dma_wait3A_55 : memref<1x48x128xi32, #tpu.memory_space<hbm>> -> memref<48x128xi32, #tpu.memory_space<hbm>>
      %dma_wait3A_57 = arith.constant 0 : i32
      %dma_wait3A_58 = arith.constant 0 : i32
      %dma_wait3A_59 = tpu.memref_slice %arg3[%add3A, %dma_wait3A_57, %dma_wait3A_58] : memref<32x88x128xi32, #tpu.memory_space<hbm>> -> memref<1x48x128xi32, #tpu.memory_space<hbm>>
      %dma_wait3A_60 = tpu.memref_squeeze %dma_wait3A_59 : memref<1x48x128xi32, #tpu.memory_space<hbm>> -> memref<48x128xi32, #tpu.memory_space<hbm>>
      tpu.wait_dma2 semaphore(%run_scoped3A : memref<!tpu.dma_semaphore, #tpu.memory_space<semaphore_mem>>) src(%dma_wait3A_60 : memref<48x128xi32, #tpu.memory_space<hbm>>) dst(%arg7 : memref<48x128xi32, #tpu.memory_space<vmem>>)
      tpu.yield
    }) : () -> ()
    "tpu.region"() ({
      %run_scoped3A = tpu.sem_alloc : memref<!tpu.dma_semaphore, #tpu.memory_space<semaphore_mem>>
      %dma_start3A_45 = arith.constant 0 : i32
      %dma_start3A_46 = arith.constant 0 : i32
      %dma_start3A_47 = tpu.memref_slice %arg4[%add3A, %dma_start3A_45, %dma_start3A_46] : memref<32x88x128xi32, #tpu.memory_space<hbm>> -> memref<1x48x128xi32, #tpu.memory_space<hbm>>
      %dma_start3A_48 = tpu.memref_squeeze %dma_start3A_47 : memref<1x48x128xi32, #tpu.memory_space<hbm>> -> memref<48x128xi32, #tpu.memory_space<hbm>>
      %dma_start3A_49 = arith.constant 0 : i32
      %dma_start3A_50 = arith.constant 0 : i32
      %dma_start3A_51 = tpu.memref_slice %arg4[%add3A, %dma_start3A_49, %dma_start3A_50] : memref<32x88x128xi32, #tpu.memory_space<hbm>> -> memref<1x48x128xi32, #tpu.memory_space<hbm>>
      %dma_start3A_52 = tpu.memref_squeeze %dma_start3A_51 : memref<1x48x128xi32, #tpu.memory_space<hbm>> -> memref<48x128xi32, #tpu.memory_space<hbm>>
      tpu.enqueue_dma source(%dma_start3A_52 : memref<48x128xi32, #tpu.memory_space<hbm>>) target(%arg8 : memref<48x128xi32, #tpu.memory_space<vmem>>) target_semaphore(%run_scoped3A : memref<!tpu.dma_semaphore, #tpu.memory_space<semaphore_mem>>)
      %dma_wait3A_53 = arith.constant 0 : i32
      %dma_wait3A_54 = arith.constant 0 : i32
      %dma_wait3A_55 = tpu.memref_slice %arg4[%add3A, %dma_wait3A_53, %dma_wait3A_54] : memref<32x88x128xi32, #tpu.memory_space<hbm>> -> memref<1x48x128xi32, #tpu.memory_space<hbm>>
      %dma_wait3A_56 = tpu.memref_squeeze %dma_wait3A_55 : memref<1x48x128xi32, #tpu.memory_space<hbm>> -> memref<48x128xi32, #tpu.memory_space<hbm>>
      %dma_wait3A_57 = arith.constant 0 : i32
      %dma_wait3A_58 = arith.constant 0 : i32
      %dma_wait3A_59 = tpu.memref_slice %arg4[%add3A, %dma_wait3A_57, %dma_wait3A_58] : memref<32x88x128xi32, #tpu.memory_space<hbm>> -> memref<1x48x128xi32, #tpu.memory_space<hbm>>
      %dma_wait3A_60 = tpu.memref_squeeze %dma_wait3A_59 : memref<1x48x128xi32, #tpu.memory_space<hbm>> -> memref<48x128xi32, #tpu.memory_space<hbm>>
      tpu.wait_dma2 semaphore(%run_scoped3A : memref<!tpu.dma_semaphore, #tpu.memory_space<semaphore_mem>>) src(%dma_wait3A_60 : memref<48x128xi32, #tpu.memory_space<hbm>>) dst(%arg8 : memref<48x128xi32, #tpu.memory_space<vmem>>)
      tpu.yield
    }) : () -> ()
    %dma_start3A = arith.constant 0 : i32
    %dma_start3A_3 = arith.constant 0 : i32
    %dma_start3A_4 = tpu.memref_slice %arg7[%dma_start3A, %dma_start3A_3] : memref<48x128xi32, #tpu.memory_space<vmem>> -> memref<1x128xi32, #tpu.memory_space<vmem>>
    %dma_start3A_5 = tpu.memref_squeeze %dma_start3A_4 : memref<1x128xi32, #tpu.memory_space<vmem>> -> memref<128xi32, #tpu.memory_space<vmem>>
    %dma_start3A_6 = arith.constant 0 : i32
    %dma_start3A_7 = arith.constant 0 : i32
    %dma_start3A_8 = tpu.memref_slice %arg2[%dma_start3A_6, %dma_start3A_7] : memref<10000x128xf32, #tpu.memory_space<hbm>> -> memref<10000x128xf32, #tpu.memory_space<hbm>>
    tpu.enqueue_indirect_dma source(%dma_start3A_8 : memref<10000x128xf32, #tpu.memory_space<hbm>>) target(%arg9 : memref<128x128xf32, #tpu.memory_space<vmem>>) offsets(%dma_start3A_5 : memref<128xi32, #tpu.memory_space<vmem>>) semaphore(%arg12 : memref<!tpu.dma_semaphore, #tpu.memory_space<semaphore_mem>>)
    %scan3A = arith.constant 0 : i32
    %scan3A_9 = arith.constant 0 : i32
    %scan3A_10 = arith.constant 20 : i32
    %scan3A_11 = arith.addi %scan3A_9, %scan3A_10 : i32
    %scan3A_12 = arith.constant 1 : i32
    scf.for %scan3A_45 = %scan3A_9 to %scan3A_11 step %scan3A_12  : i32 {
      %mul3A_46 = arith.constant 2 : i32
      %mul3A_47 = arith.muli %mul3A_46, %scan3A_45 : i32
      %add3A_48 = arith.constant 1 : i32
      %add3A_49 = arith.addi %mul3A_47, %add3A_48 : i32
      %dma_start3A_50 = arith.constant 0 : i32
      %dma_start3A_51 = tpu.memref_slice %arg7[%add3A_49, %dma_start3A_50] : memref<48x128xi32, #tpu.memory_space<vmem>> -> memref<1x128xi32, #tpu.memory_space<vmem>>
      %dma_start3A_52 = tpu.memref_squeeze %dma_start3A_51 : memref<1x128xi32, #tpu.memory_space<vmem>> -> memref<128xi32, #tpu.memory_space<vmem>>
      %dma_start3A_53 = arith.constant 0 : i32
      %dma_start3A_54 = arith.constant 0 : i32
      %dma_start3A_55 = tpu.memref_slice %arg2[%dma_start3A_53, %dma_start3A_54] : memref<10000x128xf32, #tpu.memory_space<hbm>> -> memref<10000x128xf32, #tpu.memory_space<hbm>>
      tpu.enqueue_indirect_dma source(%dma_start3A_55 : memref<10000x128xf32, #tpu.memory_space<hbm>>) target(%arg10 : memref<128x128xf32, #tpu.memory_space<vmem>>) offsets(%dma_start3A_52 : memref<128xi32, #tpu.memory_space<vmem>>) semaphore(%arg13 : memref<!tpu.dma_semaphore, #tpu.memory_space<semaphore_mem>>)
      %dma_wait3A_56 = arith.constant 0 : i32
      %dma_wait3A_57 = tpu.memref_slice %arg7[%mul3A_47, %dma_wait3A_56] : memref<48x128xi32, #tpu.memory_space<vmem>> -> memref<1x128xi32, #tpu.memory_space<vmem>>
      %dma_wait3A_58 = tpu.memref_squeeze %dma_wait3A_57 : memref<1x128xi32, #tpu.memory_space<vmem>> -> memref<128xi32, #tpu.memory_space<vmem>>
      %dma_wait3A_59 = arith.constant 0 : i32
      %dma_wait3A_60 = arith.constant 0 : i32
      %dma_wait3A_61 = tpu.memref_slice %arg2[%dma_wait3A_59, %dma_wait3A_60] : memref<10000x128xf32, #tpu.memory_space<hbm>> -> memref<10000x128xf32, #tpu.memory_space<hbm>>
      tpu.wait_indirect_dma semaphore(%arg12 : memref<!tpu.dma_semaphore, #tpu.memory_space<semaphore_mem>>) src(%dma_wait3A_61 : memref<10000x128xf32, #tpu.memory_space<hbm>>) dst(%arg9 : memref<128x128xf32, #tpu.memory_space<vmem>>)
      "tpu.region"() ({
        %run_scoped3A = tpu.sem_alloc : memref<!tpu.dma_semaphore, #tpu.memory_space<semaphore_mem>>
        %dma_start3A_78 = arith.constant 0 : i32
        %dma_start3A_79 = tpu.memref_slice %arg8[%mul3A_47, %dma_start3A_78] : memref<48x128xi32, #tpu.memory_space<vmem>> -> memref<1x128xi32, #tpu.memory_space<vmem>>
        %dma_start3A_80 = tpu.memref_squeeze %dma_start3A_79 : memref<1x128xi32, #tpu.memory_space<vmem>> -> memref<128xi32, #tpu.memory_space<vmem>>
        %dma_start3A_81 = arith.constant 0 : i32
        %dma_start3A_82 = arith.constant 0 : i32
        %dma_start3A_83 = tpu.memref_slice %arg11[%dma_start3A_81, %dma_start3A_82] : memref<10112x128xf32, #tpu.memory_space<vmem_shared>> -> memref<10112x128xf32, #tpu.memory_space<vmem_shared>>
        tpu.enqueue_indirect_dma source(%arg9 : memref<128x128xf32, #tpu.memory_space<vmem>>) target(%dma_start3A_83 : memref<10112x128xf32, #tpu.memory_space<vmem_shared>>) offsets(%dma_start3A_80 : memref<128xi32, #tpu.memory_space<vmem>>) semaphore(%run_scoped3A : memref<!tpu.dma_semaphore, #tpu.memory_space<semaphore_mem>>) {add = true}
        %dma_wait3A_84 = arith.constant 0 : i32
        %dma_wait3A_85 = tpu.memref_slice %arg8[%mul3A_47, %dma_wait3A_84] : memref<48x128xi32, #tpu.memory_space<vmem>> -> memref<1x128xi32, #tpu.memory_space<vmem>>
        %dma_wait3A_86 = tpu.memref_squeeze %dma_wait3A_85 : memref<1x128xi32, #tpu.memory_space<vmem>> -> memref<128xi32, #tpu.memory_space<vmem>>
        %dma_wait3A_87 = arith.constant 0 : i32
        %dma_wait3A_88 = arith.constant 0 : i32
        %dma_wait3A_89 = tpu.memref_slice %arg11[%dma_wait3A_87, %dma_wait3A_88] : memref<10112x128xf32, #tpu.memory_space<vmem_shared>> -> memref<10112x128xf32, #tpu.memory_space<vmem_shared>>
        tpu.wait_indirect_dma semaphore(%run_scoped3A : memref<!tpu.dma_semaphore, #tpu.memory_space<semaphore_mem>>) src(%arg9 : memref<128x128xf32, #tpu.memory_space<vmem>>) dst(%dma_wait3A_89 : memref<10112x128xf32, #tpu.memory_space<vmem_shared>>)
        tpu.yield
      }) : () -> ()
      %add3A_62 = arith.constant 1 : i32
      %add3A_63 = arith.addi %mul3A_47, %add3A_62 : i32
      %add3A_64 = arith.constant 1 : i32
      %add3A_65 = arith.addi %add3A_63, %add3A_64 : i32
      %dma_start3A_66 = arith.constant 0 : i32
      %dma_start3A_67 = tpu.memref_slice %arg7[%add3A_65, %dma_start3A_66] : memref<48x128xi32, #tpu.memory_space<vmem>> -> memref<1x128xi32, #tpu.memory_space<vmem>>
      %dma_start3A_68 = tpu.memref_squeeze %dma_start3A_67 : memref<1x128xi32, #tpu.memory_space<vmem>> -> memref<128xi32, #tpu.memory_space<vmem>>
      %dma_start3A_69 = arith.constant 0 : i32
      %dma_start3A_70 = arith.constant 0 : i32
      %dma_start3A_71 = tpu.memref_slice %arg2[%dma_start3A_69, %dma_start3A_70] : memref<10000x128xf32, #tpu.memory_space<hbm>> -> memref<10000x128xf32, #tpu.memory_space<hbm>>
      tpu.enqueue_indirect_dma source(%dma_start3A_71 : memref<10000x128xf32, #tpu.memory_space<hbm>>) target(%arg9 : memref<128x128xf32, #tpu.memory_space<vmem>>) offsets(%dma_start3A_68 : memref<128xi32, #tpu.memory_space<vmem>>) semaphore(%arg12 : memref<!tpu.dma_semaphore, #tpu.memory_space<semaphore_mem>>)
      %dma_wait3A_72 = arith.constant 0 : i32
      %dma_wait3A_73 = tpu.memref_slice %arg7[%add3A_63, %dma_wait3A_72] : memref<48x128xi32, #tpu.memory_space<vmem>> -> memref<1x128xi32, #tpu.memory_space<vmem>>
      %dma_wait3A_74 = tpu.memref_squeeze %dma_wait3A_73 : memref<1x128xi32, #tpu.memory_space<vmem>> -> memref<128xi32, #tpu.memory_space<vmem>>
      %dma_wait3A_75 = arith.constant 0 : i32
      %dma_wait3A_76 = arith.constant 0 : i32
      %dma_wait3A_77 = tpu.memref_slice %arg2[%dma_wait3A_75, %dma_wait3A_76] : memref<10000x128xf32, #tpu.memory_space<hbm>> -> memref<10000x128xf32, #tpu.memory_space<hbm>>
      tpu.wait_indirect_dma semaphore(%arg13 : memref<!tpu.dma_semaphore, #tpu.memory_space<semaphore_mem>>) src(%dma_wait3A_77 : memref<10000x128xf32, #tpu.memory_space<hbm>>) dst(%arg10 : memref<128x128xf32, #tpu.memory_space<vmem>>)
      "tpu.region"() ({
        %run_scoped3A = tpu.sem_alloc : memref<!tpu.dma_semaphore, #tpu.memory_space<semaphore_mem>>
        %dma_start3A_78 = arith.constant 0 : i32
        %dma_start3A_79 = tpu.memref_slice %arg8[%add3A_63, %dma_start3A_78] : memref<48x128xi32, #tpu.memory_space<vmem>> -> memref<1x128xi32, #tpu.memory_space<vmem>>
        %dma_start3A_80 = tpu.memref_squeeze %dma_start3A_79 : memref<1x128xi32, #tpu.memory_space<vmem>> -> memref<128xi32, #tpu.memory_space<vmem>>
        %dma_start3A_81 = arith.constant 0 : i32
        %dma_start3A_82 = arith.constant 0 : i32
        %dma_start3A_83 = tpu.memref_slice %arg11[%dma_start3A_81, %dma_start3A_82] : memref<10112x128xf32, #tpu.memory_space<vmem_shared>> -> memref<10112x128xf32, #tpu.memory_space<vmem_shared>>
        tpu.enqueue_indirect_dma source(%arg10 : memref<128x128xf32, #tpu.memory_space<vmem>>) target(%dma_start3A_83 : memref<10112x128xf32, #tpu.memory_space<vmem_shared>>) offsets(%dma_start3A_80 : memref<128xi32, #tpu.memory_space<vmem>>) semaphore(%run_scoped3A : memref<!tpu.dma_semaphore, #tpu.memory_space<semaphore_mem>>) {add = true}
        %dma_wait3A_84 = arith.constant 0 : i32
        %dma_wait3A_85 = tpu.memref_slice %arg8[%add3A_63, %dma_wait3A_84] : memref<48x128xi32, #tpu.memory_space<vmem>> -> memref<1x128xi32, #tpu.memory_space<vmem>>
        %dma_wait3A_86 = tpu.memref_squeeze %dma_wait3A_85 : memref<1x128xi32, #tpu.memory_space<vmem>> -> memref<128xi32, #tpu.memory_space<vmem>>
        %dma_wait3A_87 = arith.constant 0 : i32
        %dma_wait3A_88 = arith.constant 0 : i32
        %dma_wait3A_89 = tpu.memref_slice %arg11[%dma_wait3A_87, %dma_wait3A_88] : memref<10112x128xf32, #tpu.memory_space<vmem_shared>> -> memref<10112x128xf32, #tpu.memory_space<vmem_shared>>
        tpu.wait_indirect_dma semaphore(%run_scoped3A : memref<!tpu.dma_semaphore, #tpu.memory_space<semaphore_mem>>) src(%arg10 : memref<128x128xf32, #tpu.memory_space<vmem>>) dst(%dma_wait3A_89 : memref<10112x128xf32, #tpu.memory_space<vmem_shared>>)
        tpu.yield
      }) : () -> ()
    }
    %scan3A_13 = arith.constant 20 : i32
    %dma_wait3A = arith.constant 40 : i32
    %dma_wait3A_14 = arith.constant 0 : i32
    %dma_wait3A_15 = tpu.memref_slice %arg7[%dma_wait3A, %dma_wait3A_14] : memref<48x128xi32, #tpu.memory_space<vmem>> -> memref<1x128xi32, #tpu.memory_space<vmem>>
    %dma_wait3A_16 = tpu.memref_squeeze %dma_wait3A_15 : memref<1x128xi32, #tpu.memory_space<vmem>> -> memref<128xi32, #tpu.memory_space<vmem>>
    %dma_wait3A_17 = arith.constant 0 : i32
    %dma_wait3A_18 = arith.constant 0 : i32
    %dma_wait3A_19 = tpu.memref_slice %arg2[%dma_wait3A_17, %dma_wait3A_18] : memref<10000x128xf32, #tpu.memory_space<hbm>> -> memref<10000x128xf32, #tpu.memory_space<hbm>>
    tpu.wait_indirect_dma semaphore(%arg12 : memref<!tpu.dma_semaphore, #tpu.memory_space<semaphore_mem>>) src(%dma_wait3A_19 : memref<10000x128xf32, #tpu.memory_space<hbm>>) dst(%arg9 : memref<128x128xf32, #tpu.memory_space<vmem>>)
    "tpu.region"() ({
      %run_scoped3A = tpu.sem_alloc : memref<!tpu.dma_semaphore, #tpu.memory_space<semaphore_mem>>
      %dma_start3A_45 = arith.constant 40 : i32
      %dma_start3A_46 = arith.constant 0 : i32
      %dma_start3A_47 = tpu.memref_slice %arg3[%add3A, %dma_start3A_45, %dma_start3A_46] : memref<32x88x128xi32, #tpu.memory_space<hbm>> -> memref<1x48x128xi32, #tpu.memory_space<hbm>>
      %dma_start3A_48 = tpu.memref_squeeze %dma_start3A_47 : memref<1x48x128xi32, #tpu.memory_space<hbm>> -> memref<48x128xi32, #tpu.memory_space<hbm>>
      %dma_start3A_49 = arith.constant 40 : i32
      %dma_start3A_50 = arith.constant 0 : i32
      %dma_start3A_51 = tpu.memref_slice %arg3[%add3A, %dma_start3A_49, %dma_start3A_50] : memref<32x88x128xi32, #tpu.memory_space<hbm>> -> memref<1x48x128xi32, #tpu.memory_space<hbm>>
      %dma_start3A_52 = tpu.memref_squeeze %dma_start3A_51 : memref<1x48x128xi32, #tpu.memory_space<hbm>> -> memref<48x128xi32, #tpu.memory_space<hbm>>
      tpu.enqueue_dma source(%dma_start3A_52 : memref<48x128xi32, #tpu.memory_space<hbm>>) target(%arg7 : memref<48x128xi32, #tpu.memory_space<vmem>>) target_semaphore(%run_scoped3A : memref<!tpu.dma_semaphore, #tpu.memory_space<semaphore_mem>>)
      %dma_wait3A_53 = arith.constant 40 : i32
      %dma_wait3A_54 = arith.constant 0 : i32
      %dma_wait3A_55 = tpu.memref_slice %arg3[%add3A, %dma_wait3A_53, %dma_wait3A_54] : memref<32x88x128xi32, #tpu.memory_space<hbm>> -> memref<1x48x128xi32, #tpu.memory_space<hbm>>
      %dma_wait3A_56 = tpu.memref_squeeze %dma_wait3A_55 : memref<1x48x128xi32, #tpu.memory_space<hbm>> -> memref<48x128xi32, #tpu.memory_space<hbm>>
      %dma_wait3A_57 = arith.constant 40 : i32
      %dma_wait3A_58 = arith.constant 0 : i32
      %dma_wait3A_59 = tpu.memref_slice %arg3[%add3A, %dma_wait3A_57, %dma_wait3A_58] : memref<32x88x128xi32, #tpu.memory_space<hbm>> -> memref<1x48x128xi32, #tpu.memory_space<hbm>>
      %dma_wait3A_60 = tpu.memref_squeeze %dma_wait3A_59 : memref<1x48x128xi32, #tpu.memory_space<hbm>> -> memref<48x128xi32, #tpu.memory_space<hbm>>
      tpu.wait_dma2 semaphore(%run_scoped3A : memref<!tpu.dma_semaphore, #tpu.memory_space<semaphore_mem>>) src(%dma_wait3A_60 : memref<48x128xi32, #tpu.memory_space<hbm>>) dst(%arg7 : memref<48x128xi32, #tpu.memory_space<vmem>>)
      tpu.yield
    }) : () -> ()
    "tpu.region"() ({
      %run_scoped3A = tpu.sem_alloc : memref<!tpu.dma_semaphore, #tpu.memory_space<semaphore_mem>>
      %dma_start3A_45 = arith.constant 40 : i32
      %dma_start3A_46 = arith.constant 0 : i32
      %dma_start3A_47 = tpu.memref_slice %arg4[%add3A, %dma_start3A_45, %dma_start3A_46] : memref<32x88x128xi32, #tpu.memory_space<hbm>> -> memref<1x48x128xi32, #tpu.memory_space<hbm>>
      %dma_start3A_48 = tpu.memref_squeeze %dma_start3A_47 : memref<1x48x128xi32, #tpu.memory_space<hbm>> -> memref<48x128xi32, #tpu.memory_space<hbm>>
      %dma_start3A_49 = arith.constant 40 : i32
      %dma_start3A_50 = arith.constant 0 : i32
      %dma_start3A_51 = tpu.memref_slice %arg4[%add3A, %dma_start3A_49, %dma_start3A_50] : memref<32x88x128xi32, #tpu.memory_space<hbm>> -> memref<1x48x128xi32, #tpu.memory_space<hbm>>
      %dma_start3A_52 = tpu.memref_squeeze %dma_start3A_51 : memref<1x48x128xi32, #tpu.memory_space<hbm>> -> memref<48x128xi32, #tpu.memory_space<hbm>>
      tpu.enqueue_dma source(%dma_start3A_52 : memref<48x128xi32, #tpu.memory_space<hbm>>) target(%arg8 : memref<48x128xi32, #tpu.memory_space<vmem>>) target_semaphore(%run_scoped3A : memref<!tpu.dma_semaphore, #tpu.memory_space<semaphore_mem>>)
      %dma_wait3A_53 = arith.constant 40 : i32
      %dma_wait3A_54 = arith.constant 0 : i32
      %dma_wait3A_55 = tpu.memref_slice %arg4[%add3A, %dma_wait3A_53, %dma_wait3A_54] : memref<32x88x128xi32, #tpu.memory_space<hbm>> -> memref<1x48x128xi32, #tpu.memory_space<hbm>>
      %dma_wait3A_56 = tpu.memref_squeeze %dma_wait3A_55 : memref<1x48x128xi32, #tpu.memory_space<hbm>> -> memref<48x128xi32, #tpu.memory_space<hbm>>
      %dma_wait3A_57 = arith.constant 40 : i32
      %dma_wait3A_58 = arith.constant 0 : i32
      %dma_wait3A_59 = tpu.memref_slice %arg4[%add3A, %dma_wait3A_57, %dma_wait3A_58] : memref<32x88x128xi32, #tpu.memory_space<hbm>> -> memref<1x48x128xi32, #tpu.memory_space<hbm>>
      %dma_wait3A_60 = tpu.memref_squeeze %dma_wait3A_59 : memref<1x48x128xi32, #tpu.memory_space<hbm>> -> memref<48x128xi32, #tpu.memory_space<hbm>>
      tpu.wait_dma2 semaphore(%run_scoped3A : memref<!tpu.dma_semaphore, #tpu.memory_space<semaphore_mem>>) src(%dma_wait3A_60 : memref<48x128xi32, #tpu.memory_space<hbm>>) dst(%arg8 : memref<48x128xi32, #tpu.memory_space<vmem>>)
      tpu.yield
    }) : () -> ()
    %dma_start3A_20 = arith.constant 0 : i32
    %dma_start3A_21 = arith.constant 0 : i32
    %dma_start3A_22 = tpu.memref_slice %arg7[%dma_start3A_20, %dma_start3A_21] : memref<48x128xi32, #tpu.memory_space<vmem>> -> memref<1x128xi32, #tpu.memory_space<vmem>>
    %dma_start3A_23 = tpu.memref_squeeze %dma_start3A_22 : memref<1x128xi32, #tpu.memory_space<vmem>> -> memref<128xi32, #tpu.memory_space<vmem>>
    %dma_start3A_24 = arith.constant 0 : i32
    %dma_start3A_25 = arith.constant 0 : i32
    %dma_start3A_26 = tpu.memref_slice %arg2[%dma_start3A_24, %dma_start3A_25] : memref<10000x128xf32, #tpu.memory_space<hbm>> -> memref<10000x128xf32, #tpu.memory_space<hbm>>
    tpu.enqueue_indirect_dma source(%dma_start3A_26 : memref<10000x128xf32, #tpu.memory_space<hbm>>) target(%arg9 : memref<128x128xf32, #tpu.memory_space<vmem>>) offsets(%dma_start3A_23 : memref<128xi32, #tpu.memory_space<vmem>>) semaphore(%arg12 : memref<!tpu.dma_semaphore, #tpu.memory_space<semaphore_mem>>)
    %scan3A_27 = arith.constant 0 : i32
    %scan3A_28 = arith.constant 0 : i32
    %scan3A_29 = arith.constant 20 : i32
    %scan3A_30 = arith.addi %scan3A_28, %scan3A_29 : i32
    %scan3A_31 = arith.constant 1 : i32
    scf.for %scan3A_45 = %scan3A_28 to %scan3A_30 step %scan3A_31  : i32 {
      %mul3A_46 = arith.constant 2 : i32
      %mul3A_47 = arith.muli %mul3A_46, %scan3A_45 : i32
      %add3A_48 = arith.constant 1 : i32
      %add3A_49 = arith.addi %mul3A_47, %add3A_48 : i32
      %dma_start3A_50 = arith.constant 0 : i32
      %dma_start3A_51 = tpu.memref_slice %arg7[%add3A_49, %dma_start3A_50] : memref<48x128xi32, #tpu.memory_space<vmem>> -> memref<1x128xi32, #tpu.memory_space<vmem>>
      %dma_start3A_52 = tpu.memref_squeeze %dma_start3A_51 : memref<1x128xi32, #tpu.memory_space<vmem>> -> memref<128xi32, #tpu.memory_space<vmem>>
      %dma_start3A_53 = arith.constant 0 : i32
      %dma_start3A_54 = arith.constant 0 : i32
      %dma_start3A_55 = tpu.memref_slice %arg2[%dma_start3A_53, %dma_start3A_54] : memref<10000x128xf32, #tpu.memory_space<hbm>> -> memref<10000x128xf32, #tpu.memory_space<hbm>>
      tpu.enqueue_indirect_dma source(%dma_start3A_55 : memref<10000x128xf32, #tpu.memory_space<hbm>>) target(%arg10 : memref<128x128xf32, #tpu.memory_space<vmem>>) offsets(%dma_start3A_52 : memref<128xi32, #tpu.memory_space<vmem>>) semaphore(%arg13 : memref<!tpu.dma_semaphore, #tpu.memory_space<semaphore_mem>>)
      %dma_wait3A_56 = arith.constant 0 : i32
      %dma_wait3A_57 = tpu.memref_slice %arg7[%mul3A_47, %dma_wait3A_56] : memref<48x128xi32, #tpu.memory_space<vmem>> -> memref<1x128xi32, #tpu.memory_space<vmem>>
      %dma_wait3A_58 = tpu.memref_squeeze %dma_wait3A_57 : memref<1x128xi32, #tpu.memory_space<vmem>> -> memref<128xi32, #tpu.memory_space<vmem>>
      %dma_wait3A_59 = arith.constant 0 : i32
      %dma_wait3A_60 = arith.constant 0 : i32
      %dma_wait3A_61 = tpu.memref_slice %arg2[%dma_wait3A_59, %dma_wait3A_60] : memref<10000x128xf32, #tpu.memory_space<hbm>> -> memref<10000x128xf32, #tpu.memory_space<hbm>>
      tpu.wait_indirect_dma semaphore(%arg12 : memref<!tpu.dma_semaphore, #tpu.memory_space<semaphore_mem>>) src(%dma_wait3A_61 : memref<10000x128xf32, #tpu.memory_space<hbm>>) dst(%arg9 : memref<128x128xf32, #tpu.memory_space<vmem>>)
      "tpu.region"() ({
        %run_scoped3A = tpu.sem_alloc : memref<!tpu.dma_semaphore, #tpu.memory_space<semaphore_mem>>
        %dma_start3A_78 = arith.constant 0 : i32
        %dma_start3A_79 = tpu.memref_slice %arg8[%mul3A_47, %dma_start3A_78] : memref<48x128xi32, #tpu.memory_space<vmem>> -> memref<1x128xi32, #tpu.memory_space<vmem>>
        %dma_start3A_80 = tpu.memref_squeeze %dma_start3A_79 : memref<1x128xi32, #tpu.memory_space<vmem>> -> memref<128xi32, #tpu.memory_space<vmem>>
        %dma_start3A_81 = arith.constant 0 : i32
        %dma_start3A_82 = arith.constant 0 : i32
        %dma_start3A_83 = tpu.memref_slice %arg11[%dma_start3A_81, %dma_start3A_82] : memref<10112x128xf32, #tpu.memory_space<vmem_shared>> -> memref<10112x128xf32, #tpu.memory_space<vmem_shared>>
        tpu.enqueue_indirect_dma source(%arg9 : memref<128x128xf32, #tpu.memory_space<vmem>>) target(%dma_start3A_83 : memref<10112x128xf32, #tpu.memory_space<vmem_shared>>) offsets(%dma_start3A_80 : memref<128xi32, #tpu.memory_space<vmem>>) semaphore(%run_scoped3A : memref<!tpu.dma_semaphore, #tpu.memory_space<semaphore_mem>>) {add = true}
        %dma_wait3A_84 = arith.constant 0 : i32
        %dma_wait3A_85 = tpu.memref_slice %arg8[%mul3A_47, %dma_wait3A_84] : memref<48x128xi32, #tpu.memory_space<vmem>> -> memref<1x128xi32, #tpu.memory_space<vmem>>
        %dma_wait3A_86 = tpu.memref_squeeze %dma_wait3A_85 : memref<1x128xi32, #tpu.memory_space<vmem>> -> memref<128xi32, #tpu.memory_space<vmem>>
        %dma_wait3A_87 = arith.constant 0 : i32
        %dma_wait3A_88 = arith.constant 0 : i32
        %dma_wait3A_89 = tpu.memref_slice %arg11[%dma_wait3A_87, %dma_wait3A_88] : memref<10112x128xf32, #tpu.memory_space<vmem_shared>> -> memref<10112x128xf32, #tpu.memory_space<vmem_shared>>
        tpu.wait_indirect_dma semaphore(%run_scoped3A : memref<!tpu.dma_semaphore, #tpu.memory_space<semaphore_mem>>) src(%arg9 : memref<128x128xf32, #tpu.memory_space<vmem>>) dst(%dma_wait3A_89 : memref<10112x128xf32, #tpu.memory_space<vmem_shared>>)
        tpu.yield
      }) : () -> ()
      %add3A_62 = arith.constant 1 : i32
      %add3A_63 = arith.addi %mul3A_47, %add3A_62 : i32
      %add3A_64 = arith.constant 1 : i32
      %add3A_65 = arith.addi %add3A_63, %add3A_64 : i32
      %dma_start3A_66 = arith.constant 0 : i32
      %dma_start3A_67 = tpu.memref_slice %arg7[%add3A_65, %dma_start3A_66] : memref<48x128xi32, #tpu.memory_space<vmem>> -> memref<1x128xi32, #tpu.memory_space<vmem>>
      %dma_start3A_68 = tpu.memref_squeeze %dma_start3A_67 : memref<1x128xi32, #tpu.memory_space<vmem>> -> memref<128xi32, #tpu.memory_space<vmem>>
      %dma_start3A_69 = arith.constant 0 : i32
      %dma_start3A_70 = arith.constant 0 : i32
      %dma_start3A_71 = tpu.memref_slice %arg2[%dma_start3A_69, %dma_start3A_70] : memref<10000x128xf32, #tpu.memory_space<hbm>> -> memref<10000x128xf32, #tpu.memory_space<hbm>>
      tpu.enqueue_indirect_dma source(%dma_start3A_71 : memref<10000x128xf32, #tpu.memory_space<hbm>>) target(%arg9 : memref<128x128xf32, #tpu.memory_space<vmem>>) offsets(%dma_start3A_68 : memref<128xi32, #tpu.memory_space<vmem>>) semaphore(%arg12 : memref<!tpu.dma_semaphore, #tpu.memory_space<semaphore_mem>>)
      %dma_wait3A_72 = arith.constant 0 : i32
      %dma_wait3A_73 = tpu.memref_slice %arg7[%add3A_63, %dma_wait3A_72] : memref<48x128xi32, #tpu.memory_space<vmem>> -> memref<1x128xi32, #tpu.memory_space<vmem>>
      %dma_wait3A_74 = tpu.memref_squeeze %dma_wait3A_73 : memref<1x128xi32, #tpu.memory_space<vmem>> -> memref<128xi32, #tpu.memory_space<vmem>>
      %dma_wait3A_75 = arith.constant 0 : i32
      %dma_wait3A_76 = arith.constant 0 : i32
      %dma_wait3A_77 = tpu.memref_slice %arg2[%dma_wait3A_75, %dma_wait3A_76] : memref<10000x128xf32, #tpu.memory_space<hbm>> -> memref<10000x128xf32, #tpu.memory_space<hbm>>
      tpu.wait_indirect_dma semaphore(%arg13 : memref<!tpu.dma_semaphore, #tpu.memory_space<semaphore_mem>>) src(%dma_wait3A_77 : memref<10000x128xf32, #tpu.memory_space<hbm>>) dst(%arg10 : memref<128x128xf32, #tpu.memory_space<vmem>>)
      "tpu.region"() ({
        %run_scoped3A = tpu.sem_alloc : memref<!tpu.dma_semaphore, #tpu.memory_space<semaphore_mem>>
        %dma_start3A_78 = arith.constant 0 : i32
        %dma_start3A_79 = tpu.memref_slice %arg8[%add3A_63, %dma_start3A_78] : memref<48x128xi32, #tpu.memory_space<vmem>> -> memref<1x128xi32, #tpu.memory_space<vmem>>
        %dma_start3A_80 = tpu.memref_squeeze %dma_start3A_79 : memref<1x128xi32, #tpu.memory_space<vmem>> -> memref<128xi32, #tpu.memory_space<vmem>>
        %dma_start3A_81 = arith.constant 0 : i32
        %dma_start3A_82 = arith.constant 0 : i32
        %dma_start3A_83 = tpu.memref_slice %arg11[%dma_start3A_81, %dma_start3A_82] : memref<10112x128xf32, #tpu.memory_space<vmem_shared>> -> memref<10112x128xf32, #tpu.memory_space<vmem_shared>>
        tpu.enqueue_indirect_dma source(%arg10 : memref<128x128xf32, #tpu.memory_space<vmem>>) target(%dma_start3A_83 : memref<10112x128xf32, #tpu.memory_space<vmem_shared>>) offsets(%dma_start3A_80 : memref<128xi32, #tpu.memory_space<vmem>>) semaphore(%run_scoped3A : memref<!tpu.dma_semaphore, #tpu.memory_space<semaphore_mem>>) {add = true}
        %dma_wait3A_84 = arith.constant 0 : i32
        %dma_wait3A_85 = tpu.memref_slice %arg8[%add3A_63, %dma_wait3A_84] : memref<48x128xi32, #tpu.memory_space<vmem>> -> memref<1x128xi32, #tpu.memory_space<vmem>>
        %dma_wait3A_86 = tpu.memref_squeeze %dma_wait3A_85 : memref<1x128xi32, #tpu.memory_space<vmem>> -> memref<128xi32, #tpu.memory_space<vmem>>
        %dma_wait3A_87 = arith.constant 0 : i32
        %dma_wait3A_88 = arith.constant 0 : i32
        %dma_wait3A_89 = tpu.memref_slice %arg11[%dma_wait3A_87, %dma_wait3A_88] : memref<10112x128xf32, #tpu.memory_space<vmem_shared>> -> memref<10112x128xf32, #tpu.memory_space<vmem_shared>>
        tpu.wait_indirect_dma semaphore(%run_scoped3A : memref<!tpu.dma_semaphore, #tpu.memory_space<semaphore_mem>>) src(%arg10 : memref<128x128xf32, #tpu.memory_space<vmem>>) dst(%dma_wait3A_89 : memref<10112x128xf32, #tpu.memory_space<vmem_shared>>)
        tpu.yield
      }) : () -> ()
    }
    %scan3A_32 = arith.constant 20 : i32
    %dma_wait3A_33 = arith.constant 40 : i32
    %dma_wait3A_34 = arith.constant 0 : i32
    %dma_wait3A_35 = tpu.memref_slice %arg7[%dma_wait3A_33, %dma_wait3A_34] : memref<48x128xi32, #tpu.memory_space<vmem>> -> memref<1x128xi32, #tpu.memory_space<vmem>>
    %dma_wait3A_36 = tpu.memref_squeeze %dma_wait3A_35 : memref<1x128xi32, #tpu.memory_space<vmem>> -> memref<128xi32, #tpu.memory_space<vmem>>
    %dma_wait3A_37 = arith.constant 0 : i32
    %dma_wait3A_38 = arith.constant 0 : i32
    %dma_wait3A_39 = tpu.memref_slice %arg2[%dma_wait3A_37, %dma_wait3A_38] : memref<10000x128xf32, #tpu.memory_space<hbm>> -> memref<10000x128xf32, #tpu.memory_space<hbm>>
    tpu.wait_indirect_dma semaphore(%arg12 : memref<!tpu.dma_semaphore, #tpu.memory_space<semaphore_mem>>) src(%dma_wait3A_39 : memref<10000x128xf32, #tpu.memory_space<hbm>>) dst(%arg9 : memref<128x128xf32, #tpu.memory_space<vmem>>)
    %barrier3A_40 = arith.constant 0 : index
    tpu.barrier barrier_id(%barrier3A_40)
    %mul3A_41 = arith.constant 632 : i32
    %mul3A_42 = arith.muli %arg1, %mul3A_41 : i32
    %mul3A_43 = arith.constant 632 : i32
    %mul3A_44 = arith.muli %arg1, %mul3A_43 : i32
    "tpu.region"() ({
      %run_scoped3A = tpu.sem_alloc : memref<!tpu.dma_semaphore, #tpu.memory_space<semaphore_mem>>
      %dma_start3A_45 = arith.constant 0 : i32
      %dma_start3A_46 = tpu.memref_slice %arg6[%arg0, %mul3A_44, %dma_start3A_45] : memref<2x10112x128xf32, #tpu.memory_space<hbm>> -> memref<1x632x128xf32, #tpu.memory_space<hbm>>
      %dma_start3A_47 = tpu.memref_squeeze %dma_start3A_46 : memref<1x632x128xf32, #tpu.memory_space<hbm>> -> memref<632x128xf32, #tpu.memory_space<hbm>>
      %dma_start3A_48 = arith.constant 0 : i32
      %dma_start3A_49 = tpu.memref_slice %arg11[%mul3A_42, %dma_start3A_48] : memref<10112x128xf32, #tpu.memory_space<vmem_shared>> -> memref<632x128xf32, #tpu.memory_space<vmem_shared>>
      tpu.enqueue_dma source(%dma_start3A_49 : memref<632x128xf32, #tpu.memory_space<vmem_shared>>) target(%dma_start3A_47 : memref<632x128xf32, #tpu.memory_space<hbm>>) target_semaphore(%run_scoped3A : memref<!tpu.dma_semaphore, #tpu.memory_space<semaphore_mem>>)
      %dma_wait3A_50 = arith.constant 0 : i32
      %dma_wait3A_51 = tpu.memref_slice %arg6[%arg0, %mul3A_44, %dma_wait3A_50] : memref<2x10112x128xf32, #tpu.memory_space<hbm>> -> memref<1x632x128xf32, #tpu.memory_space<hbm>>
      %dma_wait3A_52 = tpu.memref_squeeze %dma_wait3A_51 : memref<1x632x128xf32, #tpu.memory_space<hbm>> -> memref<632x128xf32, #tpu.memory_space<hbm>>
      %dma_wait3A_53 = arith.constant 0 : i32
      %dma_wait3A_54 = tpu.memref_slice %arg11[%mul3A_42, %dma_wait3A_53] : memref<10112x128xf32, #tpu.memory_space<vmem_shared>> -> memref<632x128xf32, #tpu.memory_space<vmem_shared>>
      tpu.wait_dma2 semaphore(%run_scoped3A : memref<!tpu.dma_semaphore, #tpu.memory_space<semaphore_mem>>) src(%dma_wait3A_54 : memref<632x128xf32, #tpu.memory_space<vmem_shared>>) dst(%dma_wait3A_52 : memref<632x128xf32, #tpu.memory_space<hbm>>)
      tpu.yield
    }) : () -> ()
    return
  }
}

#map = affine_map<(d0, d1) -> (0, 0, 0)>
#map1 = affine_map<(d0, d1) -> (0, 0)>
module attributes {stable_mosaic.version = 14 : i64} {
  func.func @_deg_body(%arg0: i32, %arg1: i32, %arg2: memref<32x88x128xi32, #tpu.memory_space<hbm>>, %arg3: memref<128x128xf32, #tpu.memory_space<hbm>>, %arg4: memref<632x128xf32, #tpu.memory_space<hbm>>, %arg5: memref<2x10112x128xf32, #tpu.memory_space<hbm>>, %arg6: memref<88x128xi32, #tpu.memory_space<vmem>>, %arg7: memref<128x128xf32, #tpu.memory_space<vmem>>, %arg8: memref<10112x128xf32, #tpu.memory_space<vmem_shared>>, %arg9: memref<!tpu.dma_semaphore, #tpu.memory_space<semaphore_mem>>) attributes {dimension_semantics = [#tpu.dimension_semantics<core_parallel>, #tpu.dimension_semantics<subcore_parallel>], iteration_bounds = array<i64: 2, 16>, scalar_prefetch = 0 : i64, scratch_operands = 4 : i64, tpu.core_type = #tpu.core_type<sc_vector_subcore>, window_params = [{transform_indices = #map}, {transform_indices = #map1}, {transform_indices = #map1}, {transform_indices = #map}]} {
    %mul3A = arith.constant 16 : i32
    %mul3A_0 = arith.muli %arg0, %mul3A : i32
    %add3A = arith.addi %mul3A_0, %arg1 : i32
    %mul3A_1 = arith.constant 632 : i32
    %mul3A_2 = arith.muli %arg1, %mul3A_1 : i32
    "tpu.region"() ({
      %run_scoped3A = tpu.sem_alloc : memref<!tpu.dma_semaphore, #tpu.memory_space<semaphore_mem>>
      %dma_start3A_123 = arith.constant 0 : i32
      %dma_start3A_124 = tpu.memref_slice %arg8[%mul3A_2, %dma_start3A_123] : memref<10112x128xf32, #tpu.memory_space<vmem_shared>> -> memref<632x128xf32, #tpu.memory_space<vmem_shared>>
      tpu.enqueue_dma source(%arg4 : memref<632x128xf32, #tpu.memory_space<hbm>>) target(%dma_start3A_124 : memref<632x128xf32, #tpu.memory_space<vmem_shared>>) target_semaphore(%run_scoped3A : memref<!tpu.dma_semaphore, #tpu.memory_space<semaphore_mem>>)
      %dma_wait3A_125 = arith.constant 0 : i32
      %dma_wait3A_126 = tpu.memref_slice %arg8[%mul3A_2, %dma_wait3A_125] : memref<10112x128xf32, #tpu.memory_space<vmem_shared>> -> memref<632x128xf32, #tpu.memory_space<vmem_shared>>
      tpu.wait_dma2 semaphore(%run_scoped3A : memref<!tpu.dma_semaphore, #tpu.memory_space<semaphore_mem>>) src(%arg4 : memref<632x128xf32, #tpu.memory_space<hbm>>) dst(%dma_wait3A_126 : memref<632x128xf32, #tpu.memory_space<vmem_shared>>)
      tpu.yield
    }) : () -> ()
    "tpu.region"() ({
      %run_scoped3A = tpu.sem_alloc : memref<!tpu.dma_semaphore, #tpu.memory_space<semaphore_mem>>
      %dma_start3A_123 = arith.constant 0 : i32
      %dma_start3A_124 = arith.constant 0 : i32
      %dma_start3A_125 = tpu.memref_slice %arg2[%add3A, %dma_start3A_123, %dma_start3A_124] : memref<32x88x128xi32, #tpu.memory_space<hbm>> -> memref<1x88x128xi32, #tpu.memory_space<hbm>>
      %dma_start3A_126 = tpu.memref_squeeze %dma_start3A_125 : memref<1x88x128xi32, #tpu.memory_space<hbm>> -> memref<88x128xi32, #tpu.memory_space<hbm>>
      %dma_start3A_127 = arith.constant 0 : i32
      %dma_start3A_128 = arith.constant 0 : i32
      %dma_start3A_129 = tpu.memref_slice %arg2[%add3A, %dma_start3A_127, %dma_start3A_128] : memref<32x88x128xi32, #tpu.memory_space<hbm>> -> memref<1x88x128xi32, #tpu.memory_space<hbm>>
      %dma_start3A_130 = tpu.memref_squeeze %dma_start3A_129 : memref<1x88x128xi32, #tpu.memory_space<hbm>> -> memref<88x128xi32, #tpu.memory_space<hbm>>
      tpu.enqueue_dma source(%dma_start3A_130 : memref<88x128xi32, #tpu.memory_space<hbm>>) target(%arg6 : memref<88x128xi32, #tpu.memory_space<vmem>>) target_semaphore(%run_scoped3A : memref<!tpu.dma_semaphore, #tpu.memory_space<semaphore_mem>>)
      %dma_wait3A_131 = arith.constant 0 : i32
      %dma_wait3A_132 = arith.constant 0 : i32
      %dma_wait3A_133 = tpu.memref_slice %arg2[%add3A, %dma_wait3A_131, %dma_wait3A_132] : memref<32x88x128xi32, #tpu.memory_space<hbm>> -> memref<1x88x128xi32, #tpu.memory_space<hbm>>
      %dma_wait3A_134 = tpu.memref_squeeze %dma_wait3A_133 : memref<1x88x128xi32, #tpu.memory_space<hbm>> -> memref<88x128xi32, #tpu.memory_space<hbm>>
      %dma_wait3A_135 = arith.constant 0 : i32
      %dma_wait3A_136 = arith.constant 0 : i32
      %dma_wait3A_137 = tpu.memref_slice %arg2[%add3A, %dma_wait3A_135, %dma_wait3A_136] : memref<32x88x128xi32, #tpu.memory_space<hbm>> -> memref<1x88x128xi32, #tpu.memory_space<hbm>>
      %dma_wait3A_138 = tpu.memref_squeeze %dma_wait3A_137 : memref<1x88x128xi32, #tpu.memory_space<hbm>> -> memref<88x128xi32, #tpu.memory_space<hbm>>
      tpu.wait_dma2 semaphore(%run_scoped3A : memref<!tpu.dma_semaphore, #tpu.memory_space<semaphore_mem>>) src(%dma_wait3A_138 : memref<88x128xi32, #tpu.memory_space<hbm>>) dst(%arg6 : memref<88x128xi32, #tpu.memory_space<vmem>>)
      tpu.yield
    }) : () -> ()
    "tpu.region"() ({
      %run_scoped3A = tpu.sem_alloc : memref<!tpu.dma_semaphore, #tpu.memory_space<semaphore_mem>>
      tpu.enqueue_dma source(%arg3 : memref<128x128xf32, #tpu.memory_space<hbm>>) target(%arg7 : memref<128x128xf32, #tpu.memory_space<vmem>>) target_semaphore(%run_scoped3A : memref<!tpu.dma_semaphore, #tpu.memory_space<semaphore_mem>>)
      tpu.wait_dma2 semaphore(%run_scoped3A : memref<!tpu.dma_semaphore, #tpu.memory_space<semaphore_mem>>) src(%arg3 : memref<128x128xf32, #tpu.memory_space<hbm>>) dst(%arg7 : memref<128x128xf32, #tpu.memory_space<vmem>>)
      tpu.yield
    }) : () -> ()
    %barrier3A = arith.constant 0 : index
    tpu.barrier barrier_id(%barrier3A)
    %dma_start3A = arith.constant 0 : i32
    %dma_start3A_3 = arith.constant 0 : i32
    %dma_start3A_4 = tpu.memref_slice %arg6[%dma_start3A, %dma_start3A_3] : memref<88x128xi32, #tpu.memory_space<vmem>> -> memref<1x128xi32, #tpu.memory_space<vmem>>
    %dma_start3A_5 = tpu.memref_squeeze %dma_start3A_4 : memref<1x128xi32, #tpu.memory_space<vmem>> -> memref<128xi32, #tpu.memory_space<vmem>>
    %dma_start3A_6 = arith.constant 0 : i32
    %dma_start3A_7 = arith.constant 0 : i32
    %dma_start3A_8 = tpu.memref_slice %arg8[%dma_start3A_6, %dma_start3A_7] : memref<10112x128xf32, #tpu.memory_space<vmem_shared>> -> memref<10112x128xf32, #tpu.memory_space<vmem_shared>>
    tpu.enqueue_indirect_dma source(%arg7 : memref<128x128xf32, #tpu.memory_space<vmem>>) target(%dma_start3A_8 : memref<10112x128xf32, #tpu.memory_space<vmem_shared>>) offsets(%dma_start3A_5 : memref<128xi32, #tpu.memory_space<vmem>>) semaphore(%arg9 : memref<!tpu.dma_semaphore, #tpu.memory_space<semaphore_mem>>) {add = true}
    %dma_start3A_9 = arith.constant 1 : i32
    %dma_start3A_10 = arith.constant 0 : i32
    %dma_start3A_11 = tpu.memref_slice %arg6[%dma_start3A_9, %dma_start3A_10] : memref<88x128xi32, #tpu.memory_space<vmem>> -> memref<1x128xi32, #tpu.memory_space<vmem>>
    %dma_start3A_12 = tpu.memref_squeeze %dma_start3A_11 : memref<1x128xi32, #tpu.memory_space<vmem>> -> memref<128xi32, #tpu.memory_space<vmem>>
    %dma_start3A_13 = arith.constant 0 : i32
    %dma_start3A_14 = arith.constant 0 : i32
    %dma_start3A_15 = tpu.memref_slice %arg8[%dma_start3A_13, %dma_start3A_14] : memref<10112x128xf32, #tpu.memory_space<vmem_shared>> -> memref<10112x128xf32, #tpu.memory_space<vmem_shared>>
    tpu.enqueue_indirect_dma source(%arg7 : memref<128x128xf32, #tpu.memory_space<vmem>>) target(%dma_start3A_15 : memref<10112x128xf32, #tpu.memory_space<vmem_shared>>) offsets(%dma_start3A_12 : memref<128xi32, #tpu.memory_space<vmem>>) semaphore(%arg9 : memref<!tpu.dma_semaphore, #tpu.memory_space<semaphore_mem>>) {add = true}
    %dma_start3A_16 = arith.constant 2 : i32
    %dma_start3A_17 = arith.constant 0 : i32
    %dma_start3A_18 = tpu.memref_slice %arg6[%dma_start3A_16, %dma_start3A_17] : memref<88x128xi32, #tpu.memory_space<vmem>> -> memref<1x128xi32, #tpu.memory_space<vmem>>
    %dma_start3A_19 = tpu.memref_squeeze %dma_start3A_18 : memref<1x128xi32, #tpu.memory_space<vmem>> -> memref<128xi32, #tpu.memory_space<vmem>>
    %dma_start3A_20 = arith.constant 0 : i32
    %dma_start3A_21 = arith.constant 0 : i32
    %dma_start3A_22 = tpu.memref_slice %arg8[%dma_start3A_20, %dma_start3A_21] : memref<10112x128xf32, #tpu.memory_space<vmem_shared>> -> memref<10112x128xf32, #tpu.memory_space<vmem_shared>>
    tpu.enqueue_indirect_dma source(%arg7 : memref<128x128xf32, #tpu.memory_space<vmem>>) target(%dma_start3A_22 : memref<10112x128xf32, #tpu.memory_space<vmem_shared>>) offsets(%dma_start3A_19 : memref<128xi32, #tpu.memory_space<vmem>>) semaphore(%arg9 : memref<!tpu.dma_semaphore, #tpu.memory_space<semaphore_mem>>) {add = true}
    %dma_start3A_23 = arith.constant 3 : i32
    %dma_start3A_24 = arith.constant 0 : i32
    %dma_start3A_25 = tpu.memref_slice %arg6[%dma_start3A_23, %dma_start3A_24] : memref<88x128xi32, #tpu.memory_space<vmem>> -> memref<1x128xi32, #tpu.memory_space<vmem>>
    %dma_start3A_26 = tpu.memref_squeeze %dma_start3A_25 : memref<1x128xi32, #tpu.memory_space<vmem>> -> memref<128xi32, #tpu.memory_space<vmem>>
    %dma_start3A_27 = arith.constant 0 : i32
    %dma_start3A_28 = arith.constant 0 : i32
    %dma_start3A_29 = tpu.memref_slice %arg8[%dma_start3A_27, %dma_start3A_28] : memref<10112x128xf32, #tpu.memory_space<vmem_shared>> -> memref<10112x128xf32, #tpu.memory_space<vmem_shared>>
    tpu.enqueue_indirect_dma source(%arg7 : memref<128x128xf32, #tpu.memory_space<vmem>>) target(%dma_start3A_29 : memref<10112x128xf32, #tpu.memory_space<vmem_shared>>) offsets(%dma_start3A_26 : memref<128xi32, #tpu.memory_space<vmem>>) semaphore(%arg9 : memref<!tpu.dma_semaphore, #tpu.memory_space<semaphore_mem>>) {add = true}
    %dma_start3A_30 = arith.constant 4 : i32
    %dma_start3A_31 = arith.constant 0 : i32
    %dma_start3A_32 = tpu.memref_slice %arg6[%dma_start3A_30, %dma_start3A_31] : memref<88x128xi32, #tpu.memory_space<vmem>> -> memref<1x128xi32, #tpu.memory_space<vmem>>
    %dma_start3A_33 = tpu.memref_squeeze %dma_start3A_32 : memref<1x128xi32, #tpu.memory_space<vmem>> -> memref<128xi32, #tpu.memory_space<vmem>>
    %dma_start3A_34 = arith.constant 0 : i32
    %dma_start3A_35 = arith.constant 0 : i32
    %dma_start3A_36 = tpu.memref_slice %arg8[%dma_start3A_34, %dma_start3A_35] : memref<10112x128xf32, #tpu.memory_space<vmem_shared>> -> memref<10112x128xf32, #tpu.memory_space<vmem_shared>>
    tpu.enqueue_indirect_dma source(%arg7 : memref<128x128xf32, #tpu.memory_space<vmem>>) target(%dma_start3A_36 : memref<10112x128xf32, #tpu.memory_space<vmem_shared>>) offsets(%dma_start3A_33 : memref<128xi32, #tpu.memory_space<vmem>>) semaphore(%arg9 : memref<!tpu.dma_semaphore, #tpu.memory_space<semaphore_mem>>) {add = true}
    %dma_start3A_37 = arith.constant 5 : i32
    %dma_start3A_38 = arith.constant 0 : i32
    %dma_start3A_39 = tpu.memref_slice %arg6[%dma_start3A_37, %dma_start3A_38] : memref<88x128xi32, #tpu.memory_space<vmem>> -> memref<1x128xi32, #tpu.memory_space<vmem>>
    %dma_start3A_40 = tpu.memref_squeeze %dma_start3A_39 : memref<1x128xi32, #tpu.memory_space<vmem>> -> memref<128xi32, #tpu.memory_space<vmem>>
    %dma_start3A_41 = arith.constant 0 : i32
    %dma_start3A_42 = arith.constant 0 : i32
    %dma_start3A_43 = tpu.memref_slice %arg8[%dma_start3A_41, %dma_start3A_42] : memref<10112x128xf32, #tpu.memory_space<vmem_shared>> -> memref<10112x128xf32, #tpu.memory_space<vmem_shared>>
    tpu.enqueue_indirect_dma source(%arg7 : memref<128x128xf32, #tpu.memory_space<vmem>>) target(%dma_start3A_43 : memref<10112x128xf32, #tpu.memory_space<vmem_shared>>) offsets(%dma_start3A_40 : memref<128xi32, #tpu.memory_space<vmem>>) semaphore(%arg9 : memref<!tpu.dma_semaphore, #tpu.memory_space<semaphore_mem>>) {add = true}
    %dma_start3A_44 = arith.constant 6 : i32
    %dma_start3A_45 = arith.constant 0 : i32
    %dma_start3A_46 = tpu.memref_slice %arg6[%dma_start3A_44, %dma_start3A_45] : memref<88x128xi32, #tpu.memory_space<vmem>> -> memref<1x128xi32, #tpu.memory_space<vmem>>
    %dma_start3A_47 = tpu.memref_squeeze %dma_start3A_46 : memref<1x128xi32, #tpu.memory_space<vmem>> -> memref<128xi32, #tpu.memory_space<vmem>>
    %dma_start3A_48 = arith.constant 0 : i32
    %dma_start3A_49 = arith.constant 0 : i32
    %dma_start3A_50 = tpu.memref_slice %arg8[%dma_start3A_48, %dma_start3A_49] : memref<10112x128xf32, #tpu.memory_space<vmem_shared>> -> memref<10112x128xf32, #tpu.memory_space<vmem_shared>>
    tpu.enqueue_indirect_dma source(%arg7 : memref<128x128xf32, #tpu.memory_space<vmem>>) target(%dma_start3A_50 : memref<10112x128xf32, #tpu.memory_space<vmem_shared>>) offsets(%dma_start3A_47 : memref<128xi32, #tpu.memory_space<vmem>>) semaphore(%arg9 : memref<!tpu.dma_semaphore, #tpu.memory_space<semaphore_mem>>) {add = true}
    %dma_start3A_51 = arith.constant 7 : i32
    %dma_start3A_52 = arith.constant 0 : i32
    %dma_start3A_53 = tpu.memref_slice %arg6[%dma_start3A_51, %dma_start3A_52] : memref<88x128xi32, #tpu.memory_space<vmem>> -> memref<1x128xi32, #tpu.memory_space<vmem>>
    %dma_start3A_54 = tpu.memref_squeeze %dma_start3A_53 : memref<1x128xi32, #tpu.memory_space<vmem>> -> memref<128xi32, #tpu.memory_space<vmem>>
    %dma_start3A_55 = arith.constant 0 : i32
    %dma_start3A_56 = arith.constant 0 : i32
    %dma_start3A_57 = tpu.memref_slice %arg8[%dma_start3A_55, %dma_start3A_56] : memref<10112x128xf32, #tpu.memory_space<vmem_shared>> -> memref<10112x128xf32, #tpu.memory_space<vmem_shared>>
    tpu.enqueue_indirect_dma source(%arg7 : memref<128x128xf32, #tpu.memory_space<vmem>>) target(%dma_start3A_57 : memref<10112x128xf32, #tpu.memory_space<vmem_shared>>) offsets(%dma_start3A_54 : memref<128xi32, #tpu.memory_space<vmem>>) semaphore(%arg9 : memref<!tpu.dma_semaphore, #tpu.memory_space<semaphore_mem>>) {add = true}
    %scan3A = arith.constant 0 : i32
    %scan3A_58 = arith.constant 0 : i32
    %scan3A_59 = arith.constant 9 : i32
    %scan3A_60 = arith.addi %scan3A_58, %scan3A_59 : i32
    %scan3A_61 = arith.constant 1 : i32
    scf.for %scan3A_123 = %scan3A_58 to %scan3A_60 step %scan3A_61  : i32 {
      %add3A_124 = arith.constant 1 : i32
      %add3A_125 = arith.addi %scan3A_123, %add3A_124 : i32
      %mul3A_126 = arith.constant 8 : i32
      %mul3A_127 = arith.muli %add3A_125, %mul3A_126 : i32
      %add3A_128 = arith.constant 0 : i32
      %add3A_129 = arith.addi %mul3A_127, %add3A_128 : i32
      %dma_start3A_130 = arith.constant 0 : i32
      %dma_start3A_131 = tpu.memref_slice %arg6[%add3A_129, %dma_start3A_130] : memref<88x128xi32, #tpu.memory_space<vmem>> -> memref<1x128xi32, #tpu.memory_space<vmem>>
      %dma_start3A_132 = tpu.memref_squeeze %dma_start3A_131 : memref<1x128xi32, #tpu.memory_space<vmem>> -> memref<128xi32, #tpu.memory_space<vmem>>
      %dma_start3A_133 = arith.constant 0 : i32
      %dma_start3A_134 = arith.constant 0 : i32
      %dma_start3A_135 = tpu.memref_slice %arg8[%dma_start3A_133, %dma_start3A_134] : memref<10112x128xf32, #tpu.memory_space<vmem_shared>> -> memref<10112x128xf32, #tpu.memory_space<vmem_shared>>
      tpu.enqueue_indirect_dma source(%arg7 : memref<128x128xf32, #tpu.memory_space<vmem>>) target(%dma_start3A_135 : memref<10112x128xf32, #tpu.memory_space<vmem_shared>>) offsets(%dma_start3A_132 : memref<128xi32, #tpu.memory_space<vmem>>) semaphore(%arg9 : memref<!tpu.dma_semaphore, #tpu.memory_space<semaphore_mem>>) {add = true}
      %mul3A_136 = arith.constant 8 : i32
      %mul3A_137 = arith.muli %add3A_125, %mul3A_136 : i32
      %add3A_138 = arith.constant 1 : i32
      %add3A_139 = arith.addi %mul3A_137, %add3A_138 : i32
      %dma_start3A_140 = arith.constant 0 : i32
      %dma_start3A_141 = tpu.memref_slice %arg6[%add3A_139, %dma_start3A_140] : memref<88x128xi32, #tpu.memory_space<vmem>> -> memref<1x128xi32, #tpu.memory_space<vmem>>
      %dma_start3A_142 = tpu.memref_squeeze %dma_start3A_141 : memref<1x128xi32, #tpu.memory_space<vmem>> -> memref<128xi32, #tpu.memory_space<vmem>>
      %dma_start3A_143 = arith.constant 0 : i32
      %dma_start3A_144 = arith.constant 0 : i32
      %dma_start3A_145 = tpu.memref_slice %arg8[%dma_start3A_143, %dma_start3A_144] : memref<10112x128xf32, #tpu.memory_space<vmem_shared>> -> memref<10112x128xf32, #tpu.memory_space<vmem_shared>>
      tpu.enqueue_indirect_dma source(%arg7 : memref<128x128xf32, #tpu.memory_space<vmem>>) target(%dma_start3A_145 : memref<10112x128xf32, #tpu.memory_space<vmem_shared>>) offsets(%dma_start3A_142 : memref<128xi32, #tpu.memory_space<vmem>>) semaphore(%arg9 : memref<!tpu.dma_semaphore, #tpu.memory_space<semaphore_mem>>) {add = true}
      %mul3A_146 = arith.constant 8 : i32
      %mul3A_147 = arith.muli %add3A_125, %mul3A_146 : i32
      %add3A_148 = arith.constant 2 : i32
      %add3A_149 = arith.addi %mul3A_147, %add3A_148 : i32
      %dma_start3A_150 = arith.constant 0 : i32
      %dma_start3A_151 = tpu.memref_slice %arg6[%add3A_149, %dma_start3A_150] : memref<88x128xi32, #tpu.memory_space<vmem>> -> memref<1x128xi32, #tpu.memory_space<vmem>>
      %dma_start3A_152 = tpu.memref_squeeze %dma_start3A_151 : memref<1x128xi32, #tpu.memory_space<vmem>> -> memref<128xi32, #tpu.memory_space<vmem>>
      %dma_start3A_153 = arith.constant 0 : i32
      %dma_start3A_154 = arith.constant 0 : i32
      %dma_start3A_155 = tpu.memref_slice %arg8[%dma_start3A_153, %dma_start3A_154] : memref<10112x128xf32, #tpu.memory_space<vmem_shared>> -> memref<10112x128xf32, #tpu.memory_space<vmem_shared>>
      tpu.enqueue_indirect_dma source(%arg7 : memref<128x128xf32, #tpu.memory_space<vmem>>) target(%dma_start3A_155 : memref<10112x128xf32, #tpu.memory_space<vmem_shared>>) offsets(%dma_start3A_152 : memref<128xi32, #tpu.memory_space<vmem>>) semaphore(%arg9 : memref<!tpu.dma_semaphore, #tpu.memory_space<semaphore_mem>>) {add = true}
      %mul3A_156 = arith.constant 8 : i32
      %mul3A_157 = arith.muli %add3A_125, %mul3A_156 : i32
      %add3A_158 = arith.constant 3 : i32
      %add3A_159 = arith.addi %mul3A_157, %add3A_158 : i32
      %dma_start3A_160 = arith.constant 0 : i32
      %dma_start3A_161 = tpu.memref_slice %arg6[%add3A_159, %dma_start3A_160] : memref<88x128xi32, #tpu.memory_space<vmem>> -> memref<1x128xi32, #tpu.memory_space<vmem>>
      %dma_start3A_162 = tpu.memref_squeeze %dma_start3A_161 : memref<1x128xi32, #tpu.memory_space<vmem>> -> memref<128xi32, #tpu.memory_space<vmem>>
      %dma_start3A_163 = arith.constant 0 : i32
      %dma_start3A_164 = arith.constant 0 : i32
      %dma_start3A_165 = tpu.memref_slice %arg8[%dma_start3A_163, %dma_start3A_164] : memref<10112x128xf32, #tpu.memory_space<vmem_shared>> -> memref<10112x128xf32, #tpu.memory_space<vmem_shared>>
      tpu.enqueue_indirect_dma source(%arg7 : memref<128x128xf32, #tpu.memory_space<vmem>>) target(%dma_start3A_165 : memref<10112x128xf32, #tpu.memory_space<vmem_shared>>) offsets(%dma_start3A_162 : memref<128xi32, #tpu.memory_space<vmem>>) semaphore(%arg9 : memref<!tpu.dma_semaphore, #tpu.memory_space<semaphore_mem>>) {add = true}
      %mul3A_166 = arith.constant 8 : i32
      %mul3A_167 = arith.muli %add3A_125, %mul3A_166 : i32
      %add3A_168 = arith.constant 4 : i32
      %add3A_169 = arith.addi %mul3A_167, %add3A_168 : i32
      %dma_start3A_170 = arith.constant 0 : i32
      %dma_start3A_171 = tpu.memref_slice %arg6[%add3A_169, %dma_start3A_170] : memref<88x128xi32, #tpu.memory_space<vmem>> -> memref<1x128xi32, #tpu.memory_space<vmem>>
      %dma_start3A_172 = tpu.memref_squeeze %dma_start3A_171 : memref<1x128xi32, #tpu.memory_space<vmem>> -> memref<128xi32, #tpu.memory_space<vmem>>
      %dma_start3A_173 = arith.constant 0 : i32
      %dma_start3A_174 = arith.constant 0 : i32
      %dma_start3A_175 = tpu.memref_slice %arg8[%dma_start3A_173, %dma_start3A_174] : memref<10112x128xf32, #tpu.memory_space<vmem_shared>> -> memref<10112x128xf32, #tpu.memory_space<vmem_shared>>
      tpu.enqueue_indirect_dma source(%arg7 : memref<128x128xf32, #tpu.memory_space<vmem>>) target(%dma_start3A_175 : memref<10112x128xf32, #tpu.memory_space<vmem_shared>>) offsets(%dma_start3A_172 : memref<128xi32, #tpu.memory_space<vmem>>) semaphore(%arg9 : memref<!tpu.dma_semaphore, #tpu.memory_space<semaphore_mem>>) {add = true}
      %mul3A_176 = arith.constant 8 : i32
      %mul3A_177 = arith.muli %add3A_125, %mul3A_176 : i32
      %add3A_178 = arith.constant 5 : i32
      %add3A_179 = arith.addi %mul3A_177, %add3A_178 : i32
      %dma_start3A_180 = arith.constant 0 : i32
      %dma_start3A_181 = tpu.memref_slice %arg6[%add3A_179, %dma_start3A_180] : memref<88x128xi32, #tpu.memory_space<vmem>> -> memref<1x128xi32, #tpu.memory_space<vmem>>
      %dma_start3A_182 = tpu.memref_squeeze %dma_start3A_181 : memref<1x128xi32, #tpu.memory_space<vmem>> -> memref<128xi32, #tpu.memory_space<vmem>>
      %dma_start3A_183 = arith.constant 0 : i32
      %dma_start3A_184 = arith.constant 0 : i32
      %dma_start3A_185 = tpu.memref_slice %arg8[%dma_start3A_183, %dma_start3A_184] : memref<10112x128xf32, #tpu.memory_space<vmem_shared>> -> memref<10112x128xf32, #tpu.memory_space<vmem_shared>>
      tpu.enqueue_indirect_dma source(%arg7 : memref<128x128xf32, #tpu.memory_space<vmem>>) target(%dma_start3A_185 : memref<10112x128xf32, #tpu.memory_space<vmem_shared>>) offsets(%dma_start3A_182 : memref<128xi32, #tpu.memory_space<vmem>>) semaphore(%arg9 : memref<!tpu.dma_semaphore, #tpu.memory_space<semaphore_mem>>) {add = true}
      %mul3A_186 = arith.constant 8 : i32
      %mul3A_187 = arith.muli %add3A_125, %mul3A_186 : i32
      %add3A_188 = arith.constant 6 : i32
      %add3A_189 = arith.addi %mul3A_187, %add3A_188 : i32
      %dma_start3A_190 = arith.constant 0 : i32
      %dma_start3A_191 = tpu.memref_slice %arg6[%add3A_189, %dma_start3A_190] : memref<88x128xi32, #tpu.memory_space<vmem>> -> memref<1x128xi32, #tpu.memory_space<vmem>>
      %dma_start3A_192 = tpu.memref_squeeze %dma_start3A_191 : memref<1x128xi32, #tpu.memory_space<vmem>> -> memref<128xi32, #tpu.memory_space<vmem>>
      %dma_start3A_193 = arith.constant 0 : i32
      %dma_start3A_194 = arith.constant 0 : i32
      %dma_start3A_195 = tpu.memref_slice %arg8[%dma_start3A_193, %dma_start3A_194] : memref<10112x128xf32, #tpu.memory_space<vmem_shared>> -> memref<10112x128xf32, #tpu.memory_space<vmem_shared>>
      tpu.enqueue_indirect_dma source(%arg7 : memref<128x128xf32, #tpu.memory_space<vmem>>) target(%dma_start3A_195 : memref<10112x128xf32, #tpu.memory_space<vmem_shared>>) offsets(%dma_start3A_192 : memref<128xi32, #tpu.memory_space<vmem>>) semaphore(%arg9 : memref<!tpu.dma_semaphore, #tpu.memory_space<semaphore_mem>>) {add = true}
      %mul3A_196 = arith.constant 8 : i32
      %mul3A_197 = arith.muli %add3A_125, %mul3A_196 : i32
      %add3A_198 = arith.constant 7 : i32
      %add3A_199 = arith.addi %mul3A_197, %add3A_198 : i32
      %dma_start3A_200 = arith.constant 0 : i32
      %dma_start3A_201 = tpu.memref_slice %arg6[%add3A_199, %dma_start3A_200] : memref<88x128xi32, #tpu.memory_space<vmem>> -> memref<1x128xi32, #tpu.memory_space<vmem>>
      %dma_start3A_202 = tpu.memref_squeeze %dma_start3A_201 : memref<1x128xi32, #tpu.memory_space<vmem>> -> memref<128xi32, #tpu.memory_space<vmem>>
      %dma_start3A_203 = arith.constant 0 : i32
      %dma_start3A_204 = arith.constant 0 : i32
      %dma_start3A_205 = tpu.memref_slice %arg8[%dma_start3A_203, %dma_start3A_204] : memref<10112x128xf32, #tpu.memory_space<vmem_shared>> -> memref<10112x128xf32, #tpu.memory_space<vmem_shared>>
      tpu.enqueue_indirect_dma source(%arg7 : memref<128x128xf32, #tpu.memory_space<vmem>>) target(%dma_start3A_205 : memref<10112x128xf32, #tpu.memory_space<vmem_shared>>) offsets(%dma_start3A_202 : memref<128xi32, #tpu.memory_space<vmem>>) semaphore(%arg9 : memref<!tpu.dma_semaphore, #tpu.memory_space<semaphore_mem>>) {add = true}
      %dma_wait3A_206 = arith.constant 0 : i32
      %dma_wait3A_207 = arith.constant 0 : i32
      %dma_wait3A_208 = tpu.memref_slice %arg6[%dma_wait3A_206, %dma_wait3A_207] : memref<88x128xi32, #tpu.memory_space<vmem>> -> memref<1x128xi32, #tpu.memory_space<vmem>>
      %dma_wait3A_209 = tpu.memref_squeeze %dma_wait3A_208 : memref<1x128xi32, #tpu.memory_space<vmem>> -> memref<128xi32, #tpu.memory_space<vmem>>
      %dma_wait3A_210 = arith.constant 0 : i32
      %dma_wait3A_211 = arith.constant 0 : i32
      %dma_wait3A_212 = tpu.memref_slice %arg8[%dma_wait3A_210, %dma_wait3A_211] : memref<10112x128xf32, #tpu.memory_space<vmem_shared>> -> memref<10112x128xf32, #tpu.memory_space<vmem_shared>>
      tpu.wait_indirect_dma semaphore(%arg9 : memref<!tpu.dma_semaphore, #tpu.memory_space<semaphore_mem>>) src(%arg7 : memref<128x128xf32, #tpu.memory_space<vmem>>) dst(%dma_wait3A_212 : memref<10112x128xf32, #tpu.memory_space<vmem_shared>>)
      %dma_wait3A_213 = arith.constant 0 : i32
      %dma_wait3A_214 = arith.constant 0 : i32
      %dma_wait3A_215 = tpu.memref_slice %arg6[%dma_wait3A_213, %dma_wait3A_214] : memref<88x128xi32, #tpu.memory_space<vmem>> -> memref<1x128xi32, #tpu.memory_space<vmem>>
      %dma_wait3A_216 = tpu.memref_squeeze %dma_wait3A_215 : memref<1x128xi32, #tpu.memory_space<vmem>> -> memref<128xi32, #tpu.memory_space<vmem>>
      %dma_wait3A_217 = arith.constant 0 : i32
      %dma_wait3A_218 = arith.constant 0 : i32
      %dma_wait3A_219 = tpu.memref_slice %arg8[%dma_wait3A_217, %dma_wait3A_218] : memref<10112x128xf32, #tpu.memory_space<vmem_shared>> -> memref<10112x128xf32, #tpu.memory_space<vmem_shared>>
      tpu.wait_indirect_dma semaphore(%arg9 : memref<!tpu.dma_semaphore, #tpu.memory_space<semaphore_mem>>) src(%arg7 : memref<128x128xf32, #tpu.memory_space<vmem>>) dst(%dma_wait3A_219 : memref<10112x128xf32, #tpu.memory_space<vmem_shared>>)
      %dma_wait3A_220 = arith.constant 0 : i32
      %dma_wait3A_221 = arith.constant 0 : i32
      %dma_wait3A_222 = tpu.memref_slice %arg6[%dma_wait3A_220, %dma_wait3A_221] : memref<88x128xi32, #tpu.memory_space<vmem>> -> memref<1x128xi32, #tpu.memory_space<vmem>>
      %dma_wait3A_223 = tpu.memref_squeeze %dma_wait3A_222 : memref<1x128xi32, #tpu.memory_space<vmem>> -> memref<128xi32, #tpu.memory_space<vmem>>
      %dma_wait3A_224 = arith.constant 0 : i32
      %dma_wait3A_225 = arith.constant 0 : i32
      %dma_wait3A_226 = tpu.memref_slice %arg8[%dma_wait3A_224, %dma_wait3A_225] : memref<10112x128xf32, #tpu.memory_space<vmem_shared>> -> memref<10112x128xf32, #tpu.memory_space<vmem_shared>>
      tpu.wait_indirect_dma semaphore(%arg9 : memref<!tpu.dma_semaphore, #tpu.memory_space<semaphore_mem>>) src(%arg7 : memref<128x128xf32, #tpu.memory_space<vmem>>) dst(%dma_wait3A_226 : memref<10112x128xf32, #tpu.memory_space<vmem_shared>>)
      %dma_wait3A_227 = arith.constant 0 : i32
      %dma_wait3A_228 = arith.constant 0 : i32
      %dma_wait3A_229 = tpu.memref_slice %arg6[%dma_wait3A_227, %dma_wait3A_228] : memref<88x128xi32, #tpu.memory_space<vmem>> -> memref<1x128xi32, #tpu.memory_space<vmem>>
      %dma_wait3A_230 = tpu.memref_squeeze %dma_wait3A_229 : memref<1x128xi32, #tpu.memory_space<vmem>> -> memref<128xi32, #tpu.memory_space<vmem>>
      %dma_wait3A_231 = arith.constant 0 : i32
      %dma_wait3A_232 = arith.constant 0 : i32
      %dma_wait3A_233 = tpu.memref_slice %arg8[%dma_wait3A_231, %dma_wait3A_232] : memref<10112x128xf32, #tpu.memory_space<vmem_shared>> -> memref<10112x128xf32, #tpu.memory_space<vmem_shared>>
      tpu.wait_indirect_dma semaphore(%arg9 : memref<!tpu.dma_semaphore, #tpu.memory_space<semaphore_mem>>) src(%arg7 : memref<128x128xf32, #tpu.memory_space<vmem>>) dst(%dma_wait3A_233 : memref<10112x128xf32, #tpu.memory_space<vmem_shared>>)
      %dma_wait3A_234 = arith.constant 0 : i32
      %dma_wait3A_235 = arith.constant 0 : i32
      %dma_wait3A_236 = tpu.memref_slice %arg6[%dma_wait3A_234, %dma_wait3A_235] : memref<88x128xi32, #tpu.memory_space<vmem>> -> memref<1x128xi32, #tpu.memory_space<vmem>>
      %dma_wait3A_237 = tpu.memref_squeeze %dma_wait3A_236 : memref<1x128xi32, #tpu.memory_space<vmem>> -> memref<128xi32, #tpu.memory_space<vmem>>
      %dma_wait3A_238 = arith.constant 0 : i32
      %dma_wait3A_239 = arith.constant 0 : i32
      %dma_wait3A_240 = tpu.memref_slice %arg8[%dma_wait3A_238, %dma_wait3A_239] : memref<10112x128xf32, #tpu.memory_space<vmem_shared>> -> memref<10112x128xf32, #tpu.memory_space<vmem_shared>>
      tpu.wait_indirect_dma semaphore(%arg9 : memref<!tpu.dma_semaphore, #tpu.memory_space<semaphore_mem>>) src(%arg7 : memref<128x128xf32, #tpu.memory_space<vmem>>) dst(%dma_wait3A_240 : memref<10112x128xf32, #tpu.memory_space<vmem_shared>>)
      %dma_wait3A_241 = arith.constant 0 : i32
      %dma_wait3A_242 = arith.constant 0 : i32
      %dma_wait3A_243 = tpu.memref_slice %arg6[%dma_wait3A_241, %dma_wait3A_242] : memref<88x128xi32, #tpu.memory_space<vmem>> -> memref<1x128xi32, #tpu.memory_space<vmem>>
      %dma_wait3A_244 = tpu.memref_squeeze %dma_wait3A_243 : memref<1x128xi32, #tpu.memory_space<vmem>> -> memref<128xi32, #tpu.memory_space<vmem>>
      %dma_wait3A_245 = arith.constant 0 : i32
      %dma_wait3A_246 = arith.constant 0 : i32
      %dma_wait3A_247 = tpu.memref_slice %arg8[%dma_wait3A_245, %dma_wait3A_246] : memref<10112x128xf32, #tpu.memory_space<vmem_shared>> -> memref<10112x128xf32, #tpu.memory_space<vmem_shared>>
      tpu.wait_indirect_dma semaphore(%arg9 : memref<!tpu.dma_semaphore, #tpu.memory_space<semaphore_mem>>) src(%arg7 : memref<128x128xf32, #tpu.memory_space<vmem>>) dst(%dma_wait3A_247 : memref<10112x128xf32, #tpu.memory_space<vmem_shared>>)
      %dma_wait3A_248 = arith.constant 0 : i32
      %dma_wait3A_249 = arith.constant 0 : i32
      %dma_wait3A_250 = tpu.memref_slice %arg6[%dma_wait3A_248, %dma_wait3A_249] : memref<88x128xi32, #tpu.memory_space<vmem>> -> memref<1x128xi32, #tpu.memory_space<vmem>>
      %dma_wait3A_251 = tpu.memref_squeeze %dma_wait3A_250 : memref<1x128xi32, #tpu.memory_space<vmem>> -> memref<128xi32, #tpu.memory_space<vmem>>
      %dma_wait3A_252 = arith.constant 0 : i32
      %dma_wait3A_253 = arith.constant 0 : i32
      %dma_wait3A_254 = tpu.memref_slice %arg8[%dma_wait3A_252, %dma_wait3A_253] : memref<10112x128xf32, #tpu.memory_space<vmem_shared>> -> memref<10112x128xf32, #tpu.memory_space<vmem_shared>>
      tpu.wait_indirect_dma semaphore(%arg9 : memref<!tpu.dma_semaphore, #tpu.memory_space<semaphore_mem>>) src(%arg7 : memref<128x128xf32, #tpu.memory_space<vmem>>) dst(%dma_wait3A_254 : memref<10112x128xf32, #tpu.memory_space<vmem_shared>>)
      %dma_wait3A_255 = arith.constant 0 : i32
      %dma_wait3A_256 = arith.constant 0 : i32
      %dma_wait3A_257 = tpu.memref_slice %arg6[%dma_wait3A_255, %dma_wait3A_256] : memref<88x128xi32, #tpu.memory_space<vmem>> -> memref<1x128xi32, #tpu.memory_space<vmem>>
      %dma_wait3A_258 = tpu.memref_squeeze %dma_wait3A_257 : memref<1x128xi32, #tpu.memory_space<vmem>> -> memref<128xi32, #tpu.memory_space<vmem>>
      %dma_wait3A_259 = arith.constant 0 : i32
      %dma_wait3A_260 = arith.constant 0 : i32
      %dma_wait3A_261 = tpu.memref_slice %arg8[%dma_wait3A_259, %dma_wait3A_260] : memref<10112x128xf32, #tpu.memory_space<vmem_shared>> -> memref<10112x128xf32, #tpu.memory_space<vmem_shared>>
      tpu.wait_indirect_dma semaphore(%arg9 : memref<!tpu.dma_semaphore, #tpu.memory_space<semaphore_mem>>) src(%arg7 : memref<128x128xf32, #tpu.memory_space<vmem>>) dst(%dma_wait3A_261 : memref<10112x128xf32, #tpu.memory_space<vmem_shared>>)
    }
    %scan3A_62 = arith.constant 9 : i32
    %dma_wait3A = arith.constant 0 : i32
    %dma_wait3A_63 = arith.constant 0 : i32
    %dma_wait3A_64 = tpu.memref_slice %arg6[%dma_wait3A, %dma_wait3A_63] : memref<88x128xi32, #tpu.memory_space<vmem>> -> memref<1x128xi32, #tpu.memory_space<vmem>>
    %dma_wait3A_65 = tpu.memref_squeeze %dma_wait3A_64 : memref<1x128xi32, #tpu.memory_space<vmem>> -> memref<128xi32, #tpu.memory_space<vmem>>
    %dma_wait3A_66 = arith.constant 0 : i32
    %dma_wait3A_67 = arith.constant 0 : i32
    %dma_wait3A_68 = tpu.memref_slice %arg8[%dma_wait3A_66, %dma_wait3A_67] : memref<10112x128xf32, #tpu.memory_space<vmem_shared>> -> memref<10112x128xf32, #tpu.memory_space<vmem_shared>>
    tpu.wait_indirect_dma semaphore(%arg9 : memref<!tpu.dma_semaphore, #tpu.memory_space<semaphore_mem>>) src(%arg7 : memref<128x128xf32, #tpu.memory_space<vmem>>) dst(%dma_wait3A_68 : memref<10112x128xf32, #tpu.memory_space<vmem_shared>>)
    %dma_wait3A_69 = arith.constant 0 : i32
    %dma_wait3A_70 = arith.constant 0 : i32
    %dma_wait3A_71 = tpu.memref_slice %arg6[%dma_wait3A_69, %dma_wait3A_70] : memref<88x128xi32, #tpu.memory_space<vmem>> -> memref<1x128xi32, #tpu.memory_space<vmem>>
    %dma_wait3A_72 = tpu.memref_squeeze %dma_wait3A_71 : memref<1x128xi32, #tpu.memory_space<vmem>> -> memref<128xi32, #tpu.memory_space<vmem>>
    %dma_wait3A_73 = arith.constant 0 : i32
    %dma_wait3A_74 = arith.constant 0 : i32
    %dma_wait3A_75 = tpu.memref_slice %arg8[%dma_wait3A_73, %dma_wait3A_74] : memref<10112x128xf32, #tpu.memory_space<vmem_shared>> -> memref<10112x128xf32, #tpu.memory_space<vmem_shared>>
    tpu.wait_indirect_dma semaphore(%arg9 : memref<!tpu.dma_semaphore, #tpu.memory_space<semaphore_mem>>) src(%arg7 : memref<128x128xf32, #tpu.memory_space<vmem>>) dst(%dma_wait3A_75 : memref<10112x128xf32, #tpu.memory_space<vmem_shared>>)
    %dma_wait3A_76 = arith.constant 0 : i32
    %dma_wait3A_77 = arith.constant 0 : i32
    %dma_wait3A_78 = tpu.memref_slice %arg6[%dma_wait3A_76, %dma_wait3A_77] : memref<88x128xi32, #tpu.memory_space<vmem>> -> memref<1x128xi32, #tpu.memory_space<vmem>>
    %dma_wait3A_79 = tpu.memref_squeeze %dma_wait3A_78 : memref<1x128xi32, #tpu.memory_space<vmem>> -> memref<128xi32, #tpu.memory_space<vmem>>
    %dma_wait3A_80 = arith.constant 0 : i32
    %dma_wait3A_81 = arith.constant 0 : i32
    %dma_wait3A_82 = tpu.memref_slice %arg8[%dma_wait3A_80, %dma_wait3A_81] : memref<10112x128xf32, #tpu.memory_space<vmem_shared>> -> memref<10112x128xf32, #tpu.memory_space<vmem_shared>>
    tpu.wait_indirect_dma semaphore(%arg9 : memref<!tpu.dma_semaphore, #tpu.memory_space<semaphore_mem>>) src(%arg7 : memref<128x128xf32, #tpu.memory_space<vmem>>) dst(%dma_wait3A_82 : memref<10112x128xf32, #tpu.memory_space<vmem_shared>>)
    %dma_wait3A_83 = arith.constant 0 : i32
    %dma_wait3A_84 = arith.constant 0 : i32
    %dma_wait3A_85 = tpu.memref_slice %arg6[%dma_wait3A_83, %dma_wait3A_84] : memref<88x128xi32, #tpu.memory_space<vmem>> -> memref<1x128xi32, #tpu.memory_space<vmem>>
    %dma_wait3A_86 = tpu.memref_squeeze %dma_wait3A_85 : memref<1x128xi32, #tpu.memory_space<vmem>> -> memref<128xi32, #tpu.memory_space<vmem>>
    %dma_wait3A_87 = arith.constant 0 : i32
    %dma_wait3A_88 = arith.constant 0 : i32
    %dma_wait3A_89 = tpu.memref_slice %arg8[%dma_wait3A_87, %dma_wait3A_88] : memref<10112x128xf32, #tpu.memory_space<vmem_shared>> -> memref<10112x128xf32, #tpu.memory_space<vmem_shared>>
    tpu.wait_indirect_dma semaphore(%arg9 : memref<!tpu.dma_semaphore, #tpu.memory_space<semaphore_mem>>) src(%arg7 : memref<128x128xf32, #tpu.memory_space<vmem>>) dst(%dma_wait3A_89 : memref<10112x128xf32, #tpu.memory_space<vmem_shared>>)
    %dma_wait3A_90 = arith.constant 0 : i32
    %dma_wait3A_91 = arith.constant 0 : i32
    %dma_wait3A_92 = tpu.memref_slice %arg6[%dma_wait3A_90, %dma_wait3A_91] : memref<88x128xi32, #tpu.memory_space<vmem>> -> memref<1x128xi32, #tpu.memory_space<vmem>>
    %dma_wait3A_93 = tpu.memref_squeeze %dma_wait3A_92 : memref<1x128xi32, #tpu.memory_space<vmem>> -> memref<128xi32, #tpu.memory_space<vmem>>
    %dma_wait3A_94 = arith.constant 0 : i32
    %dma_wait3A_95 = arith.constant 0 : i32
    %dma_wait3A_96 = tpu.memref_slice %arg8[%dma_wait3A_94, %dma_wait3A_95] : memref<10112x128xf32, #tpu.memory_space<vmem_shared>> -> memref<10112x128xf32, #tpu.memory_space<vmem_shared>>
    tpu.wait_indirect_dma semaphore(%arg9 : memref<!tpu.dma_semaphore, #tpu.memory_space<semaphore_mem>>) src(%arg7 : memref<128x128xf32, #tpu.memory_space<vmem>>) dst(%dma_wait3A_96 : memref<10112x128xf32, #tpu.memory_space<vmem_shared>>)
    %dma_wait3A_97 = arith.constant 0 : i32
    %dma_wait3A_98 = arith.constant 0 : i32
    %dma_wait3A_99 = tpu.memref_slice %arg6[%dma_wait3A_97, %dma_wait3A_98] : memref<88x128xi32, #tpu.memory_space<vmem>> -> memref<1x128xi32, #tpu.memory_space<vmem>>
    %dma_wait3A_100 = tpu.memref_squeeze %dma_wait3A_99 : memref<1x128xi32, #tpu.memory_space<vmem>> -> memref<128xi32, #tpu.memory_space<vmem>>
    %dma_wait3A_101 = arith.constant 0 : i32
    %dma_wait3A_102 = arith.constant 0 : i32
    %dma_wait3A_103 = tpu.memref_slice %arg8[%dma_wait3A_101, %dma_wait3A_102] : memref<10112x128xf32, #tpu.memory_space<vmem_shared>> -> memref<10112x128xf32, #tpu.memory_space<vmem_shared>>
    tpu.wait_indirect_dma semaphore(%arg9 : memref<!tpu.dma_semaphore, #tpu.memory_space<semaphore_mem>>) src(%arg7 : memref<128x128xf32, #tpu.memory_space<vmem>>) dst(%dma_wait3A_103 : memref<10112x128xf32, #tpu.memory_space<vmem_shared>>)
    %dma_wait3A_104 = arith.constant 0 : i32
    %dma_wait3A_105 = arith.constant 0 : i32
    %dma_wait3A_106 = tpu.memref_slice %arg6[%dma_wait3A_104, %dma_wait3A_105] : memref<88x128xi32, #tpu.memory_space<vmem>> -> memref<1x128xi32, #tpu.memory_space<vmem>>
    %dma_wait3A_107 = tpu.memref_squeeze %dma_wait3A_106 : memref<1x128xi32, #tpu.memory_space<vmem>> -> memref<128xi32, #tpu.memory_space<vmem>>
    %dma_wait3A_108 = arith.constant 0 : i32
    %dma_wait3A_109 = arith.constant 0 : i32
    %dma_wait3A_110 = tpu.memref_slice %arg8[%dma_wait3A_108, %dma_wait3A_109] : memref<10112x128xf32, #tpu.memory_space<vmem_shared>> -> memref<10112x128xf32, #tpu.memory_space<vmem_shared>>
    tpu.wait_indirect_dma semaphore(%arg9 : memref<!tpu.dma_semaphore, #tpu.memory_space<semaphore_mem>>) src(%arg7 : memref<128x128xf32, #tpu.memory_space<vmem>>) dst(%dma_wait3A_110 : memref<10112x128xf32, #tpu.memory_space<vmem_shared>>)
    %dma_wait3A_111 = arith.constant 0 : i32
    %dma_wait3A_112 = arith.constant 0 : i32
    %dma_wait3A_113 = tpu.memref_slice %arg6[%dma_wait3A_111, %dma_wait3A_112] : memref<88x128xi32, #tpu.memory_space<vmem>> -> memref<1x128xi32, #tpu.memory_space<vmem>>
    %dma_wait3A_114 = tpu.memref_squeeze %dma_wait3A_113 : memref<1x128xi32, #tpu.memory_space<vmem>> -> memref<128xi32, #tpu.memory_space<vmem>>
    %dma_wait3A_115 = arith.constant 0 : i32
    %dma_wait3A_116 = arith.constant 0 : i32
    %dma_wait3A_117 = tpu.memref_slice %arg8[%dma_wait3A_115, %dma_wait3A_116] : memref<10112x128xf32, #tpu.memory_space<vmem_shared>> -> memref<10112x128xf32, #tpu.memory_space<vmem_shared>>
    tpu.wait_indirect_dma semaphore(%arg9 : memref<!tpu.dma_semaphore, #tpu.memory_space<semaphore_mem>>) src(%arg7 : memref<128x128xf32, #tpu.memory_space<vmem>>) dst(%dma_wait3A_117 : memref<10112x128xf32, #tpu.memory_space<vmem_shared>>)
    %barrier3A_118 = arith.constant 0 : index
    tpu.barrier barrier_id(%barrier3A_118)
    %mul3A_119 = arith.constant 632 : i32
    %mul3A_120 = arith.muli %arg1, %mul3A_119 : i32
    %mul3A_121 = arith.constant 632 : i32
    %mul3A_122 = arith.muli %arg1, %mul3A_121 : i32
    "tpu.region"() ({
      %run_scoped3A = tpu.sem_alloc : memref<!tpu.dma_semaphore, #tpu.memory_space<semaphore_mem>>
      %dma_start3A_123 = arith.constant 0 : i32
      %dma_start3A_124 = tpu.memref_slice %arg5[%arg0, %mul3A_122, %dma_start3A_123] : memref<2x10112x128xf32, #tpu.memory_space<hbm>> -> memref<1x632x128xf32, #tpu.memory_space<hbm>>
      %dma_start3A_125 = tpu.memref_squeeze %dma_start3A_124 : memref<1x632x128xf32, #tpu.memory_space<hbm>> -> memref<632x128xf32, #tpu.memory_space<hbm>>
      %dma_start3A_126 = arith.constant 0 : i32
      %dma_start3A_127 = tpu.memref_slice %arg8[%mul3A_120, %dma_start3A_126] : memref<10112x128xf32, #tpu.memory_space<vmem_shared>> -> memref<632x128xf32, #tpu.memory_space<vmem_shared>>
      tpu.enqueue_dma source(%dma_start3A_127 : memref<632x128xf32, #tpu.memory_space<vmem_shared>>) target(%dma_start3A_125 : memref<632x128xf32, #tpu.memory_space<hbm>>) target_semaphore(%run_scoped3A : memref<!tpu.dma_semaphore, #tpu.memory_space<semaphore_mem>>)
      %dma_wait3A_128 = arith.constant 0 : i32
      %dma_wait3A_129 = tpu.memref_slice %arg5[%arg0, %mul3A_122, %dma_wait3A_128] : memref<2x10112x128xf32, #tpu.memory_space<hbm>> -> memref<1x632x128xf32, #tpu.memory_space<hbm>>
      %dma_wait3A_130 = tpu.memref_squeeze %dma_wait3A_129 : memref<1x632x128xf32, #tpu.memory_space<hbm>> -> memref<632x128xf32, #tpu.memory_space<hbm>>
      %dma_wait3A_131 = arith.constant 0 : i32
      %dma_wait3A_132 = tpu.memref_slice %arg8[%mul3A_120, %dma_wait3A_131] : memref<10112x128xf32, #tpu.memory_space<vmem_shared>> -> memref<632x128xf32, #tpu.memory_space<vmem_shared>>
      tpu.wait_dma2 semaphore(%run_scoped3A : memref<!tpu.dma_semaphore, #tpu.memory_space<semaphore_mem>>) src(%dma_wait3A_132 : memref<632x128xf32, #tpu.memory_space<vmem_shared>>) dst(%dma_wait3A_130 : memref<632x128xf32, #tpu.memory_space<hbm>>)
      tpu.yield
    }) : () -> ()
    return
  }
}

module attributes {stable_mosaic.version = 14 : i64} {
  func.func @_tc_a_body(%arg0: i32, %arg1: memref<2000x128xf32, #tpu.memory_space<vmem>>, %arg2: memref<2x2000x128xf32, #tpu.memory_space<vmem>>, %arg3: memref<128x128xf32, #tpu.memory_space<vmem>>, %arg4: memref<2000x128xf32, #tpu.memory_space<vmem>>, %arg5: memref<2000x1xf32, #tpu.memory_space<vmem>>) attributes {dimension_semantics = [#tpu.dimension_semantics<arbitrary>], iteration_bounds = array<i64: 5>, scalar_prefetch = 0 : i64, scratch_operands = 0 : i64, tpu.core_type = #tpu.core_type<tc>, window_params = [{transform_indices = @transform_0, window_bounds = array<i64: 2000, 128>}, {transform_indices = @transform_1, window_bounds = array<i64: 2, 2000, 128>}, {pipeline_mode = #tpu.pipeline_mode<synchronous>, transform_indices = @transform_2, window_bounds = array<i64: 128, 128>}, {transform_indices = @transform_3, window_bounds = array<i64: 2000, 128>}, {transform_indices = @transform_4, window_bounds = array<i64: 2000, 1>}]} {
    %get3A = arith.constant 0 : index
    %get3A_0 = arith.constant 0 : index
    %get3A_1 = arith.constant 0 : index
    %get3A_2 = vector.load %arg2[%get3A, %get3A_0, %get3A_1] : memref<2x2000x128xf32, #tpu.memory_space<vmem>>, vector<2x2000x128xf32>
    %reduce_sum3A = arith.constant dense<0.000000e+00> : vector<2000xf32>
    %reduce_sum3A_3 = vector.multi_reduction <add>, %get3A_2, %reduce_sum3A [0, 2] : vector<2x2000x128xf32> to vector<2000xf32>
    %mul3A = arith.constant 7.812500e-03 : f32
    %mul3A_4 = vector.broadcast %mul3A : f32 to vector<2000xf32>
    %mul3A_5 = arith.mulf %reduce_sum3A_3, %mul3A_4 : vector<2000xf32>
    %add3A = arith.constant 1.000000e+00 : f32
    %add3A_6 = vector.broadcast %add3A : f32 to vector<2000xf32>
    %add3A_7 = arith.addf %mul3A_5, %add3A_6 : vector<2000xf32>
    %rsqrt3A = math.rsqrt %add3A_7 : vector<2000xf32>
    %broadcast_in_dim3A = vector.shape_cast %rsqrt3A : vector<2000xf32> to vector<2000x1xf32>
    %swap3A = arith.constant 0 : index
    %swap3A_8 = arith.constant 0 : index
    %swap3A_9 = vector.load %arg5[%swap3A, %swap3A_8] : memref<2000x1xf32, #tpu.memory_space<vmem>>, vector<2000x1xf32>
    tpu.vector_store %arg5[%swap3A, %swap3A_8], %broadcast_in_dim3A {strides = array<i32>} : memref<2000x1xf32, #tpu.memory_space<vmem>>, vector<2000x1xf32>,
    %get3A_10 = arith.constant 0 : index
    %get3A_11 = arith.constant 0 : index
    %get3A_12 = vector.load %arg1[%get3A_10, %get3A_11] : memref<2000x128xf32, #tpu.memory_space<vmem>>, vector<2000x128xf32>
    %get3A_13 = arith.constant 0 : index
    %get3A_14 = arith.constant 0 : index
    %get3A_15 = vector.load %arg3[%get3A_13, %get3A_14] : memref<128x128xf32, #tpu.memory_space<vmem>>, vector<128x128xf32>
    %dot_general3A = arith.constant dense<0.000000e+00> : vector<2000x128xf32>
    %dot_general3A_16 = tpu.matmul %get3A_12, %get3A_15, %dot_general3A {dimension_numbers = #tpu.dot_dimension_numbers<[1], [0], [0], [1], [0, 0, 1, 1], [], []>, transpose_lhs_hint = false} : vector<2000x128xf32>, vector<128x128xf32>, vector<2000x128xf32> -> vector<2000x128xf32>
    %mul3A_17 = vector.broadcast %broadcast_in_dim3A : vector<2000x1xf32> to vector<2000x128xf32>
    %mul3A_18 = arith.mulf %dot_general3A_16, %mul3A_17 : vector<2000x128xf32>
    %swap3A_19 = arith.constant 0 : index
    %swap3A_20 = arith.constant 0 : index
    %swap3A_21 = vector.load %arg4[%swap3A_19, %swap3A_20] : memref<2000x128xf32, #tpu.memory_space<vmem>>, vector<2000x128xf32>
    tpu.vector_store %arg4[%swap3A_19, %swap3A_20], %mul3A_18 {strides = array<i32>} : memref<2000x128xf32, #tpu.memory_space<vmem>>, vector<2000x128xf32>,
    return
  }
  func.func @transform_0(%arg0: i32) -> (i32, i32) {
    %c0_i32 = arith.constant 0 : i32
    %c0_i32_0 = arith.constant 0 : i32
    return %arg0, %c0_i32 : i32, i32
  }
  func.func @transform_1(%arg0: i32) -> (i32, i32, i32) {
    %c0_i32 = arith.constant 0 : i32
    %c0_i32_0 = arith.constant 0 : i32
    %c0_i32_1 = arith.constant 0 : i32
    return %c0_i32, %arg0, %c0_i32_0 : i32, i32, i32
  }
  func.func @transform_2(%arg0: i32) -> (i32, i32) {
    %c0_i32 = arith.constant 0 : i32
    %c0_i32_0 = arith.constant 0 : i32
    %c0_i32_1 = arith.constant 0 : i32
    return %c0_i32, %c0_i32_0 : i32, i32
  }
  func.func @transform_3(%arg0: i32) -> (i32, i32) {
    %c0_i32 = arith.constant 0 : i32
    %c0_i32_0 = arith.constant 0 : i32
    return %arg0, %c0_i32 : i32, i32
  }
  func.func @transform_4(%arg0: i32) -> (i32, i32) {
    %c0_i32 = arith.constant 0 : i32
    %c0_i32_0 = arith.constant 0 : i32
    return %arg0, %c0_i32 : i32, i32
  }
}

module attributes {stable_mosaic.version = 14 : i64} {
  func.func @_tc_b_body(%arg0: i32, %arg1: memref<2x2000x128xf32, #tpu.memory_space<vmem>>, %arg2: memref<2000x128xf32, #tpu.memory_space<vmem>>, %arg3: memref<2000x1xf32, #tpu.memory_space<vmem>>, %arg4: memref<128xf32, #tpu.memory_space<vmem>>, %arg5: memref<128x128xf32, #tpu.memory_space<vmem>>, %arg6: memref<2000x128xf32, #tpu.memory_space<vmem>>) attributes {dimension_semantics = [#tpu.dimension_semantics<arbitrary>], iteration_bounds = array<i64: 5>, scalar_prefetch = 0 : i64, scratch_operands = 0 : i64, tpu.core_type = #tpu.core_type<tc>, window_params = [{transform_indices = @transform_0, window_bounds = array<i64: 2, 2000, 128>}, {transform_indices = @transform_1, window_bounds = array<i64: 2000, 128>}, {transform_indices = @transform_2, window_bounds = array<i64: 2000, 1>}, {pipeline_mode = #tpu.pipeline_mode<synchronous>, transform_indices = @transform_3, window_bounds = array<i64: 128>}, {pipeline_mode = #tpu.pipeline_mode<synchronous>, transform_indices = @transform_4, window_bounds = array<i64: 128, 128>}, {transform_indices = @transform_5, window_bounds = array<i64: 2000, 128>}]} {
    %get3A = arith.constant 0 : index
    %get3A_0 = arith.constant 0 : index
    %get3A_1 = vector.load %arg3[%get3A, %get3A_0] : memref<2000x1xf32, #tpu.memory_space<vmem>>, vector<2000x1xf32>
    %get3A_2 = arith.constant 0 : index
    %get3A_3 = arith.constant 0 : index
    %get3A_4 = arith.constant 0 : index
    %get3A_5 = vector.load %arg1[%get3A_2, %get3A_3, %get3A_4] : memref<2x2000x128xf32, #tpu.memory_space<vmem>>, vector<1x2000x128xf32>
    %get3A_6 = vector.shape_cast %get3A_5 : vector<1x2000x128xf32> to vector<2000x128xf32>
    %get3A_7 = arith.constant 1 : index
    %get3A_8 = arith.constant 0 : index
    %get3A_9 = arith.constant 0 : index
    %get3A_10 = vector.load %arg1[%get3A_7, %get3A_8, %get3A_9] : memref<2x2000x128xf32, #tpu.memory_space<vmem>>, vector<1x2000x128xf32>
    %get3A_11 = vector.shape_cast %get3A_10 : vector<1x2000x128xf32> to vector<2000x128xf32>
    %add3A = arith.addf %get3A_6, %get3A_11 : vector<2000x128xf32>
    %get3A_12 = arith.constant 0 : index
    %get3A_13 = arith.constant 0 : index
    %get3A_14 = vector.load %arg2[%get3A_12, %get3A_13] : memref<2000x128xf32, #tpu.memory_space<vmem>>, vector<2000x128xf32>
    %add3A_15 = arith.addf %add3A, %get3A_14 : vector<2000x128xf32>
    %mul3A = vector.broadcast %get3A_1 : vector<2000x1xf32> to vector<2000x128xf32>
    %mul3A_16 = arith.mulf %add3A_15, %mul3A : vector<2000x128xf32>
    %get3A_17 = arith.constant 0 : index
    %get3A_18 = vector.load %arg4[%get3A_17] : memref<128xf32, #tpu.memory_space<vmem>>, vector<128xf32>
    %broadcast_in_dim3A = vector.shape_cast %get3A_18 : vector<128xf32> to vector<1x128xf32>
    %add3A_19 = vector.broadcast %broadcast_in_dim3A : vector<1x128xf32> to vector<2000x128xf32>
    %add3A_20 = arith.addf %mul3A_16, %add3A_19 : vector<2000x128xf32>
    %max3A = arith.constant 0.000000e+00 : f32
    %max3A_21 = vector.broadcast %max3A : f32 to vector<2000x128xf32>
    %max3A_22 = arith.maximumf %add3A_20, %max3A_21 : vector<2000x128xf32>
    %get3A_23 = arith.constant 0 : index
    %get3A_24 = arith.constant 0 : index
    %get3A_25 = vector.load %arg5[%get3A_23, %get3A_24] : memref<128x128xf32, #tpu.memory_space<vmem>>, vector<128x128xf32>
    %dot_general3A = arith.constant dense<0.000000e+00> : vector<2000x128xf32>
    %dot_general3A_26 = tpu.matmul %max3A_22, %get3A_25, %dot_general3A {dimension_numbers = #tpu.dot_dimension_numbers<[1], [0], [0], [1], [0, 0, 1, 1], [], []>, transpose_lhs_hint = false} : vector<2000x128xf32>, vector<128x128xf32>, vector<2000x128xf32> -> vector<2000x128xf32>
    %mul3A_27 = vector.broadcast %get3A_1 : vector<2000x1xf32> to vector<2000x128xf32>
    %mul3A_28 = arith.mulf %dot_general3A_26, %mul3A_27 : vector<2000x128xf32>
    %swap3A = arith.constant 0 : index
    %swap3A_29 = arith.constant 0 : index
    %swap3A_30 = vector.load %arg6[%swap3A, %swap3A_29] : memref<2000x128xf32, #tpu.memory_space<vmem>>, vector<2000x128xf32>
    tpu.vector_store %arg6[%swap3A, %swap3A_29], %mul3A_28 {strides = array<i32>} : memref<2000x128xf32, #tpu.memory_space<vmem>>, vector<2000x128xf32>,
    return
  }
  func.func @transform_0(%arg0: i32) -> (i32, i32, i32) {
    %c0_i32 = arith.constant 0 : i32
    %c0_i32_0 = arith.constant 0 : i32
    %c0_i32_1 = arith.constant 0 : i32
    return %c0_i32, %arg0, %c0_i32_0 : i32, i32, i32
  }
  func.func @transform_1(%arg0: i32) -> (i32, i32) {
    %c0_i32 = arith.constant 0 : i32
    %c0_i32_0 = arith.constant 0 : i32
    return %arg0, %c0_i32 : i32, i32
  }
  func.func @transform_2(%arg0: i32) -> (i32, i32) {
    %c0_i32 = arith.constant 0 : i32
    %c0_i32_0 = arith.constant 0 : i32
    return %arg0, %c0_i32 : i32, i32
  }
  func.func @transform_3(%arg0: i32) -> i32 {
    %c0_i32 = arith.constant 0 : i32
    %c0_i32_0 = arith.constant 0 : i32
    return %c0_i32 : i32
  }
  func.func @transform_4(%arg0: i32) -> (i32, i32) {
    %c0_i32 = arith.constant 0 : i32
    %c0_i32_0 = arith.constant 0 : i32
    %c0_i32_1 = arith.constant 0 : i32
    return %c0_i32, %c0_i32_0 : i32, i32
  }
  func.func @transform_5(%arg0: i32) -> (i32, i32) {
    %c0_i32 = arith.constant 0 : i32
    %c0_i32_0 = arith.constant 0 : i32
    return %arg0, %c0_i32 : i32, i32
  }
}

module attributes {stable_mosaic.version = 14 : i64} {
  func.func @_tc_c_body(%arg0: i32, %arg1: memref<2x2000x128xf32, #tpu.memory_space<vmem>>, %arg2: memref<2000x128xf32, #tpu.memory_space<vmem>>, %arg3: memref<2000x1xf32, #tpu.memory_space<vmem>>, %arg4: memref<128xf32, #tpu.memory_space<vmem>>, %arg5: memref<2000x1xi32, #tpu.memory_space<vmem>>, %arg6: memref<128x10xf32, #tpu.memory_space<vmem>>, %arg7: memref<10xf32, #tpu.memory_space<vmem>>, %arg8: memref<64x10xf32, #tpu.memory_space<vmem>>, %arg9: memref<64x128xf32, #tpu.memory_space<vmem>>, %arg10: memref<64x1xf32, #tpu.memory_space<vmem>>) attributes {dimension_semantics = [#tpu.dimension_semantics<arbitrary>], iteration_bounds = array<i64: 5>, scalar_prefetch = 0 : i64, scratch_operands = 2 : i64, tpu.core_type = #tpu.core_type<tc>, window_params = [{transform_indices = @transform_0, window_bounds = array<i64: 2, 2000, 128>}, {transform_indices = @transform_1, window_bounds = array<i64: 2000, 128>}, {transform_indices = @transform_2, window_bounds = array<i64: 2000, 1>}, {pipeline_mode = #tpu.pipeline_mode<synchronous>, transform_indices = @transform_3, window_bounds = array<i64: 128>}, {transform_indices = @transform_4, window_bounds = array<i64: 2000, 1>}, {pipeline_mode = #tpu.pipeline_mode<synchronous>, transform_indices = @transform_5, window_bounds = array<i64: 128, 10>}, {pipeline_mode = #tpu.pipeline_mode<synchronous>, transform_indices = @transform_6, window_bounds = array<i64: 10>}, {pipeline_mode = #tpu.pipeline_mode<synchronous>, transform_indices = @transform_7, window_bounds = array<i64: 64, 10>}]} {
    %get3A = arith.constant 0 : index
    %get3A_0 = arith.constant 0 : index
    %get3A_1 = arith.constant 0 : index
    %get3A_2 = vector.load %arg1[%get3A, %get3A_0, %get3A_1] : memref<2x2000x128xf32, #tpu.memory_space<vmem>>, vector<1x2000x128xf32>
    %get3A_3 = vector.shape_cast %get3A_2 : vector<1x2000x128xf32> to vector<2000x128xf32>
    %get3A_4 = arith.constant 1 : index
    %get3A_5 = arith.constant 0 : index
    %get3A_6 = arith.constant 0 : index
    %get3A_7 = vector.load %arg1[%get3A_4, %get3A_5, %get3A_6] : memref<2x2000x128xf32, #tpu.memory_space<vmem>>, vector<1x2000x128xf32>
    %get3A_8 = vector.shape_cast %get3A_7 : vector<1x2000x128xf32> to vector<2000x128xf32>
    %add3A = arith.addf %get3A_3, %get3A_8 : vector<2000x128xf32>
    %get3A_9 = arith.constant 0 : index
    %get3A_10 = arith.constant 0 : index
    %get3A_11 = vector.load %arg2[%get3A_9, %get3A_10] : memref<2000x128xf32, #tpu.memory_space<vmem>>, vector<2000x128xf32>
    %add3A_12 = arith.addf %add3A, %get3A_11 : vector<2000x128xf32>
    %get3A_13 = arith.constant 0 : index
    %get3A_14 = arith.constant 0 : index
    %get3A_15 = vector.load %arg3[%get3A_13, %get3A_14] : memref<2000x1xf32, #tpu.memory_space<vmem>>, vector<2000x1xf32>
    %mul3A = vector.broadcast %get3A_15 : vector<2000x1xf32> to vector<2000x128xf32>
    %mul3A_16 = arith.mulf %add3A_12, %mul3A : vector<2000x128xf32>
    %get3A_17 = arith.constant 0 : index
    %get3A_18 = vector.load %arg4[%get3A_17] : memref<128xf32, #tpu.memory_space<vmem>>, vector<128xf32>
    %broadcast_in_dim3A = vector.shape_cast %get3A_18 : vector<128xf32> to vector<1x128xf32>
    %add3A_19 = vector.broadcast %broadcast_in_dim3A : vector<1x128xf32> to vector<2000x128xf32>
    %add3A_20 = arith.addf %mul3A_16, %add3A_19 : vector<2000x128xf32>
    %max3A = arith.constant 0.000000e+00 : f32
    %max3A_21 = vector.broadcast %max3A : f32 to vector<2000x128xf32>
    %max3A_22 = arith.maximumf %add3A_20, %max3A_21 : vector<2000x128xf32>
    %get3A_23 = arith.constant 0 : index
    %get3A_24 = arith.constant 0 : index
    %get3A_25 = vector.load %arg5[%get3A_23, %get3A_24] : memref<2000x1xi32, #tpu.memory_space<vmem>>, vector<2000x1xi32>
    %iota3A = tpu.iota {dimensions = array<i32: 1>} : vector<1x64xi32>
    %eq3A = vector.broadcast %get3A_25 : vector<2000x1xi32> to vector<2000x64xi32>
    %eq3A_26 = vector.broadcast %iota3A : vector<1x64xi32> to vector<2000x64xi32>
    %eq3A_27 = arith.cmpi eq, %eq3A, %eq3A_26 : vector<2000x64xi32>
    %convert_element_type3A = arith.extui %eq3A_27 : vector<2000x64xi1> to vector<2000x64xi32>
    %convert_element_type3A_28 = arith.sitofp %convert_element_type3A : vector<2000x64xi32> to vector<2000x64xf32>
    %eq3A_29 = arith.constant 0 : i32
    %eq3A_30 = arith.cmpi eq, %arg0, %eq3A_29 : i32
    %convert_element_type3A_31 = arith.extui %eq3A_30 : i1 to i32
    %cond3A = arith.constant 0 : i32
    %cond3A_32 = arith.cmpi ne, %convert_element_type3A_31, %cond3A : i32
    scf.if %cond3A_32 {
      %broadcast_in_dim3A_56 = arith.constant 0.000000e+00 : f32
      %broadcast_in_dim3A_57 = vector.broadcast %broadcast_in_dim3A_56 : f32 to vector<64x128xf32>
      %swap3A_58 = arith.constant 0 : index
      %swap3A_59 = arith.constant 0 : index
      %swap3A_60 = vector.load %arg9[%swap3A_58, %swap3A_59] : memref<64x128xf32, #tpu.memory_space<vmem>>, vector<64x128xf32>
      tpu.vector_store %arg9[%swap3A_58, %swap3A_59], %broadcast_in_dim3A_57 {strides = array<i32>} : memref<64x128xf32, #tpu.memory_space<vmem>>, vector<64x128xf32>,
      %broadcast_in_dim3A_61 = arith.constant 0.000000e+00 : f32
      %broadcast_in_dim3A_62 = vector.broadcast %broadcast_in_dim3A_61 : f32 to vector<64x1xf32>
      %swap3A_63 = arith.constant 0 : index
      %swap3A_64 = arith.constant 0 : index
      %swap3A_65 = vector.load %arg10[%swap3A_63, %swap3A_64] : memref<64x1xf32, #tpu.memory_space<vmem>>, vector<64x1xf32>
      tpu.vector_store %arg10[%swap3A_63, %swap3A_64], %broadcast_in_dim3A_62 {strides = array<i32>} : memref<64x1xf32, #tpu.memory_space<vmem>>, vector<64x1xf32>,
    } else {
    }
    %get3A_33 = arith.constant 0 : index
    %get3A_34 = arith.constant 0 : index
    %get3A_35 = vector.load %arg9[%get3A_33, %get3A_34] : memref<64x128xf32, #tpu.memory_space<vmem>>, vector<64x128xf32>
    %dot_general3A = arith.constant dense<0.000000e+00> : vector<64x128xf32>
    %dot_general3A_36 = tpu.matmul %convert_element_type3A_28, %max3A_22, %dot_general3A {dimension_numbers = #tpu.dot_dimension_numbers<[0], [0], [1], [1], [0, 1, 1, 1], [], []>, transpose_lhs_hint = false} : vector<2000x64xf32>, vector<2000x128xf32>, vector<64x128xf32> -> vector<64x128xf32>
    %add3A_37 = arith.addf %get3A_35, %dot_general3A_36 : vector<64x128xf32>
    %swap3A = arith.constant 0 : index
    %swap3A_38 = arith.constant 0 : index
    %swap3A_39 = vector.load %arg9[%swap3A, %swap3A_38] : memref<64x128xf32, #tpu.memory_space<vmem>>, vector<64x128xf32>
    tpu.vector_store %arg9[%swap3A, %swap3A_38], %add3A_37 {strides = array<i32>} : memref<64x128xf32, #tpu.memory_space<vmem>>, vector<64x128xf32>,
    %get3A_40 = arith.constant 0 : index
    %get3A_41 = arith.constant 0 : index
    %get3A_42 = vector.load %arg10[%get3A_40, %get3A_41] : memref<64x1xf32, #tpu.memory_space<vmem>>, vector<64x1xf32>
    %broadcast_in_dim3A_43 = arith.constant 1.000000e+00 : f32
    %broadcast_in_dim3A_44 = vector.broadcast %broadcast_in_dim3A_43 : f32 to vector<2000x1xf32>
    %dot_general3A_45 = arith.constant dense<0.000000e+00> : vector<64x1xf32>
    %dot_general3A_46 = tpu.matmul %convert_element_type3A_28, %broadcast_in_dim3A_44, %dot_general3A_45 {dimension_numbers = #tpu.dot_dimension_numbers<[0], [0], [1], [1], [0, 1, 1, 1], [], []>, transpose_lhs_hint = false} : vector<2000x64xf32>, vector<2000x1xf32>, vector<64x1xf32> -> vector<64x1xf32>
    %add3A_47 = arith.addf %get3A_42, %dot_general3A_46 : vector<64x1xf32>
    %swap3A_48 = arith.constant 0 : index
    %swap3A_49 = arith.constant 0 : index
    %swap3A_50 = vector.load %arg10[%swap3A_48, %swap3A_49] : memref<64x1xf32, #tpu.memory_space<vmem>>, vector<64x1xf32>
    tpu.vector_store %arg10[%swap3A_48, %swap3A_49], %add3A_47 {strides = array<i32>} : memref<64x1xf32, #tpu.memory_space<vmem>>, vector<64x1xf32>,
    %eq3A_51 = arith.constant 4 : i32
    %eq3A_52 = arith.cmpi eq, %arg0, %eq3A_51 : i32
    %convert_element_type3A_53 = arith.extui %eq3A_52 : i1 to i32
    %cond3A_54 = arith.constant 0 : i32
    %cond3A_55 = arith.cmpi ne, %convert_element_type3A_53, %cond3A_54 : i32
    scf.if %cond3A_55 {
      %get3A_56 = arith.constant 0 : index
      %get3A_57 = arith.constant 0 : index
      %get3A_58 = vector.load %arg9[%get3A_56, %get3A_57] : memref<64x128xf32, #tpu.memory_space<vmem>>, vector<64x128xf32>
      %get3A_59 = arith.constant 0 : index
      %get3A_60 = arith.constant 0 : index
      %get3A_61 = vector.load %arg10[%get3A_59, %get3A_60] : memref<64x1xf32, #tpu.memory_space<vmem>>, vector<64x1xf32>
      %max3A_62 = arith.constant 1.000000e+00 : f32
      %max3A_63 = vector.broadcast %max3A_62 : f32 to vector<64x1xf32>
      %max3A_64 = arith.maximumf %get3A_61, %max3A_63 : vector<64x1xf32>
      %div3A = vector.broadcast %max3A_64 : vector<64x1xf32> to vector<64x128xf32>
      %div3A_65 = arith.divf %get3A_58, %div3A : vector<64x128xf32>
      %get3A_66 = arith.constant 0 : index
      %get3A_67 = arith.constant 0 : index
      %get3A_68 = vector.load %arg6[%get3A_66, %get3A_67] : memref<128x10xf32, #tpu.memory_space<vmem>>, vector<128x10xf32>
      %dot_general3A_69 = arith.constant dense<0.000000e+00> : vector<64x10xf32>
      %dot_general3A_70 = tpu.matmul %div3A_65, %get3A_68, %dot_general3A_69 {dimension_numbers = #tpu.dot_dimension_numbers<[1], [0], [0], [1], [0, 0, 1, 1], [], []>, transpose_lhs_hint = false} : vector<64x128xf32>, vector<128x10xf32>, vector<64x10xf32> -> vector<64x10xf32>
      %get3A_71 = arith.constant 0 : index
      %get3A_72 = vector.load %arg7[%get3A_71] : memref<10xf32, #tpu.memory_space<vmem>>, vector<10xf32>
      %broadcast_in_dim3A_73 = vector.shape_cast %get3A_72 : vector<10xf32> to vector<1x10xf32>
      %add3A_74 = vector.broadcast %broadcast_in_dim3A_73 : vector<1x10xf32> to vector<64x10xf32>
      %add3A_75 = arith.addf %dot_general3A_70, %add3A_74 : vector<64x10xf32>
      %swap3A_76 = arith.constant 0 : index
      %swap3A_77 = arith.constant 0 : index
      %swap3A_78 = vector.load %arg8[%swap3A_76, %swap3A_77] : memref<64x10xf32, #tpu.memory_space<vmem>>, vector<64x10xf32>
      tpu.vector_store %arg8[%swap3A_76, %swap3A_77], %add3A_75 {strides = array<i32>} : memref<64x10xf32, #tpu.memory_space<vmem>>, vector<64x10xf32>,
    } else {
    }
    return
  }
  func.func @transform_0(%arg0: i32) -> (i32, i32, i32) {
    %c0_i32 = arith.constant 0 : i32
    %c0_i32_0 = arith.constant 0 : i32
    %c0_i32_1 = arith.constant 0 : i32
    return %c0_i32, %arg0, %c0_i32_0 : i32, i32, i32
  }
  func.func @transform_1(%arg0: i32) -> (i32, i32) {
    %c0_i32 = arith.constant 0 : i32
    %c0_i32_0 = arith.constant 0 : i32
    return %arg0, %c0_i32 : i32, i32
  }
  func.func @transform_2(%arg0: i32) -> (i32, i32) {
    %c0_i32 = arith.constant 0 : i32
    %c0_i32_0 = arith.constant 0 : i32
    return %arg0, %c0_i32 : i32, i32
  }
  func.func @transform_3(%arg0: i32) -> i32 {
    %c0_i32 = arith.constant 0 : i32
    %c0_i32_0 = arith.constant 0 : i32
    return %c0_i32 : i32
  }
  func.func @transform_4(%arg0: i32) -> (i32, i32) {
    %c0_i32 = arith.constant 0 : i32
    %c0_i32_0 = arith.constant 0 : i32
    return %arg0, %c0_i32 : i32, i32
  }
  func.func @transform_5(%arg0: i32) -> (i32, i32) {
    %c0_i32 = arith.constant 0 : i32
    %c0_i32_0 = arith.constant 0 : i32
    %c0_i32_1 = arith.constant 0 : i32
    return %c0_i32, %c0_i32_0 : i32, i32
  }
  func.func @transform_6(%arg0: i32) -> i32 {
    %c0_i32 = arith.constant 0 : i32
    %c0_i32_0 = arith.constant 0 : i32
    return %c0_i32 : i32
  }
  func.func @transform_7(%arg0: i32) -> (i32, i32) {
    %c0_i32 = arith.constant 0 : i32
    %c0_i32_0 = arith.constant 0 : i32
    %c0_i32_1 = arith.constant 0 : i32
    return %c0_i32, %c0_i32_0 : i32, i32
  }
}

</mosaic_0001>

<sc_bundles>
// kernel: kernel.11.cloned.1.call-start
scs
__scs_entry_jumppad:
0x0: {  	(pc) =	sbr.rel $0x88, $3  }
0x1: {  	(tag) =	ssettag $0x0;
	lr =	simm.s32 $0x1  }
0x2: {  	[smem:$0x3F98] =	sst lr;
	_ =	strace $0xD0000000  }
0x3: {  	_ = 	snop  }
0x4: {  	_ = 	snop  }
0x5: {  	_ = 	snop  }
0x6: {  	_ = 	snop  }
0x7: {  	_ = 	snop  }
__scs_overlays_trampoline_lowered:
0x8: {  	[smem:$0x3FA7] =	sst s0  }
0x9: {  	[smem:$0x3FA8] =	sst s1  }
0xa: {  	[smem:$0x3FA9] =	sst s2  }
0xb: {  	[smem:$0x3FAA] =	sst s3  }
0xc: {  	[smem:$0x3FAB] =	sst s4  }
0xd: {  	[smem:$0x3FAC] =	sst s5  }
0xe: {  	[smem:$0x3FAD] =	sst s6  }
0xf: {  	[smem:$0x3FAE] =	sst s7  }
0x10: {  	[smem:$0x3FAF] =	sst s8  }
0x11: {  	[smem:$0x3FB0] =	sst s9;
	s0 =	simm.s32 @!p0 $0x0  }
0x12: {  	s1 =	sld [smem:$0x3F96];
	s0 =	simm.s32 @p0 $0x1  }
0x13: {  	[smem:$0x3FB1] =	sst s0;
	s0 =	simm.s32 @!p1 $0x0  }
0x14: {  	s2 =	sld [smem:$0x3F95];
	s0 =	simm.s32 @p1 $0x1  }
0x15: {  	[smem:$0x3FB2] =	sst s0;
	s0 =	simm.s32 @!p2 $0x0  }
0x16: {  	s3 =	sld [smem:$0x3FDB];
	s0 =	simm.s32 @p2 $0x1  }
0x17: {  	s4 =	simm.s32 $0x1BF5;
	[smem:$0x3FB4] =	sst s0  }
0x18: {  	s0 =	sld [smem:$0x3F97];
	_ =	swait.ge [sflag:s4], $0x0  }
0x19: {  	s7 =	sld [smem:$0x3F98]  }
0x1a: {  	s8 =	sadd.s32 $0xFFFFE003, lr  }
0x1b: {  	s9 =	sadd.s32 $0xFFFFFEF7, lr;
	s5 =	simm.s32 $0xFFFFFFFF;
	p2 =	slt.u32 s8, $0xFFFFF086  }
0x1c: {  	p1 =	slt.u32 s9, $0xF7A;
	s5 =	simm.s32 @!p2 $0x0  }
0x1d: {  	s5 =	simm.s32 @p1 $0x1;
	p0 =	seq.s32 s7, s2  }
0x1e: {  	s7 =	smul.u32 @!p0 $0xF7A, s2;
	p2 =	seq.s32 @!p0 s5, $0x0  }
0x1f: {  	s9 =	smul.u32 $0xF7A, s1;
	s8 =	simm.s32 @!p0 $0x1BF5;
	p2 =	por !p2, p0  }
0x20: {  	[sflag:s8] =	ssyncset.s32 @!p0 $0xFFFFF086;
	s6 =	sadd.s32 @!p0 s3, s7;
	s7 =	simm.s32 @!p0 $0x108  }
0x21: {  	s3 =	sadd.s32 s3, s9;
	s6 =	sadd.s32 @!p0 $0x88, s6;
	s7 =	simm.s32 @p2 $0x1082  }
0x22: {  	[simem:s7], [sflag:s8] =	dma.local @!p0 [hbm:s6], $0xF7A  }
0x23: {  	s9 =	sor.u32 $0xD0000000, s2;
	s6 =	simm.s32 $0x108;
	_ =	swait.ge @!p0 [sflag:s8], $0x0  }
0x24: {  	s3 =	sadd.s32 $0x88, s3;
	s6 =	simm.s32 @!p1 $0x1082;
	[sflag:s4] =	ssyncset.s32 $0xFFFFF086  }
0x25: {  	[simem:s6], [sflag:s4] =	dma.local [hbm:s3], $0xF7A  }
0x26: {  	[smem:$0x3F98] =	sst s1;
	(tag) =	ssettag s2;
	_ =	strace s9  }
0x27: {  	s1 =	sld [smem:$0x3FA8]  }
0x28: {  	s2 =	sld [smem:$0x3FA9]  }
0x29: {  	s4 =	sld [smem:$0x3FAB]  }
0x2a: {  	p0 =	seq.s32 s5, $0x0;
	s5 =	sld [smem:$0x3FAC]  }
0x2b: {  	s6 =	sld [smem:$0x3FAD]  }
0x2c: {  	s7 =	sld [smem:$0x3FAE]  }
0x2d: {  	s3 =	simm.s32 $0x108;
	s8 =	sld [smem:$0x3FAF]  }
0x2e: {  	s3 =	simm.s32 @!p0 $0x1082;
	s9 =	sld [smem:$0x3FB0]  }
0x2f: {  	lr =	sadd.s32 s0, s3;
	s0 =	sld [smem:$0x3FA7]  }
0x30: {  	s3 =	sld [smem:$0x3FAA]  }
0x31: {  	[smem:$0x3FB3] =	sst s10  }
0x32: {  	s10 =	sld [smem:$0x3FB1];
	_ =	sdelay $0x3  }
0x33: {  	p0 =	seq.s32 s10, $0x1;
	s10 =	sld [smem:$0x3FB3];
	_ =	sdelay $0x3  }
0x34: {  	[smem:$0x3FB3] =	sst s10  }
0x35: {  	s10 =	sld [smem:$0x3FB2];
	_ =	sdelay $0x3  }
0x36: {  	p1 =	seq.s32 s10, $0x1;
	s10 =	sld [smem:$0x3FB3];
	_ =	sdelay $0x3  }
0x37: {  	[smem:$0x3FB3] =	sst s10  }
0x38: {  	s10 =	sld [smem:$0x3FB4]  }
0x39: {  	_ = 	snop;
	(pc) =	sbr.ind lr, $3  }
0x3a: {  	_ = 	snop  }
0x3b: {  	_ = 	snop  }
0x3c: {  	p2 =	seq.s32 s10, $0x1;
	s10 =	sld [smem:$0x3FB3]  }
0x3d: {  	_ =	shalt  }
0x3e: {  	_ =	shalt  }
0x3f: {  	_ =	shalt  }
0x40: {  	_ =	shalt  }
0x41: {  	_ =	shalt  }
0x42: {  	_ =	shalt  }
0x43: {  	_ =	shalt  }
0x44: {  	_ =	shalt  }
0x45: {  	_ =	shalt  }
0x46: {  	_ =	shalt  }
0x47: {  	_ =	shalt  }
0x48: {  	_ =	shalt  }
0x49: {  	_ =	shalt  }
0x4a: {  	_ =	shalt  }
0x4b: {  	_ =	shalt  }
0x4c: {  	_ =	shalt  }
0x4d: {  	_ =	shalt  }
0x4e: {  	_ =	shalt  }
0x4f: {  	_ =	shalt  }
0x50: {  	_ =	shalt  }
0x51: {  	_ =	shalt  }
0x52: {  	_ =	shalt  }
0x53: {  	_ =	shalt  }
0x54: {  	_ =	shalt  }
0x55: {  	_ =	shalt  }
0x56: {  	_ =	shalt  }
0x57: {  	_ =	shalt  }
0x58: {  	_ =	shalt  }
0x59: {  	_ =	shalt  }
0x5a: {  	_ =	shalt  }
0x5b: {  	_ =	shalt  }
0x5c: {  	_ =	shalt  }
0x5d: {  	_ =	shalt  }
0x5e: {  	_ =	shalt  }
0x5f: {  	_ =	shalt  }
0x60: {  	_ =	shalt  }
0x61: {  	_ =	shalt  }
0x62: {  	_ =	shalt  }
0x63: {  	_ =	shalt  }
0x64: {  	_ =	shalt  }
0x65: {  	_ =	shalt  }
0x66: {  	_ =	shalt  }
0x67: {  	_ =	shalt  }
0x68: {  	_ =	shalt  }
0x69: {  	_ =	shalt  }
0x6a: {  	_ =	shalt  }
0x6b: {  	_ =	shalt  }
0x6c: {  	_ =	shalt  }
0x6d: {  	_ =	shalt  }
0x6e: {  	_ =	shalt  }
0x6f: {  	_ =	shalt  }
0x70: {  	_ =	shalt  }
0x71: {  	_ =	shalt  }
0x72: {  	_ =	shalt  }
0x73: {  	_ =	shalt  }
0x74: {  	_ =	shalt  }
0x75: {  	_ =	shalt  }
0x76: {  	_ =	shalt  }
0x77: {  	_ =	shalt  }
0x78: {  	_ =	shalt  }
0x79: {  	_ =	shalt  }
0x7a: {  	_ =	shalt  }
0x7b: {  	_ =	shalt  }
0x7c: {  	_ =	shalt  }
0x7d: {  	_ =	shalt  }
0x7e: {  	_ =	shalt  }
0x7f: {  	_ =	shalt  }
0x80: {  	_ =	shalt  }
0x81: {  	_ =	shalt  }
0x82: {  	_ =	shalt  }
0x83: {  	_ =	shalt  }
0x84: {  	_ =	shalt  }
0x85: {  	_ =	shalt  }
0x86: {  	_ =	shalt  }
0x87: {  	_ =	shalt  }
.Lfunc_end0:
.L_simem_size_0:
called_computation.1_lowered:
.L_overlay_start_0:
0x88: {  	s2 =	sld [smem:$0x3FD9]  }
0x89: {  	s3 =	sld [smem:$0x3FFE];
	_ =	sdelay $0x1  }
0x8a: {  	s1 =	srdreg.scid  }
0x8b: {  	s0 =	sand.u32 $0x1, s1  }
0x8c: {  	s16 =	sshll.u32 s0, $0xA;
	s2 =	sadd.s32 s3, s2  }
0x8d: {  	s2 =	sadd.s32 s2, s16  }
0x8e: {  	[smem:$0x3FBF] =	sst s2  }
0x8f: {  	_ = 	snop  }
0x90: {  	(tm) =	ssettm $0x1  }
0x91: {  	s17 =	sld [smem:$0x3FFB];
	_ =	sdelay $0x3  }
0x92: {  	_ =	strace s17  }
0x93: {  	s2 =	sld [smem:$0x3FFC];
	_ =	sdelay $0x3  }
0x94: {  	_ =	strace s2  }
0x95: {  	s2 =	sld [smem:$0x3FFD];
	_ =	sdelay $0x3  }
0x96: {  	_ =	strace s2  }
0x97: {  	_ =	strace $0x8FFFFFFF  }
0x98: {  	s18 =	sld [smem:$0x3FDB];
	_ =	sdelay $0x1  }
0x99: {  	s19 =	simm.s32 $_scs_section_size  }
0x9a: {  	s4 =	simm.s32 $_size__tile_overlayer_lowered;
	s5 =	simm.s32 $_tile_overlayer_lowered  }
0x9b: {  	s22 =	simm.s32 $0x1BFF;
	s21 =	sshll.u32 s5, $0x1;
	s2 =	sadd.s32 s19, s18  }
0x9c: {  	s6 =	simm.s32 $0x0;
	s20 =	sshll.u32 s4, $0x1;
	s4 =	sadd.s32 s21, s2  }
0x9d: {  	[timem:s6], [sflag:s22] =	dma.local [hbm:s4], s20  }
0x9e: {  	_ =	swait.ge [sflag:s22], s20  }
0x9f: {  	s3 =	ssub.s32 $0x0, s20;
	[sflag:s22] =	ssyncset.done $0x0  }
0xa0: {  	[sflag:s22] =	ssyncadd.s32 s3;
	_ =	sdelay $0x1  }
0xa1: {  	s23 =	simm.s32 $0x1B8B  }
0xa2: {  	_ =	swait.ge [sflag:s23], $0x1  }
0xa3: {  	[sflag:s23] =	ssyncset.done $0x0  }
0xa4: {  	s25 =	simm.s32 $0x1B8E;
	s24 =	sld [smem:$0x3FFE];
	[sflag:s23] =	ssyncadd.s32 $0xFFFFFFFF  }
0xa5: {  	s26 =	simm.s32 $execute0_lowered;
	[smem:$0x3FD2] =	sst s25  }
0xa6: {  	s4 =	sshll.u32 s26, $0x1;
	_ =	strace $0x80000049;
	[dreg:$0x1] =	wrdreg $0xFFFFFFFF  }
0xa7: {  	s28 =	simm.s32 $_size_execute0_lowered;
	s2 =	sadd.s32 s2, s4;
	[dreg:$0x0] =	wrdreg $0x0  }
0xa8: {  	s4 =	sshll.u32 s28, $0x1;
	[dreg:$0x2] =	wrdreg s2  }
0xa9: {  	[dreg:$0x3] =	wrdreg s4  }
0xaa: {  	[dreg:$0x4] =	wrdreg $0xC0  }
0xab: {  	_ =	task [dreg:s6], $0x5FFFF  }
0xac: {  	[dreg:$0x1] =	wrdreg $0xFFFFFFFF  }
0xad: {  	[dreg:$0x0] =	wrdreg $0x60  }
0xae: {  	[dreg:$0x2] =	wrdreg s24  }
0xaf: {  	[dreg:$0x3] =	wrdreg $0xB0000  }
0xb0: {  	[dreg:$0x4] =	wrdreg $0x9  }
0xb1: {  	_ =	task.clear_ibuf [dreg:s6], $0x5FFFF;
	_ =	strace $0x90000049  }
0xb2: {  	s29 =	simm.s32 $0x9;
	_ =	strace $0x8000004B  }
0xb3: {  	_ =	swait.ge [sflag:s29], $0x1  }
0xb4: {  	[sflag:s29] =	ssyncadd.s32 $0xFFFFFFFF  }
0xb5: {  	_ =	strace $0x9000004B  }
0xb6: {  	_ =	sfence  }
0xb7: {  	s30 =	sld [smem:$0x0];
	_ =	sdelay $0x2  }
0xb8: {  	s31 =	sshll.u32 s1, $0xD;
	s1 =	sshrl.u32 s1, $0x2  }
0xb9: {  	s3 =	sand.u32 $0x4000, s31;
	s1 =	sadd.s32 s1, s30  }
0xba: {  	s0 =	sor.u32 s3, s0;
	s1 =	sshll.u32 s1, $0x11  }
0xbb: {  	s0 =	sor.u32 s1, s0  }
0xbc: {  	s0 =	sadd.s32 $0x8F2B, s0  }
0xbd: {  	[sflag:s0] =	ssyncadd.remote.s32 $0x1  }
0xbe: {  	_ =	sfence.sel $0xFFFF  }
0xbf: {  	[dreg:$0x0] =	wrdreg $0xFFFFFFFF;
	(pc) =	sbr.abs _section_cstart, $3  }
0xc0: {  	[dreg:$0x1] =	wrdreg $0xFFFFFFFF  }
0xc1: {  	_ =	task.clear_ibuf [dreg:s6], $0x2FFFF;
	_ =	strace $0x9FFFFFFF  }
0xc2: {  	(tm) =	ssettm $0x7FFFFFFF  }
0xc3: {  	_ =	shalt  }
tec
execute0_lowered:
.L_overlay_start_1:
0x0: {  	(tag) =	ssettag $0x1  }
0x1: {  	s6 =	rddreg [dreg:$0x0]  }
0x2: {  	s1 =	rddreg [dreg:$0x1]  }
0x3: {  	s2 =	srdreg.scid;
	s0 =	rddreg [dreg:$0x2]  }
0x4: {  	s3 =	simm.s32 $0x0;
	s15 =	simm.s32 $0x1800;
	s16 =	simm.s32 $0x80  }
0x5: {  	s17 =	simm.s32 $0x3000;
	s18 =	simm.s32 $0x7000;
	s19 =	simm.s32 $0x1  }
0x6: {  	s20 =	simm.s32 $0x2;
	s21 =	simm.s32 $0x0;
	s5 =	sand.u32 $0x1, s2  }
0x7: {  	s2 =	stileid.u32;
	[smem:$0x7FF] =	sst s3;
	s4 =	sadd.s32 $0x10600, s6  }
0x8: {  	s9 =	sadd.s32 $0x5FE00, s6;
	s10 =	sadd.s32 $0x2E00, s6;
	s7 =	smul.u32 $0x13C000, s5  }
0x9: {  	s8 =	smul.u32 $0x13C00, s2;
	_ =	strace $0x8000004A;
	s23 =	sshll.u32 s5, $0x4  }
0xa: {  	s11 =	ssub.s32 $0x2, s5;
	s25 =	smul.u32 $0x4F000, s2;
	s5 =	sadd.s32 $0xDE00, s6  }
0xb: {  	s28 =	sshll.u32 s2, $0x6;
	s24 =	sor.u32 s2, s23;
	s12 =	sshrl.u32 s11, $0x1  }
0xc: {  	s7 =	sadd.s32 s8, s7;
	s13 =	smul.u32 $0x2C00, s24;
	s26 =	sshrl.u32 s25, $0x2  }
0xd: {  	s12 =	ssub.s32 s11, s12;
	s7 =	sshrl.u32 s7, $0x3;
	s30 =	sadd.s32 s26, s1  }
0xe: {  	s12 =	smax.u32 s12, $0x1;
	s14 =	sadd.s32 s7, s6;
	s29 =	sshrl.u32 s13, $0x3  }
0xf: {  	s6 =	sor.u32 $0x1C03, s28;
	s13 =	sshrl.u32 s30, $0x3;
	s31 =	sadd.s32 $0x280, s29  }
0x10: {  	s7 =	sadd.s32 s9, s29;
	s8 =	sadd.s32 s10, s29;
	s11 =	sadd.s32 $0x6AE00, s14  }
0x11: {  	s14 =	simm.s32 $0x3;
	s9 =	sadd.s32 s9, s31;
	s10 =	sadd.s32 s10, s31  }
.LBB2_1:
0x12: {  	[spmem:s13], [sflag:s6] =	dma.local [hbm:s5], $0x2780  }
0x13: {  	_ =	swait.ge [sflag:s14], $0x2780  }
0x14: {  	[sflag:s14] =	ssyncset.done $0x0  }
0x15: {  	[sflag:s14] =	ssyncadd.s32 $0xFFFFD880  }
0x16: {  	[bflag:$0x0] =	sbarrier.arrive $0xFFFF  }
0x17: {  	[tilespmem:s3], [sflag:$0x3] =	stream.linear.gather [hbm4b:s7+s3], $0x1800, $0x38;
	[tilespmem:$0x1EC00] =	vst v63  }
0x18: {  	_ =	swait.ge [sflag:s14], $0x1800  }
0x19: {  	[sflag:s14] =	ssyncset.done $0x0  }
0x1a: {  	[sflag:s14] =	ssyncadd.s32 $0xFFFFE800  }
0x1b: {  	[tilespmem:s15], [sflag:$0x3] =	stream.linear.gather [hbm4b:s8+s3], $0x1800, $0x38;
	[tilespmem:$0x1EC00] =	vst v63  }
0x1c: {  	_ =	swait.ge [sflag:s14], $0x1800  }
0x1d: {  	[sflag:s14] =	ssyncset.done $0x0  }
0x1e: {  	[sflag:s14] =	ssyncadd.s32 $0xFFFFE800  }
0x1f: {  	[tilespmem:s17], [sflag:$0x1] =	stream.indirect.gather [hbm4b:s4+s16], $0x80, s3, s16, $0xb8;
	[tilespmem:$0x1EC00] =	vst v63  }
0x20: {  	s22 =	simm.s32 $0x80  }
0x21: {  	[tilespmem:s18], [sflag:$0x2] =	stream.indirect.gather [hbm4b:s4+s16], $0x80, s22, s16, $0xb8;
	[tilespmem:$0x1EC00] =	vst v63  }
0x22: {  	_ =	swait.ge [sflag:s19], $0x4000  }
0x23: {  	[sflag:s19] =	ssyncset.done $0x0  }
0x24: {  	s29 =	simm.s32 $0x1800;
	[sflag:s19] =	ssyncadd.s32 $0xFFFFC000  }
0x25: {  	[spmem:s1] =	stream.indirect.scatter.add.f32 [tilespmem:s17], [sflag:$0x3], $0x80, s29, s16, $0xb8;
	[tilespmem:$0x1EC00] =	vst v63  }
0x26: {  	_ =	swait.ge [sflag:s14], $0x4000  }
0x27: {  	[sflag:s14] =	ssyncset.done $0x0  }
0x28: {  	s30 =	simm.s32 $0x100;
	[sflag:s14] =	ssyncadd.s32 $0xFFFFC000  }
0x29: {  	[tilespmem:s17], [sflag:$0x1] =	stream.indirect.gather [hbm4b:s4+s16], $0x80, s30, s16, $0xb8;
	[tilespmem:$0x1EC00] =	vst v63  }
0x2a: {  	_ =	swait.ge [sflag:s20], $0x4000  }
0x2b: {  	[sflag:s20] =	ssyncset.done $0x0  }
0x2c: {  	s31 =	simm.s32 $0x1880;
	[sflag:s20] =	ssyncadd.s32 $0xFFFFC000  }
0x2d: {  	[spmem:s1] =	stream.indirect.scatter.add.f32 [tilespmem:s18], [sflag:$0x3], $0x80, s31, s16, $0xb8;
	[tilespmem:$0x1EC00] =	vst v63  }
0x2e: {  	_ =	swait.ge [sflag:s14], $0x4000  }
0x2f: {  	s23 =	simm.s32 $0x800;
	s22 =	simm.s32 $0x100;
	[sflag:s14] =	ssyncset.done $0x0  }
.LBB2_2:
0x30: {  	s24 =	sadd.s32 $0x80, s22  }
0x31: {  	[sflag:s14] =	ssyncadd.s32 $0xFFFFC000;
	s25 =	smov.u32 s23;
	s26 =	sadd.s32 $0x400, s23  }
0x32: {  	[tilespmem:s18], [sflag:$0x2] =	stream.indirect.gather [hbm4b:s4+s16], $0x80, s24, s16, $0xb8;
	[tilespmem:$0x1EC00] =	vst v63  }
0x33: {  	p0 =	sne.s32 s23, $0x4C00;
	_ =	swait.ge [sflag:s19], $0x4000  }
0x34: {  	[sflag:s19] =	ssyncset.done $0x0  }
0x35: {  	s23 =	sadd.s32 $0x1800, s22;
	[sflag:s19] =	ssyncadd.s32 $0xFFFFC000  }
0x36: {  	[spmem:s1] =	stream.indirect.scatter.add.f32 [tilespmem:s17], [sflag:$0x3], $0x80, s23, s16, $0xb8;
	[tilespmem:$0x1EC00] =	vst v63  }
0x37: {  	_ =	swait.ge [sflag:s14], $0x4000  }
0x38: {  	[sflag:s14] =	ssyncset.done $0x0  }
0x39: {  	s23 =	sadd.s32 $0x100, s22;
	[sflag:s14] =	ssyncadd.s32 $0xFFFFC000  }
0x3a: {  	[tilespmem:s17], [sflag:$0x1] =	stream.indirect.gather [hbm4b:s4+s16], $0x80, s23, s16, $0xb8;
	[tilespmem:$0x1EC00] =	vst v63  }
0x3b: {  	_ =	swait.ge [sflag:s20], $0x4000  }
.Ltmp0:
0x3c: {  	[sflag:s20] =	ssyncset.done $0x0;
	(pc) =	sbr.rel @p0 .LBB2_2-.Ltmp0, $4  }
0x3d: {  	s22 =	sadd.s32 $0x1880, s22;
	[sflag:s20] =	ssyncadd.s32 $0xFFFFC000  }
0x3e: {  	[spmem:s1] =	stream.indirect.scatter.add.f32 [tilespmem:s18], [sflag:$0x3], $0x80, s22, s16, $0xb8;
	[tilespmem:$0x1EC00] =	vst v63  }
0x3f: {  	_ =	swait.ge [sflag:s14], $0x4000  }
0x40: {  	s23 =	smov.u32 s26;
	s22 =	sshra.s32 s25, $0x2;
	[sflag:s14] =	ssyncset.done $0x0  }
0x41: {  	s23 =	sadd.s32 $0x80, s22;
	[sflag:s14] =	ssyncadd.s32 $0xFFFFC000  }
0x42: {  	[tilespmem:s18], [sflag:$0x2] =	stream.indirect.gather [hbm4b:s4+s16], $0x80, s23, s16, $0xb8;
	[tilespmem:$0x1EC00] =	vst v63  }
0x43: {  	_ =	swait.ge [sflag:s19], $0x4000  }
0x44: {  	[sflag:s19] =	ssyncset.done $0x0  }
0x45: {  	s31 =	sadd.s32 $0x1800, s22;
	[sflag:s19] =	ssyncadd.s32 $0xFFFFC000  }
0x46: {  	[spmem:s1] =	stream.indirect.scatter.add.f32 [tilespmem:s17], [sflag:$0x3], $0x80, s31, s16, $0xb8;
	[tilespmem:$0x1EC00] =	vst v63  }
0x47: {  	_ =	swait.ge [sflag:s14], $0x4000  }
0x48: {  	[sflag:s14] =	ssyncset.done $0x0  }
0x49: {  	s24 =	sadd.s32 $0x100, s22;
	[sflag:s14] =	ssyncadd.s32 $0xFFFFC000  }
0x4a: {  	[tilespmem:s17], [sflag:$0x1] =	stream.indirect.gather [hbm4b:s4+s16], $0x80, s24, s16, $0xb8;
	[tilespmem:$0x1EC00] =	vst v63  }
0x4b: {  	_ =	swait.ge [sflag:s20], $0x4000  }
0x4c: {  	[sflag:s20] =	ssyncset.done $0x0  }
0x4d: {  	s25 =	sadd.s32 $0x1880, s22;
	[sflag:s20] =	ssyncadd.s32 $0xFFFFC000  }
0x4e: {  	[spmem:s1] =	stream.indirect.scatter.add.f32 [tilespmem:s18], [sflag:$0x3], $0x80, s25, s16, $0xb8;
	[tilespmem:$0x1EC00] =	vst v63  }
0x4f: {  	_ =	swait.ge [sflag:s14], $0x4000  }
0x50: {  	[sflag:s14] =	ssyncset.done $0x0  }
0x51: {  	[sflag:s14] =	ssyncadd.s32 $0xFFFFC000  }
0x52: {  	_ =	swait.ge [sflag:s19], $0x4000  }
0x53: {  	[sflag:s19] =	ssyncset.done $0x0  }
0x54: {  	s26 =	simm.s32 $0x0;
	[sflag:s19] =	ssyncadd.s32 $0xFFFFC000  }
0x55: {  	[tilespmem:s26], [sflag:$0x3] =	stream.linear.gather [hbm4b:s9+s26], $0x1800, $0x38;
	[tilespmem:$0x1EC00] =	vst v63  }
0x56: {  	_ =	swait.ge [sflag:s14], $0x1800  }
0x57: {  	[sflag:s14] =	ssyncset.done $0x0  }
0x58: {  	[sflag:s14] =	ssyncadd.s32 $0xFFFFE800  }
0x59: {  	[tilespmem:s15], [sflag:$0x3] =	stream.linear.gather [hbm4b:s10+s26], $0x1800, $0x38;
	[tilespmem:$0x1EC00] =	vst v63  }
0x5a: {  	_ =	swait.ge [sflag:s14], $0x1800  }
0x5b: {  	[sflag:s14] =	ssyncset.done $0x0  }
0x5c: {  	[sflag:s14] =	ssyncadd.s32 $0xFFFFE800  }
0x5d: {  	[tilespmem:s17], [sflag:$0x1] =	stream.indirect.gather [hbm4b:s4+s16], $0x80, s26, s16, $0xb8;
	[tilespmem:$0x1EC00] =	vst v63  }
0x5e: {  	s28 =	simm.s32 $0x80  }
0x5f: {  	[tilespmem:s18], [sflag:$0x2] =	stream.indirect.gather [hbm4b:s4+s16], $0x80, s28, s16, $0xb8;
	[tilespmem:$0x1EC00] =	vst v63  }
0x60: {  	_ =	swait.ge [sflag:s19], $0x4000  }
0x61: {  	[sflag:s19] =	ssyncset.done $0x0  }
0x62: {  	s29 =	simm.s32 $0x1800;
	[sflag:s19] =	ssyncadd.s32 $0xFFFFC000  }
0x63: {  	[spmem:s1] =	stream.indirect.scatter.add.f32 [tilespmem:s17], [sflag:$0x3], $0x80, s29, s16, $0xb8;
	[tilespmem:$0x1EC00] =	vst v63  }
0x64: {  	_ =	swait.ge [sflag:s14], $0x4000  }
0x65: {  	[sflag:s14] =	ssyncset.done $0x0  }
0x66: {  	s30 =	simm.s32 $0x100;
	[sflag:s14] =	ssyncadd.s32 $0xFFFFC000  }
0x67: {  	[tilespmem:s17], [sflag:$0x1] =	stream.indirect.gather [hbm4b:s4+s16], $0x80, s30, s16, $0xb8;
	[tilespmem:$0x1EC00] =	vst v63  }
0x68: {  	_ =	swait.ge [sflag:s20], $0x4000  }
0x69: {  	[sflag:s20] =	ssyncset.done $0x0  }
0x6a: {  	s31 =	simm.s32 $0x1880;
	[sflag:s20] =	ssyncadd.s32 $0xFFFFC000  }
0x6b: {  	[spmem:s1] =	stream.indirect.scatter.add.f32 [tilespmem:s18], [sflag:$0x3], $0x80, s31, s16, $0xb8;
	[tilespmem:$0x1EC00] =	vst v63  }
0x6c: {  	_ =	swait.ge [sflag:s14], $0x4000  }
0x6d: {  	s22 =	simm.s32 $0x100;
	s23 =	simm.s32 $0x800;
	[sflag:s14] =	ssyncset.done $0x0  }
.LBB2_4:
0x6e: {  	s24 =	sadd.s32 $0x80, s22  }
0x6f: {  	[sflag:s14] =	ssyncadd.s32 $0xFFFFC000;
	s25 =	smov.u32 s23;
	s26 =	sadd.s32 $0x400, s23  }
0x70: {  	[tilespmem:s18], [sflag:$0x2] =	stream.indirect.gather [hbm4b:s4+s16], $0x80, s24, s16, $0xb8;
	[tilespmem:$0x1EC00] =	vst v63  }
0x71: {  	p0 =	sne.s32 s23, $0x4C00;
	_ =	swait.ge [sflag:s19], $0x4000  }
0x72: {  	[sflag:s19] =	ssyncset.done $0x0  }
0x73: {  	s23 =	sadd.s32 $0x1800, s22;
	[sflag:s19] =	ssyncadd.s32 $0xFFFFC000  }
0x74: {  	[spmem:s1] =	stream.indirect.scatter.add.f32 [tilespmem:s17], [sflag:$0x3], $0x80, s23, s16, $0xb8;
	[tilespmem:$0x1EC00] =	vst v63  }
0x75: {  	_ =	swait.ge [sflag:s14], $0x4000  }
0x76: {  	[sflag:s14] =	ssyncset.done $0x0  }
0x77: {  	s23 =	sadd.s32 $0x100, s22;
	[sflag:s14] =	ssyncadd.s32 $0xFFFFC000  }
0x78: {  	[tilespmem:s17], [sflag:$0x1] =	stream.indirect.gather [hbm4b:s4+s16], $0x80, s23, s16, $0xb8;
	[tilespmem:$0x1EC00] =	vst v63  }
0x79: {  	_ =	swait.ge [sflag:s20], $0x4000  }
.Ltmp1:
0x7a: {  	[sflag:s20] =	ssyncset.done $0x0;
	(pc) =	sbr.rel @p0 .LBB2_4-.Ltmp1, $4  }
0x7b: {  	s22 =	sadd.s32 $0x1880, s22;
	[sflag:s20] =	ssyncadd.s32 $0xFFFFC000  }
0x7c: {  	[spmem:s1] =	stream.indirect.scatter.add.f32 [tilespmem:s18], [sflag:$0x3], $0x80, s22, s16, $0xb8;
	[tilespmem:$0x1EC00] =	vst v63  }
0x7d: {  	_ =	swait.ge [sflag:s14], $0x4000  }
0x7e: {  	s23 =	smov.u32 s26;
	s22 =	sshra.s32 s25, $0x2;
	[sflag:s14] =	ssyncset.done $0x0  }
0x7f: {  	s23 =	sadd.s32 $0x80, s22;
	[sflag:s14] =	ssyncadd.s32 $0xFFFFC000  }
0x80: {  	[tilespmem:s18], [sflag:$0x2] =	stream.indirect.gather [hbm4b:s4+s16], $0x80, s23, s16, $0xb8;
	[tilespmem:$0x1EC00] =	vst v63  }
0x81: {  	_ =	swait.ge [sflag:s19], $0x4000  }
0x82: {  	[sflag:s19] =	ssyncset.done $0x0  }
0x83: {  	s29 =	sadd.s32 $0x1800, s22;
	[sflag:s19] =	ssyncadd.s32 $0xFFFFC000  }
0x84: {  	[spmem:s1] =	stream.indirect.scatter.add.f32 [tilespmem:s17], [sflag:$0x3], $0x80, s29, s16, $0xb8;
	[tilespmem:$0x1EC00] =	vst v63  }
0x85: {  	_ =	swait.ge [sflag:s14], $0x4000  }
0x86: {  	[sflag:s14] =	ssyncset.done $0x0  }
0x87: {  	s30 =	sadd.s32 $0x100, s22;
	[sflag:s14] =	ssyncadd.s32 $0xFFFFC000  }
0x88: {  	[tilespmem:s17], [sflag:$0x1] =	stream.indirect.gather [hbm4b:s4+s16], $0x80, s30, s16, $0xb8;
	[tilespmem:$0x1EC00] =	vst v63  }
0x89: {  	_ =	swait.ge [sflag:s20], $0x4000  }
0x8a: {  	[sflag:s20] =	ssyncset.done $0x0  }
0x8b: {  	s31 =	sadd.s32 $0x1880, s22;
	[sflag:s20] =	ssyncadd.s32 $0xFFFFC000  }
0x8c: {  	[spmem:s1] =	stream.indirect.scatter.add.f32 [tilespmem:s18], [sflag:$0x3], $0x80, s31, s16, $0xb8;
	[tilespmem:$0x1EC00] =	vst v63  }
0x8d: {  	_ =	swait.ge [sflag:s14], $0x4000  }
0x8e: {  	[sflag:s14] =	ssyncset.done $0x0  }
0x8f: {  	[sflag:s14] =	ssyncadd.s32 $0xFFFFC000  }
0x90: {  	_ =	swait.ge [sflag:s19], $0x4000  }
0x91: {  	s21 =	sadd.s32 $0x1, s21;
	[sflag:s19] =	ssyncset.done $0x0  }
0x92: {  	p0 =	sne.s32 s21, s12;
	[sflag:s19] =	ssyncadd.s32 $0xFFFFC000  }
.Ltmp2:
0x93: {  	[bflag:$0x0] =	sbarrier.arrive $0xFFFF;
	(pc) =	sbr.rel @p0 .LBB2_1-.Ltmp2, $4  }
0x94: {  	[hbm:s11], [sflag:s6] =	dma.local [spmem:s13], $0x2780  }
0x95: {  	_ =	swait.ge [sflag:s14], $0x2780  }
0x96: {  	[sflag:s14] =	ssyncset.done $0x0  }
0x97: {  	[sflag:s14] =	ssyncadd.s32 $0xFFFFD880  }
0x98: {  	_ =	sfence.sel $0x180000  }
0x99: {  	[bflag:$0x0] =	sbarrier.arrive $0xFFFF  }
0x9a: {  	p0 =	sne.s32 s2, $0x0;
	_ =	strace $0x9000004A  }
0x9b: {  	s0 =	sadd.s32 @!p0 $0x100000, s0;
	[bflag:$0x2] =	sbarrier.arrive $0xFFFF  }
0x9c: {  	[sflag:s0] =	ssyncadd.tile.s32 @!p0 $0x1;
	_ =	shalt  }
.Lfunc_end2:
_tile_overlayer_lowered:
.L_overlay_start_2:
0x9d: {  	(tag) =	ssettag $0x2  }
0x9e: {  	s0 =	rddreg [dreg:$0x0];
	s2 =	stileid.u32  }
0x9f: {  	s1 =	rddreg [dreg:$0x1];
	p0 =	sne.s32 s2, $0x0  }
0xa0: {  	s3 =	rddreg [dreg:$0x2];
	[bflag:$0x3] =	sbarrier.arrive $0xFFFF;
	s2 =	simm.s32 @!p0 $0x1C03  }
0xa1: {  	[timem:s3], [sflag:s2] =	dma.local @!p0 [hbm:s0], s1  }
0xa2: {  	s0 =	simm.s32 @!p0 $0x3  }
0xa3: {  	_ =	swait.ge @!p0 [sflag:s0], s1  }
0xa4: {  	s1 =	ssub.s32 @!p0 $0x0, s1;
	[sflag:s0] =	ssyncset.done @!p0 $0x0  }
0xa5: {  	[sflag:s0] =	ssyncadd.s32 @!p0 s1  }
0xa6: {  	[bflag:$0x3] =	sbarrier.arrive $0xFFFF  }
0xa7: {  	_ =	shalt  }

// kernel: kernel.14.cloned.1.call-start
scs
__scs_entry_jumppad:
0x0: {  	(pc) =	sbr.rel $0x88, $3  }
0x1: {  	(tag) =	ssettag $0x0;
	lr =	simm.s32 $0x1  }
0x2: {  	[smem:$0x3F98] =	sst lr;
	_ =	strace $0xD0000000  }
0x3: {  	_ = 	snop  }
0x4: {  	_ = 	snop  }
0x5: {  	_ = 	snop  }
0x6: {  	_ = 	snop  }
0x7: {  	_ = 	snop  }
__scs_overlays_trampoline_lowered:
0x8: {  	[smem:$0x3FA7] =	sst s0  }
0x9: {  	[smem:$0x3FA8] =	sst s1  }
0xa: {  	[smem:$0x3FA9] =	sst s2  }
0xb: {  	[smem:$0x3FAA] =	sst s3  }
0xc: {  	[smem:$0x3FAB] =	sst s4  }
0xd: {  	[smem:$0x3FAC] =	sst s5  }
0xe: {  	[smem:$0x3FAD] =	sst s6  }
0xf: {  	[smem:$0x3FAE] =	sst s7  }
0x10: {  	[smem:$0x3FAF] =	sst s8  }
0x11: {  	[smem:$0x3FB0] =	sst s9;
	s0 =	simm.s32 @!p0 $0x0  }
0x12: {  	s1 =	sld [smem:$0x3F96];
	s0 =	simm.s32 @p0 $0x1  }
0x13: {  	[smem:$0x3FB1] =	sst s0;
	s0 =	simm.s32 @!p1 $0x0  }
0x14: {  	s2 =	sld [smem:$0x3F95];
	s0 =	simm.s32 @p1 $0x1  }
0x15: {  	[smem:$0x3FB2] =	sst s0;
	s0 =	simm.s32 @!p2 $0x0  }
0x16: {  	s3 =	sld [smem:$0x3FDB];
	s0 =	simm.s32 @p2 $0x1  }
0x17: {  	s4 =	simm.s32 $0x1BF5;
	[smem:$0x3FB4] =	sst s0  }
0x18: {  	s0 =	sld [smem:$0x3F97];
	_ =	swait.ge [sflag:s4], $0x0  }
0x19: {  	s7 =	sld [smem:$0x3F98]  }
0x1a: {  	s8 =	sadd.s32 $0xFFFFE003, lr  }
0x1b: {  	s9 =	sadd.s32 $0xFFFFFEF7, lr;
	s5 =	simm.s32 $0xFFFFFFFF;
	p2 =	slt.u32 s8, $0xFFFFF086  }
0x1c: {  	p1 =	slt.u32 s9, $0xF7A;
	s5 =	simm.s32 @!p2 $0x0  }
0x1d: {  	s5 =	simm.s32 @p1 $0x1;
	p0 =	seq.s32 s7, s2  }
0x1e: {  	s7 =	smul.u32 @!p0 $0xF7A, s2;
	p2 =	seq.s32 @!p0 s5, $0x0  }
0x1f: {  	s9 =	smul.u32 $0xF7A, s1;
	s8 =	simm.s32 @!p0 $0x1BF5;
	p2 =	por !p2, p0  }
0x20: {  	[sflag:s8] =	ssyncset.s32 @!p0 $0xFFFFF086;
	s6 =	sadd.s32 @!p0 s3, s7;
	s7 =	simm.s32 @!p0 $0x108  }
0x21: {  	s3 =	sadd.s32 s3, s9;
	s6 =	sadd.s32 @!p0 $0x88, s6;
	s7 =	simm.s32 @p2 $0x1082  }
0x22: {  	[simem:s7], [sflag:s8] =	dma.local @!p0 [hbm:s6], $0xF7A  }
0x23: {  	s9 =	sor.u32 $0xD0000000, s2;
	s6 =	simm.s32 $0x108;
	_ =	swait.ge @!p0 [sflag:s8], $0x0  }
0x24: {  	s3 =	sadd.s32 $0x88, s3;
	s6 =	simm.s32 @!p1 $0x1082;
	[sflag:s4] =	ssyncset.s32 $0xFFFFF086  }
0x25: {  	[simem:s6], [sflag:s4] =	dma.local [hbm:s3], $0xF7A  }
0x26: {  	[smem:$0x3F98] =	sst s1;
	(tag) =	ssettag s2;
	_ =	strace s9  }
0x27: {  	s1 =	sld [smem:$0x3FA8]  }
0x28: {  	s2 =	sld [smem:$0x3FA9]  }
0x29: {  	s4 =	sld [smem:$0x3FAB]  }
0x2a: {  	p0 =	seq.s32 s5, $0x0;
	s5 =	sld [smem:$0x3FAC]  }
0x2b: {  	s6 =	sld [smem:$0x3FAD]  }
0x2c: {  	s7 =	sld [smem:$0x3FAE]  }
0x2d: {  	s3 =	simm.s32 $0x108;
	s8 =	sld [smem:$0x3FAF]  }
0x2e: {  	s3 =	simm.s32 @!p0 $0x1082;
	s9 =	sld [smem:$0x3FB0]  }
0x2f: {  	lr =	sadd.s32 s0, s3;
	s0 =	sld [smem:$0x3FA7]  }
0x30: {  	s3 =	sld [smem:$0x3FAA]  }
0x31: {  	[smem:$0x3FB3] =	sst s10  }
0x32: {  	s10 =	sld [smem:$0x3FB1];
	_ =	sdelay $0x3  }
0x33: {  	p0 =	seq.s32 s10, $0x1;
	s10 =	sld [smem:$0x3FB3];
	_ =	sdelay $0x3  }
0x34: {  	[smem:$0x3FB3] =	sst s10  }
0x35: {  	s10 =	sld [smem:$0x3FB2];
	_ =	sdelay $0x3  }
0x36: {  	p1 =	seq.s32 s10, $0x1;
	s10 =	sld [smem:$0x3FB3];
	_ =	sdelay $0x3  }
0x37: {  	[smem:$0x3FB3] =	sst s10  }
0x38: {  	s10 =	sld [smem:$0x3FB4]  }
0x39: {  	_ = 	snop;
	(pc) =	sbr.ind lr, $3  }
0x3a: {  	_ = 	snop  }
0x3b: {  	_ = 	snop  }
0x3c: {  	p2 =	seq.s32 s10, $0x1;
	s10 =	sld [smem:$0x3FB3]  }
0x3d: {  	_ =	shalt  }
0x3e: {  	_ =	shalt  }
0x3f: {  	_ =	shalt  }
0x40: {  	_ =	shalt  }
0x41: {  	_ =	shalt  }
0x42: {  	_ =	shalt  }
0x43: {  	_ =	shalt  }
0x44: {  	_ =	shalt  }
0x45: {  	_ =	shalt  }
0x46: {  	_ =	shalt  }
0x47: {  	_ =	shalt  }
0x48: {  	_ =	shalt  }
0x49: {  	_ =	shalt  }
0x4a: {  	_ =	shalt  }
0x4b: {  	_ =	shalt  }
0x4c: {  	_ =	shalt  }
0x4d: {  	_ =	shalt  }
0x4e: {  	_ =	shalt  }
0x4f: {  	_ =	shalt  }
0x50: {  	_ =	shalt  }
0x51: {  	_ =	shalt  }
0x52: {  	_ =	shalt  }
0x53: {  	_ =	shalt  }
0x54: {  	_ =	shalt  }
0x55: {  	_ =	shalt  }
0x56: {  	_ =	shalt  }
0x57: {  	_ =	shalt  }
0x58: {  	_ =	shalt  }
0x59: {  	_ =	shalt  }
0x5a: {  	_ =	shalt  }
0x5b: {  	_ =	shalt  }
0x5c: {  	_ =	shalt  }
0x5d: {  	_ =	shalt  }
0x5e: {  	_ =	shalt  }
0x5f: {  	_ =	shalt  }
0x60: {  	_ =	shalt  }
0x61: {  	_ =	shalt  }
0x62: {  	_ =	shalt  }
0x63: {  	_ =	shalt  }
0x64: {  	_ =	shalt  }
0x65: {  	_ =	shalt  }
0x66: {  	_ =	shalt  }
0x67: {  	_ =	shalt  }
0x68: {  	_ =	shalt  }
0x69: {  	_ =	shalt  }
0x6a: {  	_ =	shalt  }
0x6b: {  	_ =	shalt  }
0x6c: {  	_ =	shalt  }
0x6d: {  	_ =	shalt  }
0x6e: {  	_ =	shalt  }
0x6f: {  	_ =	shalt  }
0x70: {  	_ =	shalt  }
0x71: {  	_ =	shalt  }
0x72: {  	_ =	shalt  }
0x73: {  	_ =	shalt  }
0x74: {  	_ =	shalt  }
0x75: {  	_ =	shalt  }
0x76: {  	_ =	shalt  }
0x77: {  	_ =	shalt  }
0x78: {  	_ =	shalt  }
0x79: {  	_ =	shalt  }
0x7a: {  	_ =	shalt  }
0x7b: {  	_ =	shalt  }
0x7c: {  	_ =	shalt  }
0x7d: {  	_ =	shalt  }
0x7e: {  	_ =	shalt  }
0x7f: {  	_ =	shalt  }
0x80: {  	_ =	shalt  }
0x81: {  	_ =	shalt  }
0x82: {  	_ =	shalt  }
0x83: {  	_ =	shalt  }
0x84: {  	_ =	shalt  }
0x85: {  	_ =	shalt  }
0x86: {  	_ =	shalt  }
0x87: {  	_ =	shalt  }
.Lfunc_end0:
.L_simem_size_0:
called_computation.2_lowered:
.L_overlay_start_0:
0x88: {  	s2 =	sld [smem:$0x3FD9]  }
0x89: {  	s3 =	sld [smem:$0x3FFE];
	_ =	sdelay $0x1  }
0x8a: {  	s1 =	srdreg.scid  }
0x8b: {  	s0 =	sand.u32 $0x1, s1  }
0x8c: {  	s16 =	sshll.u32 s0, $0xA;
	s2 =	sadd.s32 s3, s2  }
0x8d: {  	s2 =	sadd.s32 s2, s16  }
0x8e: {  	[smem:$0x3FBF] =	sst s2  }
0x8f: {  	_ = 	snop  }
0x90: {  	(tm) =	ssettm $0x1  }
0x91: {  	s17 =	sld [smem:$0x3FFB];
	_ =	sdelay $0x3  }
0x92: {  	_ =	strace s17  }
0x93: {  	s2 =	sld [smem:$0x3FFC];
	_ =	sdelay $0x3  }
0x94: {  	_ =	strace s2  }
0x95: {  	s2 =	sld [smem:$0x3FFD];
	_ =	sdelay $0x3  }
0x96: {  	_ =	strace s2  }
0x97: {  	_ =	strace $0x8FFFFFFF  }
0x98: {  	s18 =	sld [smem:$0x3FDB];
	_ =	sdelay $0x1  }
0x99: {  	s19 =	simm.s32 $_scs_section_size  }
0x9a: {  	s4 =	simm.s32 $_size__tile_overlayer_lowered;
	s5 =	simm.s32 $_tile_overlayer_lowered  }
0x9b: {  	s22 =	simm.s32 $0x1BFF;
	s21 =	sshll.u32 s5, $0x1;
	s2 =	sadd.s32 s19, s18  }
0x9c: {  	s6 =	simm.s32 $0x0;
	s20 =	sshll.u32 s4, $0x1;
	s4 =	sadd.s32 s21, s2  }
0x9d: {  	[timem:s6], [sflag:s22] =	dma.local [hbm:s4], s20  }
0x9e: {  	_ =	swait.ge [sflag:s22], s20  }
0x9f: {  	s3 =	ssub.s32 $0x0, s20;
	[sflag:s22] =	ssyncset.done $0x0  }
0xa0: {  	[sflag:s22] =	ssyncadd.s32 s3;
	_ =	sdelay $0x1  }
0xa1: {  	s23 =	simm.s32 $0x1B8B  }
0xa2: {  	_ =	swait.ge [sflag:s23], $0x1  }
0xa3: {  	[sflag:s23] =	ssyncset.done $0x0  }
0xa4: {  	s25 =	simm.s32 $0x1B8E;
	s24 =	sld [smem:$0x3FFE];
	[sflag:s23] =	ssyncadd.s32 $0xFFFFFFFF  }
0xa5: {  	s26 =	simm.s32 $execute0_lowered;
	[smem:$0x3FD2] =	sst s25  }
0xa6: {  	s4 =	sshll.u32 s26, $0x1;
	_ =	strace $0x8000004C;
	[dreg:$0x1] =	wrdreg $0xFFFFFFFF  }
0xa7: {  	s28 =	simm.s32 $_size_execute0_lowered;
	s2 =	sadd.s32 s2, s4;
	[dreg:$0x0] =	wrdreg $0x0  }
0xa8: {  	s4 =	sshll.u32 s28, $0x1;
	[dreg:$0x2] =	wrdreg s2  }
0xa9: {  	[dreg:$0x3] =	wrdreg s4  }
0xaa: {  	[dreg:$0x4] =	wrdreg $0xC0  }
0xab: {  	_ =	task [dreg:s6], $0x5FFFF  }
0xac: {  	[dreg:$0x1] =	wrdreg $0xFFFFFFFF  }
0xad: {  	[dreg:$0x0] =	wrdreg $0x60  }
0xae: {  	[dreg:$0x2] =	wrdreg s24  }
0xaf: {  	[dreg:$0x3] =	wrdreg $0xB0000  }
0xb0: {  	[dreg:$0x4] =	wrdreg $0x9  }
0xb1: {  	_ =	task.clear_ibuf [dreg:s6], $0x5FFFF;
	_ =	strace $0x9000004C  }
0xb2: {  	s29 =	simm.s32 $0x9;
	_ =	strace $0x8000004E  }
0xb3: {  	_ =	swait.ge [sflag:s29], $0x1  }
0xb4: {  	[sflag:s29] =	ssyncadd.s32 $0xFFFFFFFF  }
0xb5: {  	_ =	strace $0x9000004E  }
0xb6: {  	_ =	sfence  }
0xb7: {  	s30 =	sld [smem:$0x0];
	_ =	sdelay $0x2  }
0xb8: {  	s31 =	sshll.u32 s1, $0xD;
	s1 =	sshrl.u32 s1, $0x2  }
0xb9: {  	s3 =	sand.u32 $0x4000, s31;
	s1 =	sadd.s32 s1, s30  }
0xba: {  	s0 =	sor.u32 s3, s0;
	s1 =	sshll.u32 s1, $0x11  }
0xbb: {  	s0 =	sor.u32 s1, s0  }
0xbc: {  	s0 =	sadd.s32 $0x8F2B, s0  }
0xbd: {  	[sflag:s0] =	ssyncadd.remote.s32 $0x1  }
0xbe: {  	_ =	sfence.sel $0xFFFF  }
0xbf: {  	[dreg:$0x0] =	wrdreg $0xFFFFFFFF;
	(pc) =	sbr.abs _section_cstart, $3  }
0xc0: {  	[dreg:$0x1] =	wrdreg $0xFFFFFFFF  }
0xc1: {  	_ =	task.clear_ibuf [dreg:s6], $0x2FFFF;
	_ =	strace $0x9FFFFFFF  }
0xc2: {  	(tm) =	ssettm $0x7FFFFFFF  }
0xc3: {  	_ =	shalt  }
tec
execute0_lowered:
.L_overlay_start_1:
0x0: {  	(tag) =	ssettag $0x1  }
0x1: {  	s6 =	rddreg [dreg:$0x0]  }
0x2: {  	s1 =	rddreg [dreg:$0x1]  }
0x3: {  	s2 =	srdreg.scid;
	s0 =	rddreg [dreg:$0x2]  }
0x4: {  	s3 =	simm.s32 $0x0;
	s15 =	simm.s32 $0x1800;
	s16 =	simm.s32 $0x80  }
0x5: {  	s17 =	simm.s32 $0x3000;
	s18 =	simm.s32 $0x7000;
	s19 =	simm.s32 $0x1  }
0x6: {  	s20 =	simm.s32 $0x2;
	s21 =	simm.s32 $0x0;
	s5 =	sand.u32 $0x1, s2  }
0x7: {  	s2 =	stileid.u32;
	[smem:$0x7FF] =	sst s3;
	s4 =	sadd.s32 $0x10600, s6  }
0x8: {  	s9 =	sadd.s32 $0x5FE00, s6;
	s10 =	sadd.s32 $0x2E00, s6;
	s7 =	smul.u32 $0x13C000, s5  }
0x9: {  	s8 =	smul.u32 $0x13C00, s2;
	_ =	strace $0x8000004D;
	s23 =	sshll.u32 s5, $0x4  }
0xa: {  	s11 =	ssub.s32 $0x2, s5;
	s25 =	smul.u32 $0x4F000, s2;
	s5 =	sadd.s32 $0xDE00, s6  }
0xb: {  	s28 =	sshll.u32 s2, $0x6;
	s24 =	sor.u32 s2, s23;
	s12 =	sshrl.u32 s11, $0x1  }
0xc: {  	s7 =	sadd.s32 s8, s7;
	s13 =	smul.u32 $0x2C00, s24;
	s26 =	sshrl.u32 s25, $0x2  }
0xd: {  	s12 =	ssub.s32 s11, s12;
	s7 =	sshrl.u32 s7, $0x3;
	s30 =	sadd.s32 s26, s1  }
0xe: {  	s12 =	smax.u32 s12, $0x1;
	s14 =	sadd.s32 s7, s6;
	s29 =	sshrl.u32 s13, $0x3  }
0xf: {  	s6 =	sor.u32 $0x1C03, s28;
	s13 =	sshrl.u32 s30, $0x3;
	s31 =	sadd.s32 $0x280, s29  }
0x10: {  	s7 =	sadd.s32 s9, s29;
	s8 =	sadd.s32 s10, s29;
	s11 =	sadd.s32 $0x6AE00, s14  }
0x11: {  	s14 =	simm.s32 $0x3;
	s9 =	sadd.s32 s9, s31;
	s10 =	sadd.s32 s10, s31  }
.LBB2_1:
0x12: {  	[spmem:s13], [sflag:s6] =	dma.local [hbm:s5], $0x2780  }
0x13: {  	_ =	swait.ge [sflag:s14], $0x2780  }
0x14: {  	[sflag:s14] =	ssyncset.done $0x0  }
0x15: {  	[sflag:s14] =	ssyncadd.s32 $0xFFFFD880  }
0x16: {  	[bflag:$0x0] =	sbarrier.arrive $0xFFFF  }
0x17: {  	[tilespmem:s3], [sflag:$0x3] =	stream.linear.gather [hbm4b:s7+s3], $0x1800, $0x38;
	[tilespmem:$0x1EC00] =	vst v63  }
0x18: {  	_ =	swait.ge [sflag:s14], $0x1800  }
0x19: {  	[sflag:s14] =	ssyncset.done $0x0  }
0x1a: {  	[sflag:s14] =	ssyncadd.s32 $0xFFFFE800  }
0x1b: {  	[tilespmem:s15], [sflag:$0x3] =	stream.linear.gather [hbm4b:s8+s3], $0x1800, $0x38;
	[tilespmem:$0x1EC00] =	vst v63  }
0x1c: {  	_ =	swait.ge [sflag:s14], $0x1800  }
0x1d: {  	[sflag:s14] =	ssyncset.done $0x0  }
0x1e: {  	[sflag:s14] =	ssyncadd.s32 $0xFFFFE800  }
0x1f: {  	[tilespmem:s17], [sflag:$0x1] =	stream.indirect.gather [hbm4b:s4+s16], $0x80, s3, s16, $0xb8;
	[tilespmem:$0x1EC00] =	vst v63  }
0x20: {  	s22 =	simm.s32 $0x80  }
0x21: {  	[tilespmem:s18], [sflag:$0x2] =	stream.indirect.gather [hbm4b:s4+s16], $0x80, s22, s16, $0xb8;
	[tilespmem:$0x1EC00] =	vst v63  }
0x22: {  	_ =	swait.ge [sflag:s19], $0x4000  }
0x23: {  	[sflag:s19] =	ssyncset.done $0x0  }
0x24: {  	s29 =	simm.s32 $0x1800;
	[sflag:s19] =	ssyncadd.s32 $0xFFFFC000  }
0x25: {  	[spmem:s1] =	stream.indirect.scatter.add.f32 [tilespmem:s17], [sflag:$0x3], $0x80, s29, s16, $0xb8;
	[tilespmem:$0x1EC00] =	vst v63  }
0x26: {  	_ =	swait.ge [sflag:s14], $0x4000  }
0x27: {  	[sflag:s14] =	ssyncset.done $0x0  }
0x28: {  	s30 =	simm.s32 $0x100;
	[sflag:s14] =	ssyncadd.s32 $0xFFFFC000  }
0x29: {  	[tilespmem:s17], [sflag:$0x1] =	stream.indirect.gather [hbm4b:s4+s16], $0x80, s30, s16, $0xb8;
	[tilespmem:$0x1EC00] =	vst v63  }
0x2a: {  	_ =	swait.ge [sflag:s20], $0x4000  }
0x2b: {  	[sflag:s20] =	ssyncset.done $0x0  }
0x2c: {  	s31 =	simm.s32 $0x1880;
	[sflag:s20] =	ssyncadd.s32 $0xFFFFC000  }
0x2d: {  	[spmem:s1] =	stream.indirect.scatter.add.f32 [tilespmem:s18], [sflag:$0x3], $0x80, s31, s16, $0xb8;
	[tilespmem:$0x1EC00] =	vst v63  }
0x2e: {  	_ =	swait.ge [sflag:s14], $0x4000  }
0x2f: {  	s23 =	simm.s32 $0x800;
	s22 =	simm.s32 $0x100;
	[sflag:s14] =	ssyncset.done $0x0  }
.LBB2_2:
0x30: {  	s24 =	sadd.s32 $0x80, s22  }
0x31: {  	[sflag:s14] =	ssyncadd.s32 $0xFFFFC000;
	s25 =	smov.u32 s23;
	s26 =	sadd.s32 $0x400, s23  }
0x32: {  	[tilespmem:s18], [sflag:$0x2] =	stream.indirect.gather [hbm4b:s4+s16], $0x80, s24, s16, $0xb8;
	[tilespmem:$0x1EC00] =	vst v63  }
0x33: {  	p0 =	sne.s32 s23, $0x4C00;
	_ =	swait.ge [sflag:s19], $0x4000  }
0x34: {  	[sflag:s19] =	ssyncset.done $0x0  }
0x35: {  	s23 =	sadd.s32 $0x1800, s22;
	[sflag:s19] =	ssyncadd.s32 $0xFFFFC000  }
0x36: {  	[spmem:s1] =	stream.indirect.scatter.add.f32 [tilespmem:s17], [sflag:$0x3], $0x80, s23, s16, $0xb8;
	[tilespmem:$0x1EC00] =	vst v63  }
0x37: {  	_ =	swait.ge [sflag:s14], $0x4000  }
0x38: {  	[sflag:s14] =	ssyncset.done $0x0  }
0x39: {  	s23 =	sadd.s32 $0x100, s22;
	[sflag:s14] =	ssyncadd.s32 $0xFFFFC000  }
0x3a: {  	[tilespmem:s17], [sflag:$0x1] =	stream.indirect.gather [hbm4b:s4+s16], $0x80, s23, s16, $0xb8;
	[tilespmem:$0x1EC00] =	vst v63  }
0x3b: {  	_ =	swait.ge [sflag:s20], $0x4000  }
.Ltmp0:
0x3c: {  	[sflag:s20] =	ssyncset.done $0x0;
	(pc) =	sbr.rel @p0 .LBB2_2-.Ltmp0, $4  }
0x3d: {  	s22 =	sadd.s32 $0x1880, s22;
	[sflag:s20] =	ssyncadd.s32 $0xFFFFC000  }
0x3e: {  	[spmem:s1] =	stream.indirect.scatter.add.f32 [tilespmem:s18], [sflag:$0x3], $0x80, s22, s16, $0xb8;
	[tilespmem:$0x1EC00] =	vst v63  }
0x3f: {  	_ =	swait.ge [sflag:s14], $0x4000  }
0x40: {  	s23 =	smov.u32 s26;
	s22 =	sshra.s32 s25, $0x2;
	[sflag:s14] =	ssyncset.done $0x0  }
0x41: {  	s23 =	sadd.s32 $0x80, s22;
	[sflag:s14] =	ssyncadd.s32 $0xFFFFC000  }
0x42: {  	[tilespmem:s18], [sflag:$0x2] =	stream.indirect.gather [hbm4b:s4+s16], $0x80, s23, s16, $0xb8;
	[tilespmem:$0x1EC00] =	vst v63  }
0x43: {  	_ =	swait.ge [sflag:s19], $0x4000  }
0x44: {  	[sflag:s19] =	ssyncset.done $0x0  }
0x45: {  	s31 =	sadd.s32 $0x1800, s22;
	[sflag:s19] =	ssyncadd.s32 $0xFFFFC000  }
0x46: {  	[spmem:s1] =	stream.indirect.scatter.add.f32 [tilespmem:s17], [sflag:$0x3], $0x80, s31, s16, $0xb8;
	[tilespmem:$0x1EC00] =	vst v63  }
0x47: {  	_ =	swait.ge [sflag:s14], $0x4000  }
0x48: {  	[sflag:s14] =	ssyncset.done $0x0  }
0x49: {  	s24 =	sadd.s32 $0x100, s22;
	[sflag:s14] =	ssyncadd.s32 $0xFFFFC000  }
0x4a: {  	[tilespmem:s17], [sflag:$0x1] =	stream.indirect.gather [hbm4b:s4+s16], $0x80, s24, s16, $0xb8;
	[tilespmem:$0x1EC00] =	vst v63  }
0x4b: {  	_ =	swait.ge [sflag:s20], $0x4000  }
0x4c: {  	[sflag:s20] =	ssyncset.done $0x0  }
0x4d: {  	s25 =	sadd.s32 $0x1880, s22;
	[sflag:s20] =	ssyncadd.s32 $0xFFFFC000  }
0x4e: {  	[spmem:s1] =	stream.indirect.scatter.add.f32 [tilespmem:s18], [sflag:$0x3], $0x80, s25, s16, $0xb8;
	[tilespmem:$0x1EC00] =	vst v63  }
0x4f: {  	_ =	swait.ge [sflag:s14], $0x4000  }
0x50: {  	[sflag:s14] =	ssyncset.done $0x0  }
0x51: {  	[sflag:s14] =	ssyncadd.s32 $0xFFFFC000  }
0x52: {  	_ =	swait.ge [sflag:s19], $0x4000  }
0x53: {  	[sflag:s19] =	ssyncset.done $0x0  }
0x54: {  	s26 =	simm.s32 $0x0;
	[sflag:s19] =	ssyncadd.s32 $0xFFFFC000  }
0x55: {  	[tilespmem:s26], [sflag:$0x3] =	stream.linear.gather [hbm4b:s9+s26], $0x1800, $0x38;
	[tilespmem:$0x1EC00] =	vst v63  }
0x56: {  	_ =	swait.ge [sflag:s14], $0x1800  }
0x57: {  	[sflag:s14] =	ssyncset.done $0x0  }
0x58: {  	[sflag:s14] =	ssyncadd.s32 $0xFFFFE800  }
0x59: {  	[tilespmem:s15], [sflag:$0x3] =	stream.linear.gather [hbm4b:s10+s26], $0x1800, $0x38;
	[tilespmem:$0x1EC00] =	vst v63  }
0x5a: {  	_ =	swait.ge [sflag:s14], $0x1800  }
0x5b: {  	[sflag:s14] =	ssyncset.done $0x0  }
0x5c: {  	[sflag:s14] =	ssyncadd.s32 $0xFFFFE800  }
0x5d: {  	[tilespmem:s17], [sflag:$0x1] =	stream.indirect.gather [hbm4b:s4+s16], $0x80, s26, s16, $0xb8;
	[tilespmem:$0x1EC00] =	vst v63  }
0x5e: {  	s28 =	simm.s32 $0x80  }
0x5f: {  	[tilespmem:s18], [sflag:$0x2] =	stream.indirect.gather [hbm4b:s4+s16], $0x80, s28, s16, $0xb8;
	[tilespmem:$0x1EC00] =	vst v63  }
0x60: {  	_ =	swait.ge [sflag:s19], $0x4000  }
0x61: {  	[sflag:s19] =	ssyncset.done $0x0  }
0x62: {  	s29 =	simm.s32 $0x1800;
	[sflag:s19] =	ssyncadd.s32 $0xFFFFC000  }
0x63: {  	[spmem:s1] =	stream.indirect.scatter.add.f32 [tilespmem:s17], [sflag:$0x3], $0x80, s29, s16, $0xb8;
	[tilespmem:$0x1EC00] =	vst v63  }
0x64: {  	_ =	swait.ge [sflag:s14], $0x4000  }
0x65: {  	[sflag:s14] =	ssyncset.done $0x0  }
0x66: {  	s30 =	simm.s32 $0x100;
	[sflag:s14] =	ssyncadd.s32 $0xFFFFC000  }
0x67: {  	[tilespmem:s17], [sflag:$0x1] =	stream.indirect.gather [hbm4b:s4+s16], $0x80, s30, s16, $0xb8;
	[tilespmem:$0x1EC00] =	vst v63  }
0x68: {  	_ =	swait.ge [sflag:s20], $0x4000  }
0x69: {  	[sflag:s20] =	ssyncset.done $0x0  }
0x6a: {  	s31 =	simm.s32 $0x1880;
	[sflag:s20] =	ssyncadd.s32 $0xFFFFC000  }
0x6b: {  	[spmem:s1] =	stream.indirect.scatter.add.f32 [tilespmem:s18], [sflag:$0x3], $0x80, s31, s16, $0xb8;
	[tilespmem:$0x1EC00] =	vst v63  }
0x6c: {  	_ =	swait.ge [sflag:s14], $0x4000  }
0x6d: {  	s22 =	simm.s32 $0x100;
	s23 =	simm.s32 $0x800;
	[sflag:s14] =	ssyncset.done $0x0  }
.LBB2_4:
0x6e: {  	s24 =	sadd.s32 $0x80, s22  }
0x6f: {  	[sflag:s14] =	ssyncadd.s32 $0xFFFFC000;
	s25 =	smov.u32 s23;
	s26 =	sadd.s32 $0x400, s23  }
0x70: {  	[tilespmem:s18], [sflag:$0x2] =	stream.indirect.gather [hbm4b:s4+s16], $0x80, s24, s16, $0xb8;
	[tilespmem:$0x1EC00] =	vst v63  }
0x71: {  	p0 =	sne.s32 s23, $0x4C00;
	_ =	swait.ge [sflag:s19], $0x4000  }
0x72: {  	[sflag:s19] =	ssyncset.done $0x0  }
0x73: {  	s23 =	sadd.s32 $0x1800, s22;
	[sflag:s19] =	ssyncadd.s32 $0xFFFFC000  }
0x74: {  	[spmem:s1] =	stream.indirect.scatter.add.f32 [tilespmem:s17], [sflag:$0x3], $0x80, s23, s16, $0xb8;
	[tilespmem:$0x1EC00] =	vst v63  }
0x75: {  	_ =	swait.ge [sflag:s14], $0x4000  }
0x76: {  	[sflag:s14] =	ssyncset.done $0x0  }
0x77: {  	s23 =	sadd.s32 $0x100, s22;
	[sflag:s14] =	ssyncadd.s32 $0xFFFFC000  }
0x78: {  	[tilespmem:s17], [sflag:$0x1] =	stream.indirect.gather [hbm4b:s4+s16], $0x80, s23, s16, $0xb8;
	[tilespmem:$0x1EC00] =	vst v63  }
0x79: {  	_ =	swait.ge [sflag:s20], $0x4000  }
.Ltmp1:
0x7a: {  	[sflag:s20] =	ssyncset.done $0x0;
	(pc) =	sbr.rel @p0 .LBB2_4-.Ltmp1, $4  }
0x7b: {  	s22 =	sadd.s32 $0x1880, s22;
	[sflag:s20] =	ssyncadd.s32 $0xFFFFC000  }
0x7c: {  	[spmem:s1] =	stream.indirect.scatter.add.f32 [tilespmem:s18], [sflag:$0x3], $0x80, s22, s16, $0xb8;
	[tilespmem:$0x1EC00] =	vst v63  }
0x7d: {  	_ =	swait.ge [sflag:s14], $0x4000  }
0x7e: {  	s23 =	smov.u32 s26;
	s22 =	sshra.s32 s25, $0x2;
	[sflag:s14] =	ssyncset.done $0x0  }
0x7f: {  	s23 =	sadd.s32 $0x80, s22;
	[sflag:s14] =	ssyncadd.s32 $0xFFFFC000  }
0x80: {  	[tilespmem:s18], [sflag:$0x2] =	stream.indirect.gather [hbm4b:s4+s16], $0x80, s23, s16, $0xb8;
	[tilespmem:$0x1EC00] =	vst v63  }
0x81: {  	_ =	swait.ge [sflag:s19], $0x4000  }
0x82: {  	[sflag:s19] =	ssyncset.done $0x0  }
0x83: {  	s29 =	sadd.s32 $0x1800, s22;
	[sflag:s19] =	ssyncadd.s32 $0xFFFFC000  }
0x84: {  	[spmem:s1] =	stream.indirect.scatter.add.f32 [tilespmem:s17], [sflag:$0x3], $0x80, s29, s16, $0xb8;
	[tilespmem:$0x1EC00] =	vst v63  }
0x85: {  	_ =	swait.ge [sflag:s14], $0x4000  }
0x86: {  	[sflag:s14] =	ssyncset.done $0x0  }
0x87: {  	s30 =	sadd.s32 $0x100, s22;
	[sflag:s14] =	ssyncadd.s32 $0xFFFFC000  }
0x88: {  	[tilespmem:s17], [sflag:$0x1] =	stream.indirect.gather [hbm4b:s4+s16], $0x80, s30, s16, $0xb8;
	[tilespmem:$0x1EC00] =	vst v63  }
0x89: {  	_ =	swait.ge [sflag:s20], $0x4000  }
0x8a: {  	[sflag:s20] =	ssyncset.done $0x0  }
0x8b: {  	s31 =	sadd.s32 $0x1880, s22;
	[sflag:s20] =	ssyncadd.s32 $0xFFFFC000  }
0x8c: {  	[spmem:s1] =	stream.indirect.scatter.add.f32 [tilespmem:s18], [sflag:$0x3], $0x80, s31, s16, $0xb8;
	[tilespmem:$0x1EC00] =	vst v63  }
0x8d: {  	_ =	swait.ge [sflag:s14], $0x4000  }
0x8e: {  	[sflag:s14] =	ssyncset.done $0x0  }
0x8f: {  	[sflag:s14] =	ssyncadd.s32 $0xFFFFC000  }
0x90: {  	_ =	swait.ge [sflag:s19], $0x4000  }
0x91: {  	s21 =	sadd.s32 $0x1, s21;
	[sflag:s19] =	ssyncset.done $0x0  }
0x92: {  	p0 =	sne.s32 s21, s12;
	[sflag:s19] =	ssyncadd.s32 $0xFFFFC000  }
.Ltmp2:
0x93: {  	[bflag:$0x0] =	sbarrier.arrive $0xFFFF;
	(pc) =	sbr.rel @p0 .LBB2_1-.Ltmp2, $4  }
0x94: {  	[hbm:s11], [sflag:s6] =	dma.local [spmem:s13], $0x2780  }
0x95: {  	_ =	swait.ge [sflag:s14], $0x2780  }
0x96: {  	[sflag:s14] =	ssyncset.done $0x0  }
0x97: {  	[sflag:s14] =	ssyncadd.s32 $0xFFFFD880  }
0x98: {  	_ =	sfence.sel $0x180000  }
0x99: {  	[bflag:$0x0] =	sbarrier.arrive $0xFFFF  }
0x9a: {  	p0 =	sne.s32 s2, $0x0;
	_ =	strace $0x9000004D  }
0x9b: {  	s0 =	sadd.s32 @!p0 $0x100000, s0;
	[bflag:$0x2] =	sbarrier.arrive $0xFFFF  }
0x9c: {  	[sflag:s0] =	ssyncadd.tile.s32 @!p0 $0x1;
	_ =	shalt  }
.Lfunc_end2:
_tile_overlayer_lowered:
.L_overlay_start_2:
0x9d: {  	(tag) =	ssettag $0x2  }
0x9e: {  	s0 =	rddreg [dreg:$0x0];
	s2 =	stileid.u32  }
0x9f: {  	s1 =	rddreg [dreg:$0x1];
	p0 =	sne.s32 s2, $0x0  }
0xa0: {  	s3 =	rddreg [dreg:$0x2];
	[bflag:$0x3] =	sbarrier.arrive $0xFFFF;
	s2 =	simm.s32 @!p0 $0x1C03  }
0xa1: {  	[timem:s3], [sflag:s2] =	dma.local @!p0 [hbm:s0], s1  }
0xa2: {  	s0 =	simm.s32 @!p0 $0x3  }
0xa3: {  	_ =	swait.ge @!p0 [sflag:s0], s1  }
0xa4: {  	s1 =	ssub.s32 @!p0 $0x0, s1;
	[sflag:s0] =	ssyncset.done @!p0 $0x0  }
0xa5: {  	[sflag:s0] =	ssyncadd.s32 @!p0 s1  }
0xa6: {  	[bflag:$0x3] =	sbarrier.arrive $0xFFFF  }
0xa7: {  	_ =	shalt  }

// kernel: kernel.8.cloned.1.call-start
scs
__scs_entry_jumppad:
0x0: {  	(pc) =	sbr.rel $0x88, $3  }
0x1: {  	(tag) =	ssettag $0x0;
	lr =	simm.s32 $0x1  }
0x2: {  	[smem:$0x3F98] =	sst lr;
	_ =	strace $0xD0000000  }
0x3: {  	_ = 	snop  }
0x4: {  	_ = 	snop  }
0x5: {  	_ = 	snop  }
0x6: {  	_ = 	snop  }
0x7: {  	_ = 	snop  }
__scs_overlays_trampoline_lowered:
0x8: {  	[smem:$0x3FA7] =	sst s0  }
0x9: {  	[smem:$0x3FA8] =	sst s1  }
0xa: {  	[smem:$0x3FA9] =	sst s2  }
0xb: {  	[smem:$0x3FAA] =	sst s3  }
0xc: {  	[smem:$0x3FAB] =	sst s4  }
0xd: {  	[smem:$0x3FAC] =	sst s5  }
0xe: {  	[smem:$0x3FAD] =	sst s6  }
0xf: {  	[smem:$0x3FAE] =	sst s7  }
0x10: {  	[smem:$0x3FAF] =	sst s8  }
0x11: {  	[smem:$0x3FB0] =	sst s9;
	s0 =	simm.s32 @!p0 $0x0  }
0x12: {  	s1 =	sld [smem:$0x3F96];
	s0 =	simm.s32 @p0 $0x1  }
0x13: {  	[smem:$0x3FB1] =	sst s0;
	s0 =	simm.s32 @!p1 $0x0  }
0x14: {  	s2 =	sld [smem:$0x3F95];
	s0 =	simm.s32 @p1 $0x1  }
0x15: {  	[smem:$0x3FB2] =	sst s0;
	s0 =	simm.s32 @!p2 $0x0  }
0x16: {  	s3 =	sld [smem:$0x3FDB];
	s0 =	simm.s32 @p2 $0x1  }
0x17: {  	s4 =	simm.s32 $0x1BF5;
	[smem:$0x3FB4] =	sst s0  }
0x18: {  	s0 =	sld [smem:$0x3F97];
	_ =	swait.ge [sflag:s4], $0x0  }
0x19: {  	s7 =	sld [smem:$0x3F98]  }
0x1a: {  	s8 =	sadd.s32 $0xFFFFE003, lr  }
0x1b: {  	s9 =	sadd.s32 $0xFFFFFEF7, lr;
	s5 =	simm.s32 $0xFFFFFFFF;
	p2 =	slt.u32 s8, $0xFFFFF086  }
0x1c: {  	p1 =	slt.u32 s9, $0xF7A;
	s5 =	simm.s32 @!p2 $0x0  }
0x1d: {  	s5 =	simm.s32 @p1 $0x1;
	p0 =	seq.s32 s7, s2  }
0x1e: {  	s7 =	smul.u32 @!p0 $0xF7A, s2;
	p2 =	seq.s32 @!p0 s5, $0x0  }
0x1f: {  	s9 =	smul.u32 $0xF7A, s1;
	s8 =	simm.s32 @!p0 $0x1BF5;
	p2 =	por !p2, p0  }
0x20: {  	[sflag:s8] =	ssyncset.s32 @!p0 $0xFFFFF086;
	s6 =	sadd.s32 @!p0 s3, s7;
	s7 =	simm.s32 @!p0 $0x108  }
0x21: {  	s3 =	sadd.s32 s3, s9;
	s6 =	sadd.s32 @!p0 $0x88, s6;
	s7 =	simm.s32 @p2 $0x1082  }
0x22: {  	[simem:s7], [sflag:s8] =	dma.local @!p0 [hbm:s6], $0xF7A  }
0x23: {  	s9 =	sor.u32 $0xD0000000, s2;
	s6 =	simm.s32 $0x108;
	_ =	swait.ge @!p0 [sflag:s8], $0x0  }
0x24: {  	s3 =	sadd.s32 $0x88, s3;
	s6 =	simm.s32 @!p1 $0x1082;
	[sflag:s4] =	ssyncset.s32 $0xFFFFF086  }
0x25: {  	[simem:s6], [sflag:s4] =	dma.local [hbm:s3], $0xF7A  }
0x26: {  	[smem:$0x3F98] =	sst s1;
	(tag) =	ssettag s2;
	_ =	strace s9  }
0x27: {  	s1 =	sld [smem:$0x3FA8]  }
0x28: {  	s2 =	sld [smem:$0x3FA9]  }
0x29: {  	s4 =	sld [smem:$0x3FAB]  }
0x2a: {  	p0 =	seq.s32 s5, $0x0;
	s5 =	sld [smem:$0x3FAC]  }
0x2b: {  	s6 =	sld [smem:$0x3FAD]  }
0x2c: {  	s7 =	sld [smem:$0x3FAE]  }
0x2d: {  	s3 =	simm.s32 $0x108;
	s8 =	sld [smem:$0x3FAF]  }
0x2e: {  	s3 =	simm.s32 @!p0 $0x1082;
	s9 =	sld [smem:$0x3FB0]  }
0x2f: {  	lr =	sadd.s32 s0, s3;
	s0 =	sld [smem:$0x3FA7]  }
0x30: {  	s3 =	sld [smem:$0x3FAA]  }
0x31: {  	[smem:$0x3FB3] =	sst s10  }
0x32: {  	s10 =	sld [smem:$0x3FB1];
	_ =	sdelay $0x3  }
0x33: {  	p0 =	seq.s32 s10, $0x1;
	s10 =	sld [smem:$0x3FB3];
	_ =	sdelay $0x3  }
0x34: {  	[smem:$0x3FB3] =	sst s10  }
0x35: {  	s10 =	sld [smem:$0x3FB2];
	_ =	sdelay $0x3  }
0x36: {  	p1 =	seq.s32 s10, $0x1;
	s10 =	sld [smem:$0x3FB3];
	_ =	sdelay $0x3  }
0x37: {  	[smem:$0x3FB3] =	sst s10  }
0x38: {  	s10 =	sld [smem:$0x3FB4]  }
0x39: {  	_ = 	snop;
	(pc) =	sbr.ind lr, $3  }
0x3a: {  	_ = 	snop  }
0x3b: {  	_ = 	snop  }
0x3c: {  	p2 =	seq.s32 s10, $0x1;
	s10 =	sld [smem:$0x3FB3]  }
0x3d: {  	_ =	shalt  }
0x3e: {  	_ =	shalt  }
0x3f: {  	_ =	shalt  }
0x40: {  	_ =	shalt  }
0x41: {  	_ =	shalt  }
0x42: {  	_ =	shalt  }
0x43: {  	_ =	shalt  }
0x44: {  	_ =	shalt  }
0x45: {  	_ =	shalt  }
0x46: {  	_ =	shalt  }
0x47: {  	_ =	shalt  }
0x48: {  	_ =	shalt  }
0x49: {  	_ =	shalt  }
0x4a: {  	_ =	shalt  }
0x4b: {  	_ =	shalt  }
0x4c: {  	_ =	shalt  }
0x4d: {  	_ =	shalt  }
0x4e: {  	_ =	shalt  }
0x4f: {  	_ =	shalt  }
0x50: {  	_ =	shalt  }
0x51: {  	_ =	shalt  }
0x52: {  	_ =	shalt  }
0x53: {  	_ =	shalt  }
0x54: {  	_ =	shalt  }
0x55: {  	_ =	shalt  }
0x56: {  	_ =	shalt  }
0x57: {  	_ =	shalt  }
0x58: {  	_ =	shalt  }
0x59: {  	_ =	shalt  }
0x5a: {  	_ =	shalt  }
0x5b: {  	_ =	shalt  }
0x5c: {  	_ =	shalt  }
0x5d: {  	_ =	shalt  }
0x5e: {  	_ =	shalt  }
0x5f: {  	_ =	shalt  }
0x60: {  	_ =	shalt  }
0x61: {  	_ =	shalt  }
0x62: {  	_ =	shalt  }
0x63: {  	_ =	shalt  }
0x64: {  	_ =	shalt  }
0x65: {  	_ =	shalt  }
0x66: {  	_ =	shalt  }
0x67: {  	_ =	shalt  }
0x68: {  	_ =	shalt  }
0x69: {  	_ =	shalt  }
0x6a: {  	_ =	shalt  }
0x6b: {  	_ =	shalt  }
0x6c: {  	_ =	shalt  }
0x6d: {  	_ =	shalt  }
0x6e: {  	_ =	shalt  }
0x6f: {  	_ =	shalt  }
0x70: {  	_ =	shalt  }
0x71: {  	_ =	shalt  }
0x72: {  	_ =	shalt  }
0x73: {  	_ =	shalt  }
0x74: {  	_ =	shalt  }
0x75: {  	_ =	shalt  }
0x76: {  	_ =	shalt  }
0x77: {  	_ =	shalt  }
0x78: {  	_ =	shalt  }
0x79: {  	_ =	shalt  }
0x7a: {  	_ =	shalt  }
0x7b: {  	_ =	shalt  }
0x7c: {  	_ =	shalt  }
0x7d: {  	_ =	shalt  }
0x7e: {  	_ =	shalt  }
0x7f: {  	_ =	shalt  }
0x80: {  	_ =	shalt  }
0x81: {  	_ =	shalt  }
0x82: {  	_ =	shalt  }
0x83: {  	_ =	shalt  }
0x84: {  	_ =	shalt  }
0x85: {  	_ =	shalt  }
0x86: {  	_ =	shalt  }
0x87: {  	_ =	shalt  }
.Lfunc_end0:
.L_simem_size_0:
called_computation_lowered:
.L_overlay_start_0:
0x88: {  	s2 =	sld [smem:$0x3FD9]  }
0x89: {  	s3 =	sld [smem:$0x3FFE];
	_ =	sdelay $0x1  }
0x8a: {  	s1 =	srdreg.scid  }
0x8b: {  	s0 =	sand.u32 $0x1, s1  }
0x8c: {  	s16 =	sshll.u32 s0, $0xA;
	s2 =	sadd.s32 s3, s2  }
0x8d: {  	s2 =	sadd.s32 s2, s16  }
0x8e: {  	[smem:$0x3FBF] =	sst s2  }
0x8f: {  	_ = 	snop  }
0x90: {  	(tm) =	ssettm $0x1  }
0x91: {  	s17 =	sld [smem:$0x3FFB];
	_ =	sdelay $0x3  }
0x92: {  	_ =	strace s17  }
0x93: {  	s2 =	sld [smem:$0x3FFC];
	_ =	sdelay $0x3  }
0x94: {  	_ =	strace s2  }
0x95: {  	s2 =	sld [smem:$0x3FFD];
	_ =	sdelay $0x3  }
0x96: {  	_ =	strace s2  }
0x97: {  	_ =	strace $0x8FFFFFFF  }
0x98: {  	s18 =	sld [smem:$0x3FDB];
	_ =	sdelay $0x1  }
0x99: {  	s19 =	simm.s32 $_scs_section_size  }
0x9a: {  	s4 =	simm.s32 $_size__tile_overlayer_lowered;
	s5 =	simm.s32 $_tile_overlayer_lowered  }
0x9b: {  	s22 =	simm.s32 $0x1BFF;
	s21 =	sshll.u32 s5, $0x1;
	s2 =	sadd.s32 s19, s18  }
0x9c: {  	s6 =	simm.s32 $0x0;
	s20 =	sshll.u32 s4, $0x1;
	s4 =	sadd.s32 s21, s2  }
0x9d: {  	[timem:s6], [sflag:s22] =	dma.local [hbm:s4], s20  }
0x9e: {  	_ =	swait.ge [sflag:s22], s20  }
0x9f: {  	s3 =	ssub.s32 $0x0, s20;
	[sflag:s22] =	ssyncset.done $0x0  }
0xa0: {  	[sflag:s22] =	ssyncadd.s32 s3;
	_ =	sdelay $0x1  }
0xa1: {  	s23 =	simm.s32 $0x1B8B  }
0xa2: {  	_ =	swait.ge [sflag:s23], $0x1  }
0xa3: {  	[sflag:s23] =	ssyncset.done $0x0  }
0xa4: {  	s25 =	simm.s32 $0x1B8E;
	s24 =	sld [smem:$0x3FFE];
	[sflag:s23] =	ssyncadd.s32 $0xFFFFFFFF  }
0xa5: {  	s26 =	simm.s32 $execute0_lowered;
	[smem:$0x3FD2] =	sst s25  }
0xa6: {  	s4 =	sshll.u32 s26, $0x1;
	_ =	strace $0x80000046;
	[dreg:$0x1] =	wrdreg $0xFFFFFFFF  }
0xa7: {  	s28 =	simm.s32 $_size_execute0_lowered;
	s2 =	sadd.s32 s2, s4;
	[dreg:$0x0] =	wrdreg $0x0  }
0xa8: {  	s4 =	sshll.u32 s28, $0x1;
	[dreg:$0x2] =	wrdreg s2  }
0xa9: {  	[dreg:$0x3] =	wrdreg s4  }
0xaa: {  	[dreg:$0x4] =	wrdreg $0xC0  }
0xab: {  	_ =	task [dreg:s6], $0x5FFFF  }
0xac: {  	[dreg:$0x1] =	wrdreg $0xFFFFFFFF  }
0xad: {  	[dreg:$0x0] =	wrdreg $0x60  }
0xae: {  	[dreg:$0x2] =	wrdreg s24  }
0xaf: {  	[dreg:$0x3] =	wrdreg $0x6C000  }
0xb0: {  	[dreg:$0x4] =	wrdreg $0x9  }
0xb1: {  	_ =	task.clear_ibuf [dreg:s6], $0x5FFFF;
	_ =	strace $0x90000046  }
0xb2: {  	s29 =	simm.s32 $0x9;
	_ =	strace $0x80000048  }
0xb3: {  	_ =	swait.ge [sflag:s29], $0x1  }
0xb4: {  	[sflag:s29] =	ssyncadd.s32 $0xFFFFFFFF  }
0xb5: {  	_ =	strace $0x90000048  }
0xb6: {  	_ =	sfence  }
0xb7: {  	s30 =	sld [smem:$0x0];
	_ =	sdelay $0x2  }
0xb8: {  	s31 =	sshll.u32 s1, $0xD;
	s1 =	sshrl.u32 s1, $0x2  }
0xb9: {  	s3 =	sand.u32 $0x4000, s31;
	s1 =	sadd.s32 s1, s30  }
0xba: {  	s0 =	sor.u32 s3, s0;
	s1 =	sshll.u32 s1, $0x11  }
0xbb: {  	s0 =	sor.u32 s1, s0  }
0xbc: {  	s0 =	sadd.s32 $0x8F2B, s0  }
0xbd: {  	[sflag:s0] =	ssyncadd.remote.s32 $0x1  }
0xbe: {  	_ =	sfence.sel $0xFFFF  }
0xbf: {  	[dreg:$0x0] =	wrdreg $0xFFFFFFFF;
	(pc) =	sbr.abs _section_cstart, $3  }
0xc0: {  	[dreg:$0x1] =	wrdreg $0xFFFFFFFF  }
0xc1: {  	_ =	task.clear_ibuf [dreg:s6], $0x2FFFF;
	_ =	strace $0x9FFFFFFF  }
0xc2: {  	(tm) =	ssettm $0x7FFFFFFF  }
0xc3: {  	_ =	shalt  }
tec
execute0_lowered:
.L_overlay_start_1:
0x0: {  	(tag) =	ssettag $0x1  }
0x1: {  	s7 =	rddreg [dreg:$0x0]  }
0x2: {  	s0 =	srdreg.scid;
	s2 =	rddreg [dreg:$0x1];
	s3 =	simm.s32 $0x0  }
0x3: {  	s13 =	simm.s32 $0x80;
	s14 =	simm.s32 $0x100;
	s15 =	simm.s32 $0x180  }
0x4: {  	s16 =	simm.s32 $0x200;
	s17 =	simm.s32 $0x280;
	s18 =	simm.s32 $0x300  }
0x5: {  	s19 =	simm.s32 $0x380;
	s20 =	simm.s32 $0x1;
	s6 =	sand.u32 $0x1, s0  }
0x6: {  	s21 =	simm.s32 $0x0;
	s0 =	stileid.u32;
	s5 =	smul.u32 $0x13C000, s6  }
0x7: {  	[smem:$0x7FF] =	sst s3;
	s1 =	sshll.u32 s6, $0x4;
	s8 =	smul.u32 $0x13C00, s0  }
0x8: {  	s10 =	smul.u32 $0x4F000, s0;
	s6 =	ssub.s32 $0x2, s6;
	s1 =	sor.u32 s0, s1  }
0x9: {  	s11 =	sshll.u32 s0, $0x6;
	s31 =	sshrl.u32 s6, $0x1;
	s4 =	smul.u32 $0x580, s1  }
0xa: {  	s1 =	rddreg [dreg:$0x2];
	_ =	strace $0x80000047;
	s5 =	sadd.s32 s8, s5  }
0xb: {  	s10 =	sshrl.u32 s10, $0x2;
	s12 =	ssub.s32 s6, s31;
	s6 =	sor.u32 $0x1C02, s11  }
0xc: {  	s11 =	simm.s32 $0x2;
	s8 =	sshrl.u32 s5, $0x3;
	s5 =	sadd.s32 $0xDE00, s7  }
0xd: {  	s10 =	sadd.s32 s10, s2;
	s9 =	sadd.s32 s4, s7;
	s4 =	sadd.s32 $0x10600, s7  }
0xe: {  	s8 =	sadd.s32 s8, s7;
	s10 =	sshrl.u32 s10, $0x3;
	s7 =	sadd.s32 $0x2E00, s9  }
0xf: {  	s8 =	sadd.s32 $0x10E00, s8;
	s9 =	smax.u32 s12, $0x1;
	s12 =	simm.s32 $0x2C00  }
.LBB2_1:
0x10: {  	[spmem:s10], [sflag:s6] =	dma.local [hbm:s5], $0x2780  }
0x11: {  	_ =	swait.ge [sflag:s11], $0x2780  }
0x12: {  	[sflag:s11] =	ssyncset.done $0x0  }
0x13: {  	[sflag:s11] =	ssyncadd.s32 $0xFFFFD880  }
0x14: {  	[tilespmem:s3], [sflag:$0x2] =	stream.linear.gather [hbm4b:s7+s3], $0x2C00, $0x38;
	[tilespmem:$0x1A800] =	vst v63  }
0x15: {  	_ =	swait.ge [sflag:s11], $0x2C00  }
0x16: {  	[sflag:s11] =	ssyncset.done $0x0  }
0x17: {  	[sflag:s11] =	ssyncadd.s32 $0xFFFFD400  }
0x18: {  	[tilespmem:s12], [sflag:$0x2] =	stream.linear.gather [hbm4b:s4+s3], $0x4000, $0x38;
	[tilespmem:$0x1A800] =	vst v63  }
0x19: {  	_ =	swait.ge [sflag:s11], $0x4000  }
0x1a: {  	[sflag:s11] =	ssyncset.done $0x0  }
0x1b: {  	[sflag:s11] =	ssyncadd.s32 $0xFFFFC000  }
0x1c: {  	[bflag:$0x0] =	sbarrier.arrive $0xFFFF  }
0x1d: {  	[spmem:s2] =	stream.indirect.scatter.add.f32 [tilespmem:s12], [sflag:$0x1], $0x80, s3, s13, $0xb8;
	[tilespmem:$0x1A800] =	vst v63  }
0x1e: {  	_ = 	snop  }
0x1f: {  	[spmem:s2] =	stream.indirect.scatter.add.f32 [tilespmem:s12], [sflag:$0x1], $0x80, s13, s13, $0xb8;
	[tilespmem:$0x1A800] =	vst v63  }
0x20: {  	_ = 	snop  }
0x21: {  	[spmem:s2] =	stream.indirect.scatter.add.f32 [tilespmem:s12], [sflag:$0x1], $0x80, s14, s13, $0xb8;
	[tilespmem:$0x1A800] =	vst v63  }
0x22: {  	_ = 	snop  }
0x23: {  	[spmem:s2] =	stream.indirect.scatter.add.f32 [tilespmem:s12], [sflag:$0x1], $0x80, s15, s13, $0xb8;
	[tilespmem:$0x1A800] =	vst v63  }
0x24: {  	_ = 	snop  }
0x25: {  	[spmem:s2] =	stream.indirect.scatter.add.f32 [tilespmem:s12], [sflag:$0x1], $0x80, s16, s13, $0xb8;
	[tilespmem:$0x1A800] =	vst v63  }
0x26: {  	_ = 	snop  }
0x27: {  	[spmem:s2] =	stream.indirect.scatter.add.f32 [tilespmem:s12], [sflag:$0x1], $0x80, s17, s13, $0xb8;
	[tilespmem:$0x1A800] =	vst v63  }
0x28: {  	_ = 	snop  }
0x29: {  	[spmem:s2] =	stream.indirect.scatter.add.f32 [tilespmem:s12], [sflag:$0x1], $0x80, s18, s13, $0xb8;
	[tilespmem:$0x1A800] =	vst v63  }
0x2a: {  	_ = 	snop  }
0x2b: {  	[spmem:s2] =	stream.indirect.scatter.add.f32 [tilespmem:s12], [sflag:$0x1], $0x80, s19, s13, $0xb8;
	[tilespmem:$0x1A800] =	vst v63  }
0x2c: {  	s22 =	simm.s32 $0x400  }
0x2d: {  	[spmem:s2] =	stream.indirect.scatter.add.f32 [tilespmem:s12], [sflag:$0x1], $0x80, s22, s13, $0xb8;
	[tilespmem:$0x1A800] =	vst v63  }
0x2e: {  	s24 =	simm.s32 $0x480  }
0x2f: {  	[spmem:s2] =	stream.indirect.scatter.add.f32 [tilespmem:s12], [sflag:$0x1], $0x80, s24, s13, $0xb8;
	[tilespmem:$0x1A800] =	vst v63  }
0x30: {  	s25 =	simm.s32 $0x500  }
0x31: {  	[spmem:s2] =	stream.indirect.scatter.add.f32 [tilespmem:s12], [sflag:$0x1], $0x80, s25, s13, $0xb8;
	[tilespmem:$0x1A800] =	vst v63  }
0x32: {  	s26 =	simm.s32 $0x580  }
0x33: {  	[spmem:s2] =	stream.indirect.scatter.add.f32 [tilespmem:s12], [sflag:$0x1], $0x80, s26, s13, $0xb8;
	[tilespmem:$0x1A800] =	vst v63  }
0x34: {  	s28 =	simm.s32 $0x600  }
0x35: {  	[spmem:s2] =	stream.indirect.scatter.add.f32 [tilespmem:s12], [sflag:$0x1], $0x80, s28, s13, $0xb8;
	[tilespmem:$0x1A800] =	vst v63  }
0x36: {  	s29 =	simm.s32 $0x680  }
0x37: {  	[spmem:s2] =	stream.indirect.scatter.add.f32 [tilespmem:s12], [sflag:$0x1], $0x80, s29, s13, $0xb8;
	[tilespmem:$0x1A800] =	vst v63  }
0x38: {  	s30 =	simm.s32 $0x700  }
0x39: {  	[spmem:s2] =	stream.indirect.scatter.add.f32 [tilespmem:s12], [sflag:$0x1], $0x80, s30, s13, $0xb8;
	[tilespmem:$0x1A800] =	vst v63  }
0x3a: {  	s31 =	simm.s32 $0x780  }
0x3b: {  	[spmem:s2] =	stream.indirect.scatter.add.f32 [tilespmem:s12], [sflag:$0x1], $0x80, s31, s13, $0xb8;
	[tilespmem:$0x1A800] =	vst v63  }
0x3c: {  	_ =	swait.ge [sflag:s20], $0x4000  }
0x3d: {  	[sflag:s20] =	ssyncset.done $0x0  }
0x3e: {  	[sflag:s20] =	ssyncadd.s32 $0xFFFFC000  }
0x3f: {  	_ =	swait.ge [sflag:s20], $0x4000  }
0x40: {  	[sflag:s20] =	ssyncset.done $0x0  }
0x41: {  	[sflag:s20] =	ssyncadd.s32 $0xFFFFC000  }
0x42: {  	_ =	swait.ge [sflag:s20], $0x4000  }
0x43: {  	[sflag:s20] =	ssyncset.done $0x0  }
0x44: {  	[sflag:s20] =	ssyncadd.s32 $0xFFFFC000  }
0x45: {  	_ =	swait.ge [sflag:s20], $0x4000  }
0x46: {  	[sflag:s20] =	ssyncset.done $0x0  }
0x47: {  	[sflag:s20] =	ssyncadd.s32 $0xFFFFC000  }
0x48: {  	_ =	swait.ge [sflag:s20], $0x4000  }
0x49: {  	[sflag:s20] =	ssyncset.done $0x0  }
0x4a: {  	[sflag:s20] =	ssyncadd.s32 $0xFFFFC000  }
0x4b: {  	_ =	swait.ge [sflag:s20], $0x4000  }
0x4c: {  	[sflag:s20] =	ssyncset.done $0x0  }
0x4d: {  	[sflag:s20] =	ssyncadd.s32 $0xFFFFC000  }
0x4e: {  	_ =	swait.ge [sflag:s20], $0x4000  }
0x4f: {  	[sflag:s20] =	ssyncset.done $0x0  }
0x50: {  	[sflag:s20] =	ssyncadd.s32 $0xFFFFC000  }
0x51: {  	_ =	swait.ge [sflag:s20], $0x4000  }
0x52: {  	s24 =	simm.s32 $0x400;
	s25 =	simm.s32 $0x2000;
	[sflag:s20] =	ssyncset.done $0x0  }
.LBB2_2:
0x53: {  	s26 =	sadd.s32 $0x400, s24  }
0x54: {  	[sflag:s20] =	ssyncadd.s32 $0xFFFFC000;
	s23 =	smov.u32 s25;
	s22 =	sadd.s32 $0x1000, s25  }
0x55: {  	[spmem:s2] =	stream.indirect.scatter.add.f32 [tilespmem:s12], [sflag:$0x1], $0x80, s26, s13, $0xb8;
	[tilespmem:$0x1A800] =	vst v63  }
0x56: {  	p0 =	sne.s32 s25, $0x8000;
	s25 =	sadd.s32 $0x480, s24  }
0x57: {  	[spmem:s2] =	stream.indirect.scatter.add.f32 [tilespmem:s12], [sflag:$0x1], $0x80, s25, s13, $0xb8;
	[tilespmem:$0x1A800] =	vst v63  }
0x58: {  	s25 =	sadd.s32 $0x500, s24  }
0x59: {  	[spmem:s2] =	stream.indirect.scatter.add.f32 [tilespmem:s12], [sflag:$0x1], $0x80, s25, s13, $0xb8;
	[tilespmem:$0x1A800] =	vst v63  }
0x5a: {  	s25 =	sadd.s32 $0x580, s24  }
0x5b: {  	[spmem:s2] =	stream.indirect.scatter.add.f32 [tilespmem:s12], [sflag:$0x1], $0x80, s25, s13, $0xb8;
	[tilespmem:$0x1A800] =	vst v63  }
0x5c: {  	s25 =	sadd.s32 $0x600, s24  }
0x5d: {  	[spmem:s2] =	stream.indirect.scatter.add.f32 [tilespmem:s12], [sflag:$0x1], $0x80, s25, s13, $0xb8;
	[tilespmem:$0x1A800] =	vst v63  }
0x5e: {  	s25 =	sadd.s32 $0x680, s24  }
0x5f: {  	[spmem:s2] =	stream.indirect.scatter.add.f32 [tilespmem:s12], [sflag:$0x1], $0x80, s25, s13, $0xb8;
	[tilespmem:$0x1A800] =	vst v63  }
0x60: {  	s25 =	sadd.s32 $0x700, s24  }
0x61: {  	[spmem:s2] =	stream.indirect.scatter.add.f32 [tilespmem:s12], [sflag:$0x1], $0x80, s25, s13, $0xb8;
	[tilespmem:$0x1A800] =	vst v63  }
0x62: {  	s24 =	sadd.s32 $0x780, s24  }
0x63: {  	[spmem:s2] =	stream.indirect.scatter.add.f32 [tilespmem:s12], [sflag:$0x1], $0x80, s24, s13, $0xb8;
	[tilespmem:$0x1A800] =	vst v63  }
0x64: {  	_ =	swait.ge [sflag:s20], $0x4000  }
0x65: {  	[sflag:s20] =	ssyncset.done $0x0  }
0x66: {  	[sflag:s20] =	ssyncadd.s32 $0xFFFFC000  }
0x67: {  	_ =	swait.ge [sflag:s20], $0x4000  }
0x68: {  	[sflag:s20] =	ssyncset.done $0x0  }
0x69: {  	[sflag:s20] =	ssyncadd.s32 $0xFFFFC000  }
0x6a: {  	_ =	swait.ge [sflag:s20], $0x4000  }
0x6b: {  	[sflag:s20] =	ssyncset.done $0x0  }
0x6c: {  	[sflag:s20] =	ssyncadd.s32 $0xFFFFC000  }
0x6d: {  	_ =	swait.ge [sflag:s20], $0x4000  }
0x6e: {  	[sflag:s20] =	ssyncset.done $0x0  }
0x6f: {  	[sflag:s20] =	ssyncadd.s32 $0xFFFFC000  }
0x70: {  	_ =	swait.ge [sflag:s20], $0x4000  }
0x71: {  	[sflag:s20] =	ssyncset.done $0x0  }
0x72: {  	[sflag:s20] =	ssyncadd.s32 $0xFFFFC000  }
0x73: {  	_ =	swait.ge [sflag:s20], $0x4000  }
0x74: {  	[sflag:s20] =	ssyncset.done $0x0  }
0x75: {  	[sflag:s20] =	ssyncadd.s32 $0xFFFFC000  }
.Ltmp0:
0x76: {  	_ =	swait.ge [sflag:s20], $0x4000;
	(pc) =	sbr.rel @p0 .LBB2_2-.Ltmp0, $4  }
0x77: {  	[sflag:s20] =	ssyncset.done $0x0  }
0x78: {  	[sflag:s20] =	ssyncadd.s32 $0xFFFFC000  }
0x79: {  	_ =	swait.ge [sflag:s20], $0x4000  }
0x7a: {  	s25 =	smov.u32 s22;
	s24 =	sshra.s32 s23, $0x2;
	[sflag:s20] =	ssyncset.done $0x0  }
0x7b: {  	s22 =	sadd.s32 $0x400, s24;
	[sflag:s20] =	ssyncadd.s32 $0xFFFFC000  }
0x7c: {  	[spmem:s2] =	stream.indirect.scatter.add.f32 [tilespmem:s12], [sflag:$0x1], $0x80, s22, s13, $0xb8;
	[tilespmem:$0x1A800] =	vst v63  }
0x7d: {  	s23 =	sadd.s32 $0x480, s24  }
0x7e: {  	[spmem:s2] =	stream.indirect.scatter.add.f32 [tilespmem:s12], [sflag:$0x1], $0x80, s23, s13, $0xb8;
	[tilespmem:$0x1A800] =	vst v63  }
0x7f: {  	s25 =	sadd.s32 $0x500, s24  }
0x80: {  	[spmem:s2] =	stream.indirect.scatter.add.f32 [tilespmem:s12], [sflag:$0x1], $0x80, s25, s13, $0xb8;
	[tilespmem:$0x1A800] =	vst v63  }
0x81: {  	s26 =	sadd.s32 $0x580, s24  }
0x82: {  	[spmem:s2] =	stream.indirect.scatter.add.f32 [tilespmem:s12], [sflag:$0x1], $0x80, s26, s13, $0xb8;
	[tilespmem:$0x1A800] =	vst v63  }
0x83: {  	s28 =	sadd.s32 $0x600, s24  }
0x84: {  	[spmem:s2] =	stream.indirect.scatter.add.f32 [tilespmem:s12], [sflag:$0x1], $0x80, s28, s13, $0xb8;
	[tilespmem:$0x1A800] =	vst v63  }
0x85: {  	s29 =	sadd.s32 $0x680, s24  }
0x86: {  	[spmem:s2] =	stream.indirect.scatter.add.f32 [tilespmem:s12], [sflag:$0x1], $0x80, s29, s13, $0xb8;
	[tilespmem:$0x1A800] =	vst v63  }
0x87: {  	s30 =	sadd.s32 $0x700, s24  }
0x88: {  	[spmem:s2] =	stream.indirect.scatter.add.f32 [tilespmem:s12], [sflag:$0x1], $0x80, s30, s13, $0xb8;
	[tilespmem:$0x1A800] =	vst v63  }
0x89: {  	s31 =	sadd.s32 $0x780, s24  }
0x8a: {  	[spmem:s2] =	stream.indirect.scatter.add.f32 [tilespmem:s12], [sflag:$0x1], $0x80, s31, s13, $0xb8;
	[tilespmem:$0x1A800] =	vst v63  }
0x8b: {  	_ =	swait.ge [sflag:s20], $0x4000  }
0x8c: {  	[sflag:s20] =	ssyncset.done $0x0  }
0x8d: {  	[sflag:s20] =	ssyncadd.s32 $0xFFFFC000  }
0x8e: {  	_ =	swait.ge [sflag:s20], $0x4000  }
0x8f: {  	[sflag:s20] =	ssyncset.done $0x0  }
0x90: {  	[sflag:s20] =	ssyncadd.s32 $0xFFFFC000  }
0x91: {  	_ =	swait.ge [sflag:s20], $0x4000  }
0x92: {  	[sflag:s20] =	ssyncset.done $0x0  }
0x93: {  	[sflag:s20] =	ssyncadd.s32 $0xFFFFC000  }
0x94: {  	_ =	swait.ge [sflag:s20], $0x4000  }
0x95: {  	[sflag:s20] =	ssyncset.done $0x0  }
0x96: {  	[sflag:s20] =	ssyncadd.s32 $0xFFFFC000  }
0x97: {  	_ =	swait.ge [sflag:s20], $0x4000  }
0x98: {  	[sflag:s20] =	ssyncset.done $0x0  }
0x99: {  	[sflag:s20] =	ssyncadd.s32 $0xFFFFC000  }
0x9a: {  	_ =	swait.ge [sflag:s20], $0x4000  }
0x9b: {  	[sflag:s20] =	ssyncset.done $0x0  }
0x9c: {  	[sflag:s20] =	ssyncadd.s32 $0xFFFFC000  }
0x9d: {  	_ =	swait.ge [sflag:s20], $0x4000  }
0x9e: {  	[sflag:s20] =	ssyncset.done $0x0  }
0x9f: {  	[sflag:s20] =	ssyncadd.s32 $0xFFFFC000  }
0xa0: {  	_ =	swait.ge [sflag:s20], $0x4000  }
0xa1: {  	[sflag:s20] =	ssyncset.done $0x0  }
0xa2: {  	[sflag:s20] =	ssyncadd.s32 $0xFFFFC000  }
0xa3: {  	_ =	swait.ge [sflag:s20], $0x4000  }
0xa4: {  	[sflag:s20] =	ssyncset.done $0x0  }
0xa5: {  	[sflag:s20] =	ssyncadd.s32 $0xFFFFC000  }
0xa6: {  	_ =	swait.ge [sflag:s20], $0x4000  }
0xa7: {  	[sflag:s20] =	ssyncset.done $0x0  }
0xa8: {  	[sflag:s20] =	ssyncadd.s32 $0xFFFFC000  }
0xa9: {  	_ =	swait.ge [sflag:s20], $0x4000  }
0xaa: {  	[sflag:s20] =	ssyncset.done $0x0  }
0xab: {  	[sflag:s20] =	ssyncadd.s32 $0xFFFFC000  }
0xac: {  	_ =	swait.ge [sflag:s20], $0x4000  }
0xad: {  	[sflag:s20] =	ssyncset.done $0x0  }
0xae: {  	[sflag:s20] =	ssyncadd.s32 $0xFFFFC000  }
0xaf: {  	_ =	swait.ge [sflag:s20], $0x4000  }
0xb0: {  	[sflag:s20] =	ssyncset.done $0x0  }
0xb1: {  	[sflag:s20] =	ssyncadd.s32 $0xFFFFC000  }
0xb2: {  	_ =	swait.ge [sflag:s20], $0x4000  }
0xb3: {  	[sflag:s20] =	ssyncset.done $0x0  }
0xb4: {  	[sflag:s20] =	ssyncadd.s32 $0xFFFFC000  }
0xb5: {  	_ =	swait.ge [sflag:s20], $0x4000  }
0xb6: {  	[sflag:s20] =	ssyncset.done $0x0  }
0xb7: {  	[sflag:s20] =	ssyncadd.s32 $0xFFFFC000  }
0xb8: {  	_ =	swait.ge [sflag:s20], $0x4000  }
0xb9: {  	s21 =	sadd.s32 $0x1, s21;
	[sflag:s20] =	ssyncset.done $0x0  }
0xba: {  	p0 =	sne.s32 s21, s9;
	[sflag:s20] =	ssyncadd.s32 $0xFFFFC000  }
.Ltmp1:
0xbb: {  	[bflag:$0x0] =	sbarrier.arrive $0xFFFF;
	(pc) =	sbr.rel @p0 .LBB2_1-.Ltmp1, $4  }
0xbc: {  	[hbm:s8], [sflag:s6] =	dma.local [spmem:s10], $0x2780  }
0xbd: {  	_ =	swait.ge [sflag:s11], $0x2780  }
0xbe: {  	[sflag:s11] =	ssyncset.done $0x0  }
0xbf: {  	[sflag:s11] =	ssyncadd.s32 $0xFFFFD880  }
0xc0: {  	_ =	sfence.sel $0x180000  }
0xc1: {  	[bflag:$0x0] =	sbarrier.arrive $0xFFFF  }
0xc2: {  	p0 =	sne.s32 s0, $0x0;
	_ =	strace $0x90000047  }
0xc3: {  	s0 =	sadd.s32 @!p0 $0x100000, s1;
	[bflag:$0x2] =	sbarrier.arrive $0xFFFF  }
0xc4: {  	[sflag:s0] =	ssyncadd.tile.s32 @!p0 $0x1;
	_ =	shalt  }
.Lfunc_end2:
_tile_overlayer_lowered:
.L_overlay_start_2:
0xc5: {  	(tag) =	ssettag $0x2  }
0xc6: {  	s0 =	rddreg [dreg:$0x0];
	s2 =	stileid.u32  }
0xc7: {  	s1 =	rddreg [dreg:$0x1];
	p0 =	sne.s32 s2, $0x0  }
0xc8: {  	s3 =	rddreg [dreg:$0x2];
	[bflag:$0x3] =	sbarrier.arrive $0xFFFF;
	s2 =	simm.s32 @!p0 $0x1C02  }
0xc9: {  	[timem:s3], [sflag:s2] =	dma.local @!p0 [hbm:s0], s1  }
0xca: {  	s0 =	simm.s32 @!p0 $0x2  }
0xcb: {  	_ =	swait.ge @!p0 [sflag:s0], s1  }
0xcc: {  	s1 =	ssub.s32 @!p0 $0x0, s1;
	[sflag:s0] =	ssyncset.done @!p0 $0x0  }
0xcd: {  	[sflag:s0] =	ssyncadd.s32 @!p0 s1  }
0xce: {  	[bflag:$0x3] =	sbarrier.arrive $0xFFFF  }
0xcf: {  	_ =	shalt  }

</sc_bundles>
